<compile_context>
chip_gen: v7x
topology: tpu7x:2x2x1
jax: 0.10.2.dev20260603
libtpu: 0.0.44.dev20260713+nightly
codegen_flags: <defaults>
</compile_context>

<pallas_src>
import functools

import jax
import jax.numpy as jnp
from jax import lax
from jax.experimental import pallas as pl
from jax.experimental.pallas import tpu as pltpu
from jax.experimental.pallas import tpu_sc as plsc

_VOCAB = 1000000
_EMB_DIM = 64
_SEQ_LEN = 200
_BATCH = 4096
_PAD = 0

_B = _SEQ_LEN * _BATCH
_NW = 32
_PER_W = _B // _NW
_CHUNK = 128
_NCHUNK = _PER_W // _CHUNK
_R = 8
_G = 4


def _emb_body(idx_hbm, w_hbm, out_hbm, idxall, rows, *sems):
    gsem = sems[:_R]
    osem = sems[_R:]
    wid = lax.axis_index("s") * 2 + lax.axis_index("c")
    chunk0 = wid * _NCHUNK
    obase = wid * _PER_W

    pltpu.sync_copy(idx_hbm.at[pl.ds(chunk0, _NCHUNK)], idxall)

    def gather(k, slot):
        return pltpu.async_copy(w_hbm.at[idxall.at[k]], rows.at[slot],
                                gsem[slot])

    def wait_gather(slot):
        pltpu.make_async_copy(w_hbm.at[idxall.at[0]], rows.at[slot],
                              gsem[slot]).wait()

    def store(j, slot):
        base = obase + j * _CHUNK
        pltpu.async_copy(rows.at[slot],
                         out_hbm.at[base >> 12, pl.ds(base & 4095, _CHUNK)],
                         osem[slot])

    def wait_store(slot):
        pltpu.make_async_copy(rows.at[slot],
                              out_hbm.at[0, pl.ds(0, _CHUNK)],
                              osem[slot]).wait()

    for k in range(_G):
        gather(k, k)

    def group_body(g, carry):
        for s in range(_R):
            j = g * _R + s
            wait_gather(s)

            mn = idxall[j, pl.ds(0, 16)]
            for v in range(1, 8):
                mn = jnp.minimum(mn, idxall[j, pl.ds(v * 16, 16)])
            smin = mn[0]
            for l in range(1, 16):
                smin = jnp.minimum(smin, mn[l])

            @pl.when(smin == _PAD)
            def _fix(j=j, s=s):
                zeros16 = jnp.zeros((16,), jnp.float32)

                def row_body(r, c2):
                    iv = idxall[j, pl.ds(r, 16)]

                    @pl.when(iv[0] == _PAD)
                    def _z():
                        for c in range(_EMB_DIM // 16):
                            rows[s, r, pl.ds(c * 16, 16)] = zeros16
                    return c2

                lax.fori_loop(0, _CHUNK, row_body, 0)

            store(j, s)

            k = j + _G
            sk = (s + _G) % _R
            if s < _G:
                @pl.when(k >= _R)
                def _w(sk=sk):
                    wait_store(sk)
                gather(k, sk)
            else:
                @pl.when(k < _NCHUNK)
                def _wg(k=k, sk=sk):
                    wait_store(sk)
                    gather(k, sk)
        return carry

    lax.fori_loop(0, _NCHUNK // _R, group_body, 0)

    for s in range(_R):
        wait_store(s)


@functools.partial(jax.jit, static_argnums=())
def _emb(idx2d, w):
    mesh = plsc.VectorSubcoreMesh(core_axis_name="c", subcore_axis_name="s")
    f = pl.kernel(
        _emb_body,
        out_type=jax.ShapeDtypeStruct((_SEQ_LEN, _BATCH, _EMB_DIM),
                                      jnp.float32),
        mesh=mesh,
        scratch_types=[
            pltpu.VMEM((_NCHUNK, _CHUNK), jnp.int32),
            pltpu.VMEM((_R, _CHUNK, _EMB_DIM), jnp.float32),
        ] + [pltpu.SemaphoreType.DMA] * (2 * _R),
        compiler_params=pltpu.CompilerParams(use_tc_tiling_on_sc=False),
    )
    return f(idx2d, w)


def kernel(src_input, W):
    idx2d = src_input.reshape(_B // _CHUNK, _CHUNK)
    return _emb(idx2d, W)

# --- scband reference (transcript-rebuilt; emitter-appended) ---
"""Pipeline reference for scband-embeddings-7851200217356 (READ-ONLY COPY).

The authoritative reference and input builder live on the scoring server;
editing this copy changes nothing except your own understanding.
"""

import jax, jax.numpy as jnp
import numpy as np

VOCAB = 1000000
EMB_DIM = 64
SEQ_LEN = 200
BATCH = 4096
PADDING_IDX = 0


def setup_inputs(seed: int = 0) -> dict:
    key = jax.random.key(seed)
    k1, k2 = jax.random.split(key)
    src_input = jax.random.randint(k1, (SEQ_LEN, BATCH, 1), 0, VOCAB, dtype=jnp.int32)
    # word embedding table (the single emb_lut since num_feat_embeddings is None)
    W = jax.random.normal(k2, (VOCAB, EMB_DIM), dtype=jnp.float32) * 0.02
    return {"src_input": src_input, "W": W}


def reference(src_input, W):
    # Embeddings.forward with a single emb_lut and position_encoding=False:
    #   emb = self.word_lut(src_input.squeeze(2))
    # nn.Embedding with padding_idx=0 keeps row 0 as zeros.
    table = W.at[PADDING_IDX].set(0.0)
    idx = jnp.squeeze(src_input, axis=2)  # [len, batch]
    emb = jnp.take(table, idx, axis=0)    # [len, batch, embedding_dim]
    return emb

if __name__ == "__main__":
    import jax
    _d = setup_inputs()
    print(jax.jit(kernel)(*tuple(_d.values())))

</pallas_src>

<mosaic_0001>
#map = affine_map<(d0, d1) -> (0, 0)>
#map1 = affine_map<(d0, d1) -> (0, 0, 0)>
module attributes {stable_mosaic.version = 14 : i64} {
  func.func @_emb_body(%arg0: i32, %arg1: i32, %arg2: memref<6400x128xi32, #tpu.memory_space<hbm>>, %arg3: memref<1000000x64xf32, #tpu.memory_space<hbm>>, %arg4: memref<200x4096x64xf32, #tpu.memory_space<hbm>>, %arg5: memref<200x128xi32, #tpu.memory_space<vmem>>, %arg6: memref<8x128x64xf32, #tpu.memory_space<vmem>>, %arg7: memref<!tpu.dma_semaphore, #tpu.memory_space<semaphore_mem>>, %arg8: memref<!tpu.dma_semaphore, #tpu.memory_space<semaphore_mem>>, %arg9: memref<!tpu.dma_semaphore, #tpu.memory_space<semaphore_mem>>, %arg10: memref<!tpu.dma_semaphore, #tpu.memory_space<semaphore_mem>>, %arg11: memref<!tpu.dma_semaphore, #tpu.memory_space<semaphore_mem>>, %arg12: memref<!tpu.dma_semaphore, #tpu.memory_space<semaphore_mem>>, %arg13: memref<!tpu.dma_semaphore, #tpu.memory_space<semaphore_mem>>, %arg14: memref<!tpu.dma_semaphore, #tpu.memory_space<semaphore_mem>>, %arg15: memref<!tpu.dma_semaphore, #tpu.memory_space<semaphore_mem>>, %arg16: memref<!tpu.dma_semaphore, #tpu.memory_space<semaphore_mem>>, %arg17: memref<!tpu.dma_semaphore, #tpu.memory_space<semaphore_mem>>, %arg18: memref<!tpu.dma_semaphore, #tpu.memory_space<semaphore_mem>>, %arg19: memref<!tpu.dma_semaphore, #tpu.memory_space<semaphore_mem>>, %arg20: memref<!tpu.dma_semaphore, #tpu.memory_space<semaphore_mem>>, %arg21: memref<!tpu.dma_semaphore, #tpu.memory_space<semaphore_mem>>, %arg22: memref<!tpu.dma_semaphore, #tpu.memory_space<semaphore_mem>>) attributes {dimension_semantics = [#tpu.dimension_semantics<core_parallel>, #tpu.dimension_semantics<subcore_parallel>], iteration_bounds = array<i64: 2, 16>, scalar_prefetch = 0 : i64, scratch_operands = 18 : i64, tpu.core_type = #tpu.core_type<sc_vector_subcore>, window_params = [{transform_indices = #map}, {transform_indices = #map}, {transform_indices = #map1}]} {
    %mul3A = arith.constant 2 : i32
    %mul3A_0 = arith.muli %arg1, %mul3A : i32
    %add3A = arith.addi %mul3A_0, %arg0 : i32
    %mul3A_1 = arith.constant 200 : i32
    %mul3A_2 = arith.muli %add3A, %mul3A_1 : i32
    %mul3A_3 = arith.constant 25600 : i32
    %mul3A_4 = arith.muli %add3A, %mul3A_3 : i32
    "tpu.region"() ({
      %run_scoped3A = tpu.sem_alloc : memref<!tpu.dma_semaphore, #tpu.memory_space<semaphore_mem>>
      %dma_start3A_200 = arith.constant 0 : i32
      %dma_start3A_201 = tpu.memref_slice %arg2[%mul3A_2, %dma_start3A_200] : memref<6400x128xi32, #tpu.memory_space<hbm>> -> memref<200x128xi32, #tpu.memory_space<hbm>>
      %dma_start3A_202 = arith.constant 0 : i32
      %dma_start3A_203 = tpu.memref_slice %arg2[%mul3A_2, %dma_start3A_202] : memref<6400x128xi32, #tpu.memory_space<hbm>> -> memref<200x128xi32, #tpu.memory_space<hbm>>
      tpu.enqueue_dma source(%dma_start3A_203 : memref<200x128xi32, #tpu.memory_space<hbm>>) target(%arg5 : memref<200x128xi32, #tpu.memory_space<vmem>>) target_semaphore(%run_scoped3A : memref<!tpu.dma_semaphore, #tpu.memory_space<semaphore_mem>>)
      %dma_wait3A_204 = arith.constant 0 : i32
      %dma_wait3A_205 = tpu.memref_slice %arg2[%mul3A_2, %dma_wait3A_204] : memref<6400x128xi32, #tpu.memory_space<hbm>> -> memref<200x128xi32, #tpu.memory_space<hbm>>
      %dma_wait3A_206 = arith.constant 0 : i32
      %dma_wait3A_207 = tpu.memref_slice %arg2[%mul3A_2, %dma_wait3A_206] : memref<6400x128xi32, #tpu.memory_space<hbm>> -> memref<200x128xi32, #tpu.memory_space<hbm>>
      tpu.wait_dma2 semaphore(%run_scoped3A : memref<!tpu.dma_semaphore, #tpu.memory_space<semaphore_mem>>) src(%dma_wait3A_207 : memref<200x128xi32, #tpu.memory_space<hbm>>) dst(%arg5 : memref<200x128xi32, #tpu.memory_space<vmem>>)
      tpu.yield
    }) : () -> ()
    %dma_start3A = arith.constant 0 : i32
    %dma_start3A_5 = arith.constant 0 : i32
    %dma_start3A_6 = arith.constant 0 : i32
    %dma_start3A_7 = arith.constant 0 : i32
    %dma_start3A_8 = tpu.memref_slice %arg6[%dma_start3A_5, %dma_start3A_6, %dma_start3A_7] : memref<8x128x64xf32, #tpu.memory_space<vmem>> -> memref<1x128x64xf32, #tpu.memory_space<vmem>>
    %dma_start3A_9 = tpu.memref_squeeze %dma_start3A_8 : memref<1x128x64xf32, #tpu.memory_space<vmem>> -> memref<128x64xf32, #tpu.memory_space<vmem>>
    %dma_start3A_10 = arith.constant 0 : i32
    %dma_start3A_11 = tpu.memref_slice %arg5[%dma_start3A, %dma_start3A_10] : memref<200x128xi32, #tpu.memory_space<vmem>> -> memref<1x128xi32, #tpu.memory_space<vmem>>
    %dma_start3A_12 = tpu.memref_squeeze %dma_start3A_11 : memref<1x128xi32, #tpu.memory_space<vmem>> -> memref<128xi32, #tpu.memory_space<vmem>>
    %dma_start3A_13 = arith.constant 0 : i32
    %dma_start3A_14 = arith.constant 0 : i32
    %dma_start3A_15 = tpu.memref_slice %arg3[%dma_start3A_13, %dma_start3A_14] : memref<1000000x64xf32, #tpu.memory_space<hbm>> -> memref<1000000x64xf32, #tpu.memory_space<hbm>>
    tpu.enqueue_indirect_dma source(%dma_start3A_15 : memref<1000000x64xf32, #tpu.memory_space<hbm>>) target(%dma_start3A_9 : memref<128x64xf32, #tpu.memory_space<vmem>>) offsets(%dma_start3A_12 : memref<128xi32, #tpu.memory_space<vmem>>) semaphore(%arg7 : memref<!tpu.dma_semaphore, #tpu.memory_space<semaphore_mem>>)
    %dma_start3A_16 = arith.constant 1 : i32
    %dma_start3A_17 = arith.constant 1 : i32
    %dma_start3A_18 = arith.constant 0 : i32
    %dma_start3A_19 = arith.constant 0 : i32
    %dma_start3A_20 = tpu.memref_slice %arg6[%dma_start3A_17, %dma_start3A_18, %dma_start3A_19] : memref<8x128x64xf32, #tpu.memory_space<vmem>> -> memref<1x128x64xf32, #tpu.memory_space<vmem>>
    %dma_start3A_21 = tpu.memref_squeeze %dma_start3A_20 : memref<1x128x64xf32, #tpu.memory_space<vmem>> -> memref<128x64xf32, #tpu.memory_space<vmem>>
    %dma_start3A_22 = arith.constant 0 : i32
    %dma_start3A_23 = tpu.memref_slice %arg5[%dma_start3A_16, %dma_start3A_22] : memref<200x128xi32, #tpu.memory_space<vmem>> -> memref<1x128xi32, #tpu.memory_space<vmem>>
    %dma_start3A_24 = tpu.memref_squeeze %dma_start3A_23 : memref<1x128xi32, #tpu.memory_space<vmem>> -> memref<128xi32, #tpu.memory_space<vmem>>
    %dma_start3A_25 = arith.constant 0 : i32
    %dma_start3A_26 = arith.constant 0 : i32
    %dma_start3A_27 = tpu.memref_slice %arg3[%dma_start3A_25, %dma_start3A_26] : memref<1000000x64xf32, #tpu.memory_space<hbm>> -> memref<1000000x64xf32, #tpu.memory_space<hbm>>
    tpu.enqueue_indirect_dma source(%dma_start3A_27 : memref<1000000x64xf32, #tpu.memory_space<hbm>>) target(%dma_start3A_21 : memref<128x64xf32, #tpu.memory_space<vmem>>) offsets(%dma_start3A_24 : memref<128xi32, #tpu.memory_space<vmem>>) semaphore(%arg8 : memref<!tpu.dma_semaphore, #tpu.memory_space<semaphore_mem>>)
    %dma_start3A_28 = arith.constant 2 : i32
    %dma_start3A_29 = arith.constant 2 : i32
    %dma_start3A_30 = arith.constant 0 : i32
    %dma_start3A_31 = arith.constant 0 : i32
    %dma_start3A_32 = tpu.memref_slice %arg6[%dma_start3A_29, %dma_start3A_30, %dma_start3A_31] : memref<8x128x64xf32, #tpu.memory_space<vmem>> -> memref<1x128x64xf32, #tpu.memory_space<vmem>>
    %dma_start3A_33 = tpu.memref_squeeze %dma_start3A_32 : memref<1x128x64xf32, #tpu.memory_space<vmem>> -> memref<128x64xf32, #tpu.memory_space<vmem>>
    %dma_start3A_34 = arith.constant 0 : i32
    %dma_start3A_35 = tpu.memref_slice %arg5[%dma_start3A_28, %dma_start3A_34] : memref<200x128xi32, #tpu.memory_space<vmem>> -> memref<1x128xi32, #tpu.memory_space<vmem>>
    %dma_start3A_36 = tpu.memref_squeeze %dma_start3A_35 : memref<1x128xi32, #tpu.memory_space<vmem>> -> memref<128xi32, #tpu.memory_space<vmem>>
    %dma_start3A_37 = arith.constant 0 : i32
    %dma_start3A_38 = arith.constant 0 : i32
    %dma_start3A_39 = tpu.memref_slice %arg3[%dma_start3A_37, %dma_start3A_38] : memref<1000000x64xf32, #tpu.memory_space<hbm>> -> memref<1000000x64xf32, #tpu.memory_space<hbm>>
    tpu.enqueue_indirect_dma source(%dma_start3A_39 : memref<1000000x64xf32, #tpu.memory_space<hbm>>) target(%dma_start3A_33 : memref<128x64xf32, #tpu.memory_space<vmem>>) offsets(%dma_start3A_36 : memref<128xi32, #tpu.memory_space<vmem>>) semaphore(%arg9 : memref<!tpu.dma_semaphore, #tpu.memory_space<semaphore_mem>>)
    %dma_start3A_40 = arith.constant 3 : i32
    %dma_start3A_41 = arith.constant 3 : i32
    %dma_start3A_42 = arith.constant 0 : i32
    %dma_start3A_43 = arith.constant 0 : i32
    %dma_start3A_44 = tpu.memref_slice %arg6[%dma_start3A_41, %dma_start3A_42, %dma_start3A_43] : memref<8x128x64xf32, #tpu.memory_space<vmem>> -> memref<1x128x64xf32, #tpu.memory_space<vmem>>
    %dma_start3A_45 = tpu.memref_squeeze %dma_start3A_44 : memref<1x128x64xf32, #tpu.memory_space<vmem>> -> memref<128x64xf32, #tpu.memory_space<vmem>>
    %dma_start3A_46 = arith.constant 0 : i32
    %dma_start3A_47 = tpu.memref_slice %arg5[%dma_start3A_40, %dma_start3A_46] : memref<200x128xi32, #tpu.memory_space<vmem>> -> memref<1x128xi32, #tpu.memory_space<vmem>>
    %dma_start3A_48 = tpu.memref_squeeze %dma_start3A_47 : memref<1x128xi32, #tpu.memory_space<vmem>> -> memref<128xi32, #tpu.memory_space<vmem>>
    %dma_start3A_49 = arith.constant 0 : i32
    %dma_start3A_50 = arith.constant 0 : i32
    %dma_start3A_51 = tpu.memref_slice %arg3[%dma_start3A_49, %dma_start3A_50] : memref<1000000x64xf32, #tpu.memory_space<hbm>> -> memref<1000000x64xf32, #tpu.memory_space<hbm>>
    tpu.enqueue_indirect_dma source(%dma_start3A_51 : memref<1000000x64xf32, #tpu.memory_space<hbm>>) target(%dma_start3A_45 : memref<128x64xf32, #tpu.memory_space<vmem>>) offsets(%dma_start3A_48 : memref<128xi32, #tpu.memory_space<vmem>>) semaphore(%arg10 : memref<!tpu.dma_semaphore, #tpu.memory_space<semaphore_mem>>)
    %scan3A = arith.constant 0 : i32
    %scan3A_52 = arith.constant 0 : i32
    %scan3A_53 = arith.constant 25 : i32
    %scan3A_54 = arith.addi %scan3A_52, %scan3A_53 : i32
    %scan3A_55 = arith.constant 1 : i32
    scf.for %scan3A_200 = %scan3A_52 to %scan3A_54 step %scan3A_55  : i32 {
      %mul3A_201 = arith.constant 8 : i32
      %mul3A_202 = arith.muli %scan3A_200, %mul3A_201 : i32
      %add3A_203 = arith.constant 0 : i32
      %add3A_204 = arith.addi %mul3A_202, %add3A_203 : i32
      %dma_wait3A_205 = arith.constant 0 : i32
      %dma_wait3A_206 = arith.constant 0 : i32
      %dma_wait3A_207 = arith.constant 0 : i32
      %dma_wait3A_208 = arith.constant 0 : i32
      %dma_wait3A_209 = tpu.memref_slice %arg6[%dma_wait3A_206, %dma_wait3A_207, %dma_wait3A_208] : memref<8x128x64xf32, #tpu.memory_space<vmem>> -> memref<1x128x64xf32, #tpu.memory_space<vmem>>
      %dma_wait3A_210 = tpu.memref_squeeze %dma_wait3A_209 : memref<1x128x64xf32, #tpu.memory_space<vmem>> -> memref<128x64xf32, #tpu.memory_space<vmem>>
      %dma_wait3A_211 = arith.constant 0 : i32
      %dma_wait3A_212 = tpu.memref_slice %arg5[%dma_wait3A_205, %dma_wait3A_211] : memref<200x128xi32, #tpu.memory_space<vmem>> -> memref<1x128xi32, #tpu.memory_space<vmem>>
      %dma_wait3A_213 = tpu.memref_squeeze %dma_wait3A_212 : memref<1x128xi32, #tpu.memory_space<vmem>> -> memref<128xi32, #tpu.memory_space<vmem>>
      %dma_wait3A_214 = arith.constant 0 : i32
      %dma_wait3A_215 = arith.constant 0 : i32
      %dma_wait3A_216 = tpu.memref_slice %arg3[%dma_wait3A_214, %dma_wait3A_215] : memref<1000000x64xf32, #tpu.memory_space<hbm>> -> memref<1000000x64xf32, #tpu.memory_space<hbm>>
      tpu.wait_indirect_dma semaphore(%arg7 : memref<!tpu.dma_semaphore, #tpu.memory_space<semaphore_mem>>) src(%dma_wait3A_216 : memref<1000000x64xf32, #tpu.memory_space<hbm>>) dst(%dma_wait3A_210 : memref<128x64xf32, #tpu.memory_space<vmem>>)
      %get3A = arith.index_cast %add3A_204 : i32 to index
      %get3A_217 = arith.constant 0 : index
      %get3A_218 = tpu.vector_load %arg5[%get3A, %get3A_217] {strides = array<i32>} : memref<200x128xi32, #tpu.memory_space<vmem>>, vector<1x16xi32>,
      %get3A_219 = vector.shape_cast %get3A_218 : vector<1x16xi32> to vector<16xi32>
      %get3A_220 = arith.index_cast %add3A_204 : i32 to index
      %get3A_221 = arith.constant 16 : index
      %get3A_222 = tpu.vector_load %arg5[%get3A_220, %get3A_221] {strides = array<i32>} : memref<200x128xi32, #tpu.memory_space<vmem>>, vector<1x16xi32>,
      %get3A_223 = vector.shape_cast %get3A_222 : vector<1x16xi32> to vector<16xi32>
      %min3A = arith.minsi %get3A_219, %get3A_223 : vector<16xi32>
      %get3A_224 = arith.index_cast %add3A_204 : i32 to index
      %get3A_225 = arith.constant 32 : index
      %get3A_226 = tpu.vector_load %arg5[%get3A_224, %get3A_225] {strides = array<i32>} : memref<200x128xi32, #tpu.memory_space<vmem>>, vector<1x16xi32>,
      %get3A_227 = vector.shape_cast %get3A_226 : vector<1x16xi32> to vector<16xi32>
      %min3A_228 = arith.minsi %min3A, %get3A_227 : vector<16xi32>
      %get3A_229 = arith.index_cast %add3A_204 : i32 to index
      %get3A_230 = arith.constant 48 : index
      %get3A_231 = tpu.vector_load %arg5[%get3A_229, %get3A_230] {strides = array<i32>} : memref<200x128xi32, #tpu.memory_space<vmem>>, vector<1x16xi32>,
      %get3A_232 = vector.shape_cast %get3A_231 : vector<1x16xi32> to vector<16xi32>
      %min3A_233 = arith.minsi %min3A_228, %get3A_232 : vector<16xi32>
      %get3A_234 = arith.index_cast %add3A_204 : i32 to index
      %get3A_235 = arith.constant 64 : index
      %get3A_236 = tpu.vector_load %arg5[%get3A_234, %get3A_235] {strides = array<i32>} : memref<200x128xi32, #tpu.memory_space<vmem>>, vector<1x16xi32>,
      %get3A_237 = vector.shape_cast %get3A_236 : vector<1x16xi32> to vector<16xi32>
      %min3A_238 = arith.minsi %min3A_233, %get3A_237 : vector<16xi32>
      %get3A_239 = arith.index_cast %add3A_204 : i32 to index
      %get3A_240 = arith.constant 80 : index
      %get3A_241 = tpu.vector_load %arg5[%get3A_239, %get3A_240] {strides = array<i32>} : memref<200x128xi32, #tpu.memory_space<vmem>>, vector<1x16xi32>,
      %get3A_242 = vector.shape_cast %get3A_241 : vector<1x16xi32> to vector<16xi32>
      %min3A_243 = arith.minsi %min3A_238, %get3A_242 : vector<16xi32>
      %get3A_244 = arith.index_cast %add3A_204 : i32 to index
      %get3A_245 = arith.constant 96 : index
      %get3A_246 = tpu.vector_load %arg5[%get3A_244, %get3A_245] {strides = array<i32>} : memref<200x128xi32, #tpu.memory_space<vmem>>, vector<1x16xi32>,
      %get3A_247 = vector.shape_cast %get3A_246 : vector<1x16xi32> to vector<16xi32>
      %min3A_248 = arith.minsi %min3A_243, %get3A_247 : vector<16xi32>
      %get3A_249 = arith.index_cast %add3A_204 : i32 to index
      %get3A_250 = arith.constant 112 : index
      %get3A_251 = tpu.vector_load %arg5[%get3A_249, %get3A_250] {strides = array<i32>} : memref<200x128xi32, #tpu.memory_space<vmem>>, vector<1x16xi32>,
      %get3A_252 = vector.shape_cast %get3A_251 : vector<1x16xi32> to vector<16xi32>
      %min3A_253 = arith.minsi %min3A_248, %get3A_252 : vector<16xi32>
      %slice3A = vector.extract_strided_slice %min3A_253 {offsets = [0], sizes = [1], strides = [1]} : vector<16xi32> to vector<1xi32>
      %squeeze3A = vector.extract %slice3A[0] : i32 from vector<1xi32>
      %slice3A_254 = vector.extract_strided_slice %min3A_253 {offsets = [1], sizes = [1], strides = [1]} : vector<16xi32> to vector<1xi32>
      %squeeze3A_255 = vector.extract %slice3A_254[0] : i32 from vector<1xi32>
      %min3A_256 = arith.minsi %squeeze3A, %squeeze3A_255 : i32
      %slice3A_257 = vector.extract_strided_slice %min3A_253 {offsets = [2], sizes = [1], strides = [1]} : vector<16xi32> to vector<1xi32>
      %squeeze3A_258 = vector.extract %slice3A_257[0] : i32 from vector<1xi32>
      %min3A_259 = arith.minsi %min3A_256, %squeeze3A_258 : i32
      %slice3A_260 = vector.extract_strided_slice %min3A_253 {offsets = [3], sizes = [1], strides = [1]} : vector<16xi32> to vector<1xi32>
      %squeeze3A_261 = vector.extract %slice3A_260[0] : i32 from vector<1xi32>
      %min3A_262 = arith.minsi %min3A_259, %squeeze3A_261 : i32
      %slice3A_263 = vector.extract_strided_slice %min3A_253 {offsets = [4], sizes = [1], strides = [1]} : vector<16xi32> to vector<1xi32>
      %squeeze3A_264 = vector.extract %slice3A_263[0] : i32 from vector<1xi32>
      %min3A_265 = arith.minsi %min3A_262, %squeeze3A_264 : i32
      %slice3A_266 = vector.extract_strided_slice %min3A_253 {offsets = [5], sizes = [1], strides = [1]} : vector<16xi32> to vector<1xi32>
      %squeeze3A_267 = vector.extract %slice3A_266[0] : i32 from vector<1xi32>
      %min3A_268 = arith.minsi %min3A_265, %squeeze3A_267 : i32
      %slice3A_269 = vector.extract_strided_slice %min3A_253 {offsets = [6], sizes = [1], strides = [1]} : vector<16xi32> to vector<1xi32>
      %squeeze3A_270 = vector.extract %slice3A_269[0] : i32 from vector<1xi32>
      %min3A_271 = arith.minsi %min3A_268, %squeeze3A_270 : i32
      %slice3A_272 = vector.extract_strided_slice %min3A_253 {offsets = [7], sizes = [1], strides = [1]} : vector<16xi32> to vector<1xi32>
      %squeeze3A_273 = vector.extract %slice3A_272[0] : i32 from vector<1xi32>
      %min3A_274 = arith.minsi %min3A_271, %squeeze3A_273 : i32
      %slice3A_275 = vector.extract_strided_slice %min3A_253 {offsets = [8], sizes = [1], strides = [1]} : vector<16xi32> to vector<1xi32>
      %squeeze3A_276 = vector.extract %slice3A_275[0] : i32 from vector<1xi32>
      %min3A_277 = arith.minsi %min3A_274, %squeeze3A_276 : i32
      %slice3A_278 = vector.extract_strided_slice %min3A_253 {offsets = [9], sizes = [1], strides = [1]} : vector<16xi32> to vector<1xi32>
      %squeeze3A_279 = vector.extract %slice3A_278[0] : i32 from vector<1xi32>
      %min3A_280 = arith.minsi %min3A_277, %squeeze3A_279 : i32
      %slice3A_281 = vector.extract_strided_slice %min3A_253 {offsets = [10], sizes = [1], strides = [1]} : vector<16xi32> to vector<1xi32>
      %squeeze3A_282 = vector.extract %slice3A_281[0] : i32 from vector<1xi32>
      %min3A_283 = arith.minsi %min3A_280, %squeeze3A_282 : i32
      %slice3A_284 = vector.extract_strided_slice %min3A_253 {offsets = [11], sizes = [1], strides = [1]} : vector<16xi32> to vector<1xi32>
      %squeeze3A_285 = vector.extract %slice3A_284[0] : i32 from vector<1xi32>
      %min3A_286 = arith.minsi %min3A_283, %squeeze3A_285 : i32
      %slice3A_287 = vector.extract_strided_slice %min3A_253 {offsets = [12], sizes = [1], strides = [1]} : vector<16xi32> to vector<1xi32>
      %squeeze3A_288 = vector.extract %slice3A_287[0] : i32 from vector<1xi32>
      %min3A_289 = arith.minsi %min3A_286, %squeeze3A_288 : i32
      %slice3A_290 = vector.extract_strided_slice %min3A_253 {offsets = [13], sizes = [1], strides = [1]} : vector<16xi32> to vector<1xi32>
      %squeeze3A_291 = vector.extract %slice3A_290[0] : i32 from vector<1xi32>
      %min3A_292 = arith.minsi %min3A_289, %squeeze3A_291 : i32
      %slice3A_293 = vector.extract_strided_slice %min3A_253 {offsets = [14], sizes = [1], strides = [1]} : vector<16xi32> to vector<1xi32>
      %squeeze3A_294 = vector.extract %slice3A_293[0] : i32 from vector<1xi32>
      %min3A_295 = arith.minsi %min3A_292, %squeeze3A_294 : i32
      %slice3A_296 = vector.extract_strided_slice %min3A_253 {offsets = [15], sizes = [1], strides = [1]} : vector<16xi32> to vector<1xi32>
      %squeeze3A_297 = vector.extract %slice3A_296[0] : i32 from vector<1xi32>
      %min3A_298 = arith.minsi %min3A_295, %squeeze3A_297 : i32
      %eq3A = arith.constant 0 : i32
      %eq3A_299 = arith.cmpi eq, %min3A_298, %eq3A : i32
      %convert_element_type3A = arith.extui %eq3A_299 : i1 to i32
      %cond3A = arith.constant 0 : i32
      %cond3A_300 = arith.cmpi ne, %convert_element_type3A, %cond3A : i32
      scf.if %cond3A_300 {
        %broadcast_in_dim3A = arith.constant 0.000000e+00 : f32
        %broadcast_in_dim3A_1322 = vector.broadcast %broadcast_in_dim3A : f32 to vector<16xf32>
        %scan3A_1323 = arith.constant 0 : i32
        %scan3A_1324 = arith.constant 0 : i32
        %scan3A_1325 = arith.constant 128 : i32
        %scan3A_1326 = arith.addi %scan3A_1324, %scan3A_1325 : i32
        %scan3A_1327 = arith.constant 1 : i32
        scf.for %scan3A_1329 = %scan3A_1324 to %scan3A_1326 step %scan3A_1327  : i32 {
          %get3A_1330 = arith.index_cast %add3A_204 : i32 to index
          %get3A_1331 = arith.index_cast %scan3A_1329 : i32 to index
          %get3A_1332 = tpu.vector_load %arg5[%get3A_1330, %get3A_1331] {strides = array<i32>} : memref<200x128xi32, #tpu.memory_space<vmem>>, vector<1x16xi32>,
          %get3A_1333 = vector.shape_cast %get3A_1332 : vector<1x16xi32> to vector<16xi32>
          %slice3A_1334 = vector.extract_strided_slice %get3A_1333 {offsets = [0], sizes = [1], strides = [1]} : vector<16xi32> to vector<1xi32>
          %squeeze3A_1335 = vector.extract %slice3A_1334[0] : i32 from vector<1xi32>
          %eq3A_1336 = arith.constant 0 : i32
          %eq3A_1337 = arith.cmpi eq, %squeeze3A_1335, %eq3A_1336 : i32
          %convert_element_type3A_1338 = arith.extui %eq3A_1337 : i1 to i32
          %cond3A_1339 = arith.constant 0 : i32
          %cond3A_1340 = arith.cmpi ne, %convert_element_type3A_1338, %cond3A_1339 : i32
          scf.if %cond3A_1340 {
            %swap3A = arith.constant 0 : i32
            %swap3A_1341 = arith.index_cast %swap3A : i32 to index
            %swap3A_1342 = arith.index_cast %scan3A_1329 : i32 to index
            %swap3A_1343 = arith.constant 0 : index
            %swap3A_1344 = tpu.vector_load %arg6[%swap3A_1341, %swap3A_1342, %swap3A_1343] {strides = array<i32>} : memref<8x128x64xf32, #tpu.memory_space<vmem>>, vector<1x1x16xf32>,
            %swap3A_1345 = vector.shape_cast %swap3A_1344 : vector<1x1x16xf32> to vector<16xf32>
            %swap3A_1346 = vector.shape_cast %broadcast_in_dim3A_1322 : vector<16xf32> to vector<1x1x16xf32>
            tpu.vector_store %arg6[%swap3A_1341, %swap3A_1342, %swap3A_1343], %swap3A_1346 {strides = array<i32>} : memref<8x128x64xf32, #tpu.memory_space<vmem>>, vector<1x1x16xf32>,
            %swap3A_1347 = arith.constant 0 : i32
            %swap3A_1348 = arith.index_cast %swap3A_1347 : i32 to index
            %swap3A_1349 = arith.index_cast %scan3A_1329 : i32 to index
            %swap3A_1350 = arith.constant 16 : index
            %swap3A_1351 = tpu.vector_load %arg6[%swap3A_1348, %swap3A_1349, %swap3A_1350] {strides = array<i32>} : memref<8x128x64xf32, #tpu.memory_space<vmem>>, vector<1x1x16xf32>,
            %swap3A_1352 = vector.shape_cast %swap3A_1351 : vector<1x1x16xf32> to vector<16xf32>
            %swap3A_1353 = vector.shape_cast %broadcast_in_dim3A_1322 : vector<16xf32> to vector<1x1x16xf32>
            tpu.vector_store %arg6[%swap3A_1348, %swap3A_1349, %swap3A_1350], %swap3A_1353 {strides = array<i32>} : memref<8x128x64xf32, #tpu.memory_space<vmem>>, vector<1x1x16xf32>,
            %swap3A_1354 = arith.constant 0 : i32
            %swap3A_1355 = arith.index_cast %swap3A_1354 : i32 to index
            %swap3A_1356 = arith.index_cast %scan3A_1329 : i32 to index
            %swap3A_1357 = arith.constant 32 : index
            %swap3A_1358 = tpu.vector_load %arg6[%swap3A_1355, %swap3A_1356, %swap3A_1357] {strides = array<i32>} : memref<8x128x64xf32, #tpu.memory_space<vmem>>, vector<1x1x16xf32>,
            %swap3A_1359 = vector.shape_cast %swap3A_1358 : vector<1x1x16xf32> to vector<16xf32>
            %swap3A_1360 = vector.shape_cast %broadcast_in_dim3A_1322 : vector<16xf32> to vector<1x1x16xf32>
            tpu.vector_store %arg6[%swap3A_1355, %swap3A_1356, %swap3A_1357], %swap3A_1360 {strides = array<i32>} : memref<8x128x64xf32, #tpu.memory_space<vmem>>, vector<1x1x16xf32>,
            %swap3A_1361 = arith.constant 0 : i32
            %swap3A_1362 = arith.index_cast %swap3A_1361 : i32 to index
            %swap3A_1363 = arith.index_cast %scan3A_1329 : i32 to index
            %swap3A_1364 = arith.constant 48 : index
            %swap3A_1365 = tpu.vector_load %arg6[%swap3A_1362, %swap3A_1363, %swap3A_1364] {strides = array<i32>} : memref<8x128x64xf32, #tpu.memory_space<vmem>>, vector<1x1x16xf32>,
            %swap3A_1366 = vector.shape_cast %swap3A_1365 : vector<1x1x16xf32> to vector<16xf32>
            %swap3A_1367 = vector.shape_cast %broadcast_in_dim3A_1322 : vector<16xf32> to vector<1x1x16xf32>
            tpu.vector_store %arg6[%swap3A_1362, %swap3A_1363, %swap3A_1364], %swap3A_1367 {strides = array<i32>} : memref<8x128x64xf32, #tpu.memory_space<vmem>>, vector<1x1x16xf32>,
          } else {
          }
        }
        %scan3A_1328 = arith.constant 128 : i32
      } else {
      }
      %mul3A_301 = arith.constant 128 : i32
      %mul3A_302 = arith.muli %add3A_204, %mul3A_301 : i32
      %add3A_303 = arith.addi %mul3A_4, %mul3A_302 : i32
      %shift_right_arithmetic3A = arith.constant 12 : i32
      %shift_right_arithmetic3A_304 = arith.shrsi %add3A_303, %shift_right_arithmetic3A : i32
      %and3A = arith.constant 4095 : i32
      %and3A_305 = arith.andi %add3A_303, %and3A : i32
      %dma_start3A_306 = arith.constant 0 : i32
      %dma_start3A_307 = arith.constant 0 : i32
      %dma_start3A_308 = arith.constant 0 : i32
      %dma_start3A_309 = tpu.memref_slice %arg6[%dma_start3A_306, %dma_start3A_307, %dma_start3A_308] : memref<8x128x64xf32, #tpu.memory_space<vmem>> -> memref<1x128x64xf32, #tpu.memory_space<vmem>>
      %dma_start3A_310 = tpu.memref_squeeze %dma_start3A_309 : memref<1x128x64xf32, #tpu.memory_space<vmem>> -> memref<128x64xf32, #tpu.memory_space<vmem>>
      %dma_start3A_311 = arith.constant 0 : i32
      %dma_start3A_312 = tpu.memref_slice %arg4[%shift_right_arithmetic3A_304, %and3A_305, %dma_start3A_311] : memref<200x4096x64xf32, #tpu.memory_space<hbm>> -> memref<1x128x64xf32, #tpu.memory_space<hbm>>
      %dma_start3A_313 = tpu.memref_squeeze %dma_start3A_312 : memref<1x128x64xf32, #tpu.memory_space<hbm>> -> memref<128x64xf32, #tpu.memory_space<hbm>>
      %dma_start3A_314 = arith.constant 0 : i32
      %dma_start3A_315 = tpu.memref_slice %arg4[%shift_right_arithmetic3A_304, %and3A_305, %dma_start3A_314] : memref<200x4096x64xf32, #tpu.memory_space<hbm>> -> memref<1x128x64xf32, #tpu.memory_space<hbm>>
      %dma_start3A_316 = tpu.memref_squeeze %dma_start3A_315 : memref<1x128x64xf32, #tpu.memory_space<hbm>> -> memref<128x64xf32, #tpu.memory_space<hbm>>
      %dma_start3A_317 = arith.constant 0 : i32
      %dma_start3A_318 = arith.constant 0 : i32
      %dma_start3A_319 = tpu.memref_slice %arg6[%dma_start3A_306, %dma_start3A_317, %dma_start3A_318] : memref<8x128x64xf32, #tpu.memory_space<vmem>> -> memref<1x128x64xf32, #tpu.memory_space<vmem>>
      %dma_start3A_320 = tpu.memref_squeeze %dma_start3A_319 : memref<1x128x64xf32, #tpu.memory_space<vmem>> -> memref<128x64xf32, #tpu.memory_space<vmem>>
      tpu.enqueue_dma source(%dma_start3A_320 : memref<128x64xf32, #tpu.memory_space<vmem>>) target(%dma_start3A_316 : memref<128x64xf32, #tpu.memory_space<hbm>>) target_semaphore(%arg15 : memref<!tpu.dma_semaphore, #tpu.memory_space<semaphore_mem>>)
      %add3A_321 = arith.constant 4 : i32
      %add3A_322 = arith.addi %add3A_204, %add3A_321 : i32
      %ge3A = arith.constant 8 : i32
      %ge3A_323 = arith.cmpi sge, %add3A_322, %ge3A : i32
      %convert_element_type3A_324 = arith.extui %ge3A_323 : i1 to i32
      %cond3A_325 = arith.constant 0 : i32
      %cond3A_326 = arith.cmpi ne, %convert_element_type3A_324, %cond3A_325 : i32
      scf.if %cond3A_326 {
        %dma_wait3A_1322 = arith.constant 4 : i32
        %dma_wait3A_1323 = arith.constant 0 : i32
        %dma_wait3A_1324 = arith.constant 0 : i32
        %dma_wait3A_1325 = arith.constant 0 : i32
        %dma_wait3A_1326 = tpu.memref_slice %arg6[%dma_wait3A_1322, %dma_wait3A_1324, %dma_wait3A_1325] : memref<8x128x64xf32, #tpu.memory_space<vmem>> -> memref<1x128x64xf32, #tpu.memory_space<vmem>>
        %dma_wait3A_1327 = tpu.memref_squeeze %dma_wait3A_1326 : memref<1x128x64xf32, #tpu.memory_space<vmem>> -> memref<128x64xf32, #tpu.memory_space<vmem>>
        %dma_wait3A_1328 = arith.constant 0 : i32
        %dma_wait3A_1329 = arith.constant 0 : i32
        %dma_wait3A_1330 = tpu.memref_slice %arg4[%dma_wait3A_1323, %dma_wait3A_1328, %dma_wait3A_1329] : memref<200x4096x64xf32, #tpu.memory_space<hbm>> -> memref<1x128x64xf32, #tpu.memory_space<hbm>>
        %dma_wait3A_1331 = tpu.memref_squeeze %dma_wait3A_1330 : memref<1x128x64xf32, #tpu.memory_space<hbm>> -> memref<128x64xf32, #tpu.memory_space<hbm>>
        %dma_wait3A_1332 = arith.constant 0 : i32
        %dma_wait3A_1333 = arith.constant 0 : i32
        %dma_wait3A_1334 = tpu.memref_slice %arg4[%dma_wait3A_1323, %dma_wait3A_1332, %dma_wait3A_1333] : memref<200x4096x64xf32, #tpu.memory_space<hbm>> -> memref<1x128x64xf32, #tpu.memory_space<hbm>>
        %dma_wait3A_1335 = tpu.memref_squeeze %dma_wait3A_1334 : memref<1x128x64xf32, #tpu.memory_space<hbm>> -> memref<128x64xf32, #tpu.memory_space<hbm>>
        %dma_wait3A_1336 = arith.constant 0 : i32
        %dma_wait3A_1337 = arith.constant 0 : i32
        %dma_wait3A_1338 = tpu.memref_slice %arg6[%dma_wait3A_1322, %dma_wait3A_1336, %dma_wait3A_1337] : memref<8x128x64xf32, #tpu.memory_space<vmem>> -> memref<1x128x64xf32, #tpu.memory_space<vmem>>
        %dma_wait3A_1339 = tpu.memref_squeeze %dma_wait3A_1338 : memref<1x128x64xf32, #tpu.memory_space<vmem>> -> memref<128x64xf32, #tpu.memory_space<vmem>>
        tpu.wait_dma2 semaphore(%arg19 : memref<!tpu.dma_semaphore, #tpu.memory_space<semaphore_mem>>) src(%dma_wait3A_1339 : memref<128x64xf32, #tpu.memory_space<vmem>>) dst(%dma_wait3A_1335 : memref<128x64xf32, #tpu.memory_space<hbm>>)
      } else {
      }
      %dma_start3A_327 = arith.constant 4 : i32
      %dma_start3A_328 = arith.constant 0 : i32
      %dma_start3A_329 = arith.constant 0 : i32
      %dma_start3A_330 = tpu.memref_slice %arg6[%dma_start3A_327, %dma_start3A_328, %dma_start3A_329] : memref<8x128x64xf32, #tpu.memory_space<vmem>> -> memref<1x128x64xf32, #tpu.memory_space<vmem>>
      %dma_start3A_331 = tpu.memref_squeeze %dma_start3A_330 : memref<1x128x64xf32, #tpu.memory_space<vmem>> -> memref<128x64xf32, #tpu.memory_space<vmem>>
      %dma_start3A_332 = arith.constant 0 : i32
      %dma_start3A_333 = tpu.memref_slice %arg5[%add3A_322, %dma_start3A_332] : memref<200x128xi32, #tpu.memory_space<vmem>> -> memref<1x128xi32, #tpu.memory_space<vmem>>
      %dma_start3A_334 = tpu.memref_squeeze %dma_start3A_333 : memref<1x128xi32, #tpu.memory_space<vmem>> -> memref<128xi32, #tpu.memory_space<vmem>>
      %dma_start3A_335 = arith.constant 0 : i32
      %dma_start3A_336 = arith.constant 0 : i32
      %dma_start3A_337 = tpu.memref_slice %arg3[%dma_start3A_335, %dma_start3A_336] : memref<1000000x64xf32, #tpu.memory_space<hbm>> -> memref<1000000x64xf32, #tpu.memory_space<hbm>>
      tpu.enqueue_indirect_dma source(%dma_start3A_337 : memref<1000000x64xf32, #tpu.memory_space<hbm>>) target(%dma_start3A_331 : memref<128x64xf32, #tpu.memory_space<vmem>>) offsets(%dma_start3A_334 : memref<128xi32, #tpu.memory_space<vmem>>) semaphore(%arg11 : memref<!tpu.dma_semaphore, #tpu.memory_space<semaphore_mem>>)
      %mul3A_338 = arith.constant 8 : i32
      %mul3A_339 = arith.muli %scan3A_200, %mul3A_338 : i32
      %add3A_340 = arith.constant 1 : i32
      %add3A_341 = arith.addi %mul3A_339, %add3A_340 : i32
      %dma_wait3A_342 = arith.constant 0 : i32
      %dma_wait3A_343 = arith.constant 1 : i32
      %dma_wait3A_344 = arith.constant 0 : i32
      %dma_wait3A_345 = arith.constant 0 : i32
      %dma_wait3A_346 = tpu.memref_slice %arg6[%dma_wait3A_343, %dma_wait3A_344, %dma_wait3A_345] : memref<8x128x64xf32, #tpu.memory_space<vmem>> -> memref<1x128x64xf32, #tpu.memory_space<vmem>>
      %dma_wait3A_347 = tpu.memref_squeeze %dma_wait3A_346 : memref<1x128x64xf32, #tpu.memory_space<vmem>> -> memref<128x64xf32, #tpu.memory_space<vmem>>
      %dma_wait3A_348 = arith.constant 0 : i32
      %dma_wait3A_349 = tpu.memref_slice %arg5[%dma_wait3A_342, %dma_wait3A_348] : memref<200x128xi32, #tpu.memory_space<vmem>> -> memref<1x128xi32, #tpu.memory_space<vmem>>
      %dma_wait3A_350 = tpu.memref_squeeze %dma_wait3A_349 : memref<1x128xi32, #tpu.memory_space<vmem>> -> memref<128xi32, #tpu.memory_space<vmem>>
      %dma_wait3A_351 = arith.constant 0 : i32
      %dma_wait3A_352 = arith.constant 0 : i32
      %dma_wait3A_353 = tpu.memref_slice %arg3[%dma_wait3A_351, %dma_wait3A_352] : memref<1000000x64xf32, #tpu.memory_space<hbm>> -> memref<1000000x64xf32, #tpu.memory_space<hbm>>
      tpu.wait_indirect_dma semaphore(%arg8 : memref<!tpu.dma_semaphore, #tpu.memory_space<semaphore_mem>>) src(%dma_wait3A_353 : memref<1000000x64xf32, #tpu.memory_space<hbm>>) dst(%dma_wait3A_347 : memref<128x64xf32, #tpu.memory_space<vmem>>)
      %get3A_354 = arith.index_cast %add3A_341 : i32 to index
      %get3A_355 = arith.constant 0 : index
      %get3A_356 = tpu.vector_load %arg5[%get3A_354, %get3A_355] {strides = array<i32>} : memref<200x128xi32, #tpu.memory_space<vmem>>, vector<1x16xi32>,
      %get3A_357 = vector.shape_cast %get3A_356 : vector<1x16xi32> to vector<16xi32>
      %get3A_358 = arith.index_cast %add3A_341 : i32 to index
      %get3A_359 = arith.constant 16 : index
      %get3A_360 = tpu.vector_load %arg5[%get3A_358, %get3A_359] {strides = array<i32>} : memref<200x128xi32, #tpu.memory_space<vmem>>, vector<1x16xi32>,
      %get3A_361 = vector.shape_cast %get3A_360 : vector<1x16xi32> to vector<16xi32>
      %min3A_362 = arith.minsi %get3A_357, %get3A_361 : vector<16xi32>
      %get3A_363 = arith.index_cast %add3A_341 : i32 to index
      %get3A_364 = arith.constant 32 : index
      %get3A_365 = tpu.vector_load %arg5[%get3A_363, %get3A_364] {strides = array<i32>} : memref<200x128xi32, #tpu.memory_space<vmem>>, vector<1x16xi32>,
      %get3A_366 = vector.shape_cast %get3A_365 : vector<1x16xi32> to vector<16xi32>
      %min3A_367 = arith.minsi %min3A_362, %get3A_366 : vector<16xi32>
      %get3A_368 = arith.index_cast %add3A_341 : i32 to index
      %get3A_369 = arith.constant 48 : index
      %get3A_370 = tpu.vector_load %arg5[%get3A_368, %get3A_369] {strides = array<i32>} : memref<200x128xi32, #tpu.memory_space<vmem>>, vector<1x16xi32>,
      %get3A_371 = vector.shape_cast %get3A_370 : vector<1x16xi32> to vector<16xi32>
      %min3A_372 = arith.minsi %min3A_367, %get3A_371 : vector<16xi32>
      %get3A_373 = arith.index_cast %add3A_341 : i32 to index
      %get3A_374 = arith.constant 64 : index
      %get3A_375 = tpu.vector_load %arg5[%get3A_373, %get3A_374] {strides = array<i32>} : memref<200x128xi32, #tpu.memory_space<vmem>>, vector<1x16xi32>,
      %get3A_376 = vector.shape_cast %get3A_375 : vector<1x16xi32> to vector<16xi32>
      %min3A_377 = arith.minsi %min3A_372, %get3A_376 : vector<16xi32>
      %get3A_378 = arith.index_cast %add3A_341 : i32 to index
      %get3A_379 = arith.constant 80 : index
      %get3A_380 = tpu.vector_load %arg5[%get3A_378, %get3A_379] {strides = array<i32>} : memref<200x128xi32, #tpu.memory_space<vmem>>, vector<1x16xi32>,
      %get3A_381 = vector.shape_cast %get3A_380 : vector<1x16xi32> to vector<16xi32>
      %min3A_382 = arith.minsi %min3A_377, %get3A_381 : vector<16xi32>
      %get3A_383 = arith.index_cast %add3A_341 : i32 to index
      %get3A_384 = arith.constant 96 : index
      %get3A_385 = tpu.vector_load %arg5[%get3A_383, %get3A_384] {strides = array<i32>} : memref<200x128xi32, #tpu.memory_space<vmem>>, vector<1x16xi32>,
      %get3A_386 = vector.shape_cast %get3A_385 : vector<1x16xi32> to vector<16xi32>
      %min3A_387 = arith.minsi %min3A_382, %get3A_386 : vector<16xi32>
      %get3A_388 = arith.index_cast %add3A_341 : i32 to index
      %get3A_389 = arith.constant 112 : index
      %get3A_390 = tpu.vector_load %arg5[%get3A_388, %get3A_389] {strides = array<i32>} : memref<200x128xi32, #tpu.memory_space<vmem>>, vector<1x16xi32>,
      %get3A_391 = vector.shape_cast %get3A_390 : vector<1x16xi32> to vector<16xi32>
      %min3A_392 = arith.minsi %min3A_387, %get3A_391 : vector<16xi32>
      %slice3A_393 = vector.extract_strided_slice %min3A_392 {offsets = [0], sizes = [1], strides = [1]} : vector<16xi32> to vector<1xi32>
      %squeeze3A_394 = vector.extract %slice3A_393[0] : i32 from vector<1xi32>
      %slice3A_395 = vector.extract_strided_slice %min3A_392 {offsets = [1], sizes = [1], strides = [1]} : vector<16xi32> to vector<1xi32>
      %squeeze3A_396 = vector.extract %slice3A_395[0] : i32 from vector<1xi32>
      %min3A_397 = arith.minsi %squeeze3A_394, %squeeze3A_396 : i32
      %slice3A_398 = vector.extract_strided_slice %min3A_392 {offsets = [2], sizes = [1], strides = [1]} : vector<16xi32> to vector<1xi32>
      %squeeze3A_399 = vector.extract %slice3A_398[0] : i32 from vector<1xi32>
      %min3A_400 = arith.minsi %min3A_397, %squeeze3A_399 : i32
      %slice3A_401 = vector.extract_strided_slice %min3A_392 {offsets = [3], sizes = [1], strides = [1]} : vector<16xi32> to vector<1xi32>
      %squeeze3A_402 = vector.extract %slice3A_401[0] : i32 from vector<1xi32>
      %min3A_403 = arith.minsi %min3A_400, %squeeze3A_402 : i32
      %slice3A_404 = vector.extract_strided_slice %min3A_392 {offsets = [4], sizes = [1], strides = [1]} : vector<16xi32> to vector<1xi32>
      %squeeze3A_405 = vector.extract %slice3A_404[0] : i32 from vector<1xi32>
      %min3A_406 = arith.minsi %min3A_403, %squeeze3A_405 : i32
      %slice3A_407 = vector.extract_strided_slice %min3A_392 {offsets = [5], sizes = [1], strides = [1]} : vector<16xi32> to vector<1xi32>
      %squeeze3A_408 = vector.extract %slice3A_407[0] : i32 from vector<1xi32>
      %min3A_409 = arith.minsi %min3A_406, %squeeze3A_408 : i32
      %slice3A_410 = vector.extract_strided_slice %min3A_392 {offsets = [6], sizes = [1], strides = [1]} : vector<16xi32> to vector<1xi32>
      %squeeze3A_411 = vector.extract %slice3A_410[0] : i32 from vector<1xi32>
      %min3A_412 = arith.minsi %min3A_409, %squeeze3A_411 : i32
      %slice3A_413 = vector.extract_strided_slice %min3A_392 {offsets = [7], sizes = [1], strides = [1]} : vector<16xi32> to vector<1xi32>
      %squeeze3A_414 = vector.extract %slice3A_413[0] : i32 from vector<1xi32>
      %min3A_415 = arith.minsi %min3A_412, %squeeze3A_414 : i32
      %slice3A_416 = vector.extract_strided_slice %min3A_392 {offsets = [8], sizes = [1], strides = [1]} : vector<16xi32> to vector<1xi32>
      %squeeze3A_417 = vector.extract %slice3A_416[0] : i32 from vector<1xi32>
      %min3A_418 = arith.minsi %min3A_415, %squeeze3A_417 : i32
      %slice3A_419 = vector.extract_strided_slice %min3A_392 {offsets = [9], sizes = [1], strides = [1]} : vector<16xi32> to vector<1xi32>
      %squeeze3A_420 = vector.extract %slice3A_419[0] : i32 from vector<1xi32>
      %min3A_421 = arith.minsi %min3A_418, %squeeze3A_420 : i32
      %slice3A_422 = vector.extract_strided_slice %min3A_392 {offsets = [10], sizes = [1], strides = [1]} : vector<16xi32> to vector<1xi32>
      %squeeze3A_423 = vector.extract %slice3A_422[0] : i32 from vector<1xi32>
      %min3A_424 = arith.minsi %min3A_421, %squeeze3A_423 : i32
      %slice3A_425 = vector.extract_strided_slice %min3A_392 {offsets = [11], sizes = [1], strides = [1]} : vector<16xi32> to vector<1xi32>
      %squeeze3A_426 = vector.extract %slice3A_425[0] : i32 from vector<1xi32>
      %min3A_427 = arith.minsi %min3A_424, %squeeze3A_426 : i32
      %slice3A_428 = vector.extract_strided_slice %min3A_392 {offsets = [12], sizes = [1], strides = [1]} : vector<16xi32> to vector<1xi32>
      %squeeze3A_429 = vector.extract %slice3A_428[0] : i32 from vector<1xi32>
      %min3A_430 = arith.minsi %min3A_427, %squeeze3A_429 : i32
      %slice3A_431 = vector.extract_strided_slice %min3A_392 {offsets = [13], sizes = [1], strides = [1]} : vector<16xi32> to vector<1xi32>
      %squeeze3A_432 = vector.extract %slice3A_431[0] : i32 from vector<1xi32>
      %min3A_433 = arith.minsi %min3A_430, %squeeze3A_432 : i32
      %slice3A_434 = vector.extract_strided_slice %min3A_392 {offsets = [14], sizes = [1], strides = [1]} : vector<16xi32> to vector<1xi32>
      %squeeze3A_435 = vector.extract %slice3A_434[0] : i32 from vector<1xi32>
      %min3A_436 = arith.minsi %min3A_433, %squeeze3A_435 : i32
      %slice3A_437 = vector.extract_strided_slice %min3A_392 {offsets = [15], sizes = [1], strides = [1]} : vector<16xi32> to vector<1xi32>
      %squeeze3A_438 = vector.extract %slice3A_437[0] : i32 from vector<1xi32>
      %min3A_439 = arith.minsi %min3A_436, %squeeze3A_438 : i32
      %eq3A_440 = arith.constant 0 : i32
      %eq3A_441 = arith.cmpi eq, %min3A_439, %eq3A_440 : i32
      %convert_element_type3A_442 = arith.extui %eq3A_441 : i1 to i32
      %cond3A_443 = arith.constant 0 : i32
      %cond3A_444 = arith.cmpi ne, %convert_element_type3A_442, %cond3A_443 : i32
      scf.if %cond3A_444 {
        %broadcast_in_dim3A = arith.constant 0.000000e+00 : f32
        %broadcast_in_dim3A_1322 = vector.broadcast %broadcast_in_dim3A : f32 to vector<16xf32>
        %scan3A_1323 = arith.constant 0 : i32
        %scan3A_1324 = arith.constant 0 : i32
        %scan3A_1325 = arith.constant 128 : i32
        %scan3A_1326 = arith.addi %scan3A_1324, %scan3A_1325 : i32
        %scan3A_1327 = arith.constant 1 : i32
        scf.for %scan3A_1329 = %scan3A_1324 to %scan3A_1326 step %scan3A_1327  : i32 {
          %get3A_1330 = arith.index_cast %add3A_341 : i32 to index
          %get3A_1331 = arith.index_cast %scan3A_1329 : i32 to index
          %get3A_1332 = tpu.vector_load %arg5[%get3A_1330, %get3A_1331] {strides = array<i32>} : memref<200x128xi32, #tpu.memory_space<vmem>>, vector<1x16xi32>,
          %get3A_1333 = vector.shape_cast %get3A_1332 : vector<1x16xi32> to vector<16xi32>
          %slice3A_1334 = vector.extract_strided_slice %get3A_1333 {offsets = [0], sizes = [1], strides = [1]} : vector<16xi32> to vector<1xi32>
          %squeeze3A_1335 = vector.extract %slice3A_1334[0] : i32 from vector<1xi32>
          %eq3A_1336 = arith.constant 0 : i32
          %eq3A_1337 = arith.cmpi eq, %squeeze3A_1335, %eq3A_1336 : i32
          %convert_element_type3A_1338 = arith.extui %eq3A_1337 : i1 to i32
          %cond3A_1339 = arith.constant 0 : i32
          %cond3A_1340 = arith.cmpi ne, %convert_element_type3A_1338, %cond3A_1339 : i32
          scf.if %cond3A_1340 {
            %swap3A = arith.constant 1 : i32
            %swap3A_1341 = arith.index_cast %swap3A : i32 to index
            %swap3A_1342 = arith.index_cast %scan3A_1329 : i32 to index
            %swap3A_1343 = arith.constant 0 : index
            %swap3A_1344 = tpu.vector_load %arg6[%swap3A_1341, %swap3A_1342, %swap3A_1343] {strides = array<i32>} : memref<8x128x64xf32, #tpu.memory_space<vmem>>, vector<1x1x16xf32>,
            %swap3A_1345 = vector.shape_cast %swap3A_1344 : vector<1x1x16xf32> to vector<16xf32>
            %swap3A_1346 = vector.shape_cast %broadcast_in_dim3A_1322 : vector<16xf32> to vector<1x1x16xf32>
            tpu.vector_store %arg6[%swap3A_1341, %swap3A_1342, %swap3A_1343], %swap3A_1346 {strides = array<i32>} : memref<8x128x64xf32, #tpu.memory_space<vmem>>, vector<1x1x16xf32>,
            %swap3A_1347 = arith.constant 1 : i32
            %swap3A_1348 = arith.index_cast %swap3A_1347 : i32 to index
            %swap3A_1349 = arith.index_cast %scan3A_1329 : i32 to index
            %swap3A_1350 = arith.constant 16 : index
            %swap3A_1351 = tpu.vector_load %arg6[%swap3A_1348, %swap3A_1349, %swap3A_1350] {strides = array<i32>} : memref<8x128x64xf32, #tpu.memory_space<vmem>>, vector<1x1x16xf32>,
            %swap3A_1352 = vector.shape_cast %swap3A_1351 : vector<1x1x16xf32> to vector<16xf32>
            %swap3A_1353 = vector.shape_cast %broadcast_in_dim3A_1322 : vector<16xf32> to vector<1x1x16xf32>
            tpu.vector_store %arg6[%swap3A_1348, %swap3A_1349, %swap3A_1350], %swap3A_1353 {strides = array<i32>} : memref<8x128x64xf32, #tpu.memory_space<vmem>>, vector<1x1x16xf32>,
            %swap3A_1354 = arith.constant 1 : i32
            %swap3A_1355 = arith.index_cast %swap3A_1354 : i32 to index
            %swap3A_1356 = arith.index_cast %scan3A_1329 : i32 to index
            %swap3A_1357 = arith.constant 32 : index
            %swap3A_1358 = tpu.vector_load %arg6[%swap3A_1355, %swap3A_1356, %swap3A_1357] {strides = array<i32>} : memref<8x128x64xf32, #tpu.memory_space<vmem>>, vector<1x1x16xf32>,
            %swap3A_1359 = vector.shape_cast %swap3A_1358 : vector<1x1x16xf32> to vector<16xf32>
            %swap3A_1360 = vector.shape_cast %broadcast_in_dim3A_1322 : vector<16xf32> to vector<1x1x16xf32>
            tpu.vector_store %arg6[%swap3A_1355, %swap3A_1356, %swap3A_1357], %swap3A_1360 {strides = array<i32>} : memref<8x128x64xf32, #tpu.memory_space<vmem>>, vector<1x1x16xf32>,
            %swap3A_1361 = arith.constant 1 : i32
            %swap3A_1362 = arith.index_cast %swap3A_1361 : i32 to index
            %swap3A_1363 = arith.index_cast %scan3A_1329 : i32 to index
            %swap3A_1364 = arith.constant 48 : index
            %swap3A_1365 = tpu.vector_load %arg6[%swap3A_1362, %swap3A_1363, %swap3A_1364] {strides = array<i32>} : memref<8x128x64xf32, #tpu.memory_space<vmem>>, vector<1x1x16xf32>,
            %swap3A_1366 = vector.shape_cast %swap3A_1365 : vector<1x1x16xf32> to vector<16xf32>
            %swap3A_1367 = vector.shape_cast %broadcast_in_dim3A_1322 : vector<16xf32> to vector<1x1x16xf32>
            tpu.vector_store %arg6[%swap3A_1362, %swap3A_1363, %swap3A_1364], %swap3A_1367 {strides = array<i32>} : memref<8x128x64xf32, #tpu.memory_space<vmem>>, vector<1x1x16xf32>,
          } else {
          }
        }
        %scan3A_1328 = arith.constant 128 : i32
      } else {
      }
      %mul3A_445 = arith.constant 128 : i32
      %mul3A_446 = arith.muli %add3A_341, %mul3A_445 : i32
      %add3A_447 = arith.addi %mul3A_4, %mul3A_446 : i32
      %shift_right_arithmetic3A_448 = arith.constant 12 : i32
      %shift_right_arithmetic3A_449 = arith.shrsi %add3A_447, %shift_right_arithmetic3A_448 : i32
      %and3A_450 = arith.constant 4095 : i32
      %and3A_451 = arith.andi %add3A_447, %and3A_450 : i32
      %dma_start3A_452 = arith.constant 1 : i32
      %dma_start3A_453 = arith.constant 0 : i32
      %dma_start3A_454 = arith.constant 0 : i32
      %dma_start3A_455 = tpu.memref_slice %arg6[%dma_start3A_452, %dma_start3A_453, %dma_start3A_454] : memref<8x128x64xf32, #tpu.memory_space<vmem>> -> memref<1x128x64xf32, #tpu.memory_space<vmem>>
      %dma_start3A_456 = tpu.memref_squeeze %dma_start3A_455 : memref<1x128x64xf32, #tpu.memory_space<vmem>> -> memref<128x64xf32, #tpu.memory_space<vmem>>
      %dma_start3A_457 = arith.constant 0 : i32
      %dma_start3A_458 = tpu.memref_slice %arg4[%shift_right_arithmetic3A_449, %and3A_451, %dma_start3A_457] : memref<200x4096x64xf32, #tpu.memory_space<hbm>> -> memref<1x128x64xf32, #tpu.memory_space<hbm>>
      %dma_start3A_459 = tpu.memref_squeeze %dma_start3A_458 : memref<1x128x64xf32, #tpu.memory_space<hbm>> -> memref<128x64xf32, #tpu.memory_space<hbm>>
      %dma_start3A_460 = arith.constant 0 : i32
      %dma_start3A_461 = tpu.memref_slice %arg4[%shift_right_arithmetic3A_449, %and3A_451, %dma_start3A_460] : memref<200x4096x64xf32, #tpu.memory_space<hbm>> -> memref<1x128x64xf32, #tpu.memory_space<hbm>>
      %dma_start3A_462 = tpu.memref_squeeze %dma_start3A_461 : memref<1x128x64xf32, #tpu.memory_space<hbm>> -> memref<128x64xf32, #tpu.memory_space<hbm>>
      %dma_start3A_463 = arith.constant 0 : i32
      %dma_start3A_464 = arith.constant 0 : i32
      %dma_start3A_465 = tpu.memref_slice %arg6[%dma_start3A_452, %dma_start3A_463, %dma_start3A_464] : memref<8x128x64xf32, #tpu.memory_space<vmem>> -> memref<1x128x64xf32, #tpu.memory_space<vmem>>
      %dma_start3A_466 = tpu.memref_squeeze %dma_start3A_465 : memref<1x128x64xf32, #tpu.memory_space<vmem>> -> memref<128x64xf32, #tpu.memory_space<vmem>>
      tpu.enqueue_dma source(%dma_start3A_466 : memref<128x64xf32, #tpu.memory_space<vmem>>) target(%dma_start3A_462 : memref<128x64xf32, #tpu.memory_space<hbm>>) target_semaphore(%arg16 : memref<!tpu.dma_semaphore, #tpu.memory_space<semaphore_mem>>)
      %add3A_467 = arith.constant 4 : i32
      %add3A_468 = arith.addi %add3A_341, %add3A_467 : i32
      %ge3A_469 = arith.constant 8 : i32
      %ge3A_470 = arith.cmpi sge, %add3A_468, %ge3A_469 : i32
      %convert_element_type3A_471 = arith.extui %ge3A_470 : i1 to i32
      %cond3A_472 = arith.constant 0 : i32
      %cond3A_473 = arith.cmpi ne, %convert_element_type3A_471, %cond3A_472 : i32
      scf.if %cond3A_473 {
        %dma_wait3A_1322 = arith.constant 5 : i32
        %dma_wait3A_1323 = arith.constant 0 : i32
        %dma_wait3A_1324 = arith.constant 0 : i32
        %dma_wait3A_1325 = arith.constant 0 : i32
        %dma_wait3A_1326 = tpu.memref_slice %arg6[%dma_wait3A_1322, %dma_wait3A_1324, %dma_wait3A_1325] : memref<8x128x64xf32, #tpu.memory_space<vmem>> -> memref<1x128x64xf32, #tpu.memory_space<vmem>>
        %dma_wait3A_1327 = tpu.memref_squeeze %dma_wait3A_1326 : memref<1x128x64xf32, #tpu.memory_space<vmem>> -> memref<128x64xf32, #tpu.memory_space<vmem>>
        %dma_wait3A_1328 = arith.constant 0 : i32
        %dma_wait3A_1329 = arith.constant 0 : i32
        %dma_wait3A_1330 = tpu.memref_slice %arg4[%dma_wait3A_1323, %dma_wait3A_1328, %dma_wait3A_1329] : memref<200x4096x64xf32, #tpu.memory_space<hbm>> -> memref<1x128x64xf32, #tpu.memory_space<hbm>>
        %dma_wait3A_1331 = tpu.memref_squeeze %dma_wait3A_1330 : memref<1x128x64xf32, #tpu.memory_space<hbm>> -> memref<128x64xf32, #tpu.memory_space<hbm>>
        %dma_wait3A_1332 = arith.constant 0 : i32
        %dma_wait3A_1333 = arith.constant 0 : i32
        %dma_wait3A_1334 = tpu.memref_slice %arg4[%dma_wait3A_1323, %dma_wait3A_1332, %dma_wait3A_1333] : memref<200x4096x64xf32, #tpu.memory_space<hbm>> -> memref<1x128x64xf32, #tpu.memory_space<hbm>>
        %dma_wait3A_1335 = tpu.memref_squeeze %dma_wait3A_1334 : memref<1x128x64xf32, #tpu.memory_space<hbm>> -> memref<128x64xf32, #tpu.memory_space<hbm>>
        %dma_wait3A_1336 = arith.constant 0 : i32
        %dma_wait3A_1337 = arith.constant 0 : i32
        %dma_wait3A_1338 = tpu.memref_slice %arg6[%dma_wait3A_1322, %dma_wait3A_1336, %dma_wait3A_1337] : memref<8x128x64xf32, #tpu.memory_space<vmem>> -> memref<1x128x64xf32, #tpu.memory_space<vmem>>
        %dma_wait3A_1339 = tpu.memref_squeeze %dma_wait3A_1338 : memref<1x128x64xf32, #tpu.memory_space<vmem>> -> memref<128x64xf32, #tpu.memory_space<vmem>>
        tpu.wait_dma2 semaphore(%arg20 : memref<!tpu.dma_semaphore, #tpu.memory_space<semaphore_mem>>) src(%dma_wait3A_1339 : memref<128x64xf32, #tpu.memory_space<vmem>>) dst(%dma_wait3A_1335 : memref<128x64xf32, #tpu.memory_space<hbm>>)
      } else {
      }
      %dma_start3A_474 = arith.constant 5 : i32
      %dma_start3A_475 = arith.constant 0 : i32
      %dma_start3A_476 = arith.constant 0 : i32
      %dma_start3A_477 = tpu.memref_slice %arg6[%dma_start3A_474, %dma_start3A_475, %dma_start3A_476] : memref<8x128x64xf32, #tpu.memory_space<vmem>> -> memref<1x128x64xf32, #tpu.memory_space<vmem>>
      %dma_start3A_478 = tpu.memref_squeeze %dma_start3A_477 : memref<1x128x64xf32, #tpu.memory_space<vmem>> -> memref<128x64xf32, #tpu.memory_space<vmem>>
      %dma_start3A_479 = arith.constant 0 : i32
      %dma_start3A_480 = tpu.memref_slice %arg5[%add3A_468, %dma_start3A_479] : memref<200x128xi32, #tpu.memory_space<vmem>> -> memref<1x128xi32, #tpu.memory_space<vmem>>
      %dma_start3A_481 = tpu.memref_squeeze %dma_start3A_480 : memref<1x128xi32, #tpu.memory_space<vmem>> -> memref<128xi32, #tpu.memory_space<vmem>>
      %dma_start3A_482 = arith.constant 0 : i32
      %dma_start3A_483 = arith.constant 0 : i32
      %dma_start3A_484 = tpu.memref_slice %arg3[%dma_start3A_482, %dma_start3A_483] : memref<1000000x64xf32, #tpu.memory_space<hbm>> -> memref<1000000x64xf32, #tpu.memory_space<hbm>>
      tpu.enqueue_indirect_dma source(%dma_start3A_484 : memref<1000000x64xf32, #tpu.memory_space<hbm>>) target(%dma_start3A_478 : memref<128x64xf32, #tpu.memory_space<vmem>>) offsets(%dma_start3A_481 : memref<128xi32, #tpu.memory_space<vmem>>) semaphore(%arg12 : memref<!tpu.dma_semaphore, #tpu.memory_space<semaphore_mem>>)
      %mul3A_485 = arith.constant 8 : i32
      %mul3A_486 = arith.muli %scan3A_200, %mul3A_485 : i32
      %add3A_487 = arith.constant 2 : i32
      %add3A_488 = arith.addi %mul3A_486, %add3A_487 : i32
      %dma_wait3A_489 = arith.constant 0 : i32
      %dma_wait3A_490 = arith.constant 2 : i32
      %dma_wait3A_491 = arith.constant 0 : i32
      %dma_wait3A_492 = arith.constant 0 : i32
      %dma_wait3A_493 = tpu.memref_slice %arg6[%dma_wait3A_490, %dma_wait3A_491, %dma_wait3A_492] : memref<8x128x64xf32, #tpu.memory_space<vmem>> -> memref<1x128x64xf32, #tpu.memory_space<vmem>>
      %dma_wait3A_494 = tpu.memref_squeeze %dma_wait3A_493 : memref<1x128x64xf32, #tpu.memory_space<vmem>> -> memref<128x64xf32, #tpu.memory_space<vmem>>
      %dma_wait3A_495 = arith.constant 0 : i32
      %dma_wait3A_496 = tpu.memref_slice %arg5[%dma_wait3A_489, %dma_wait3A_495] : memref<200x128xi32, #tpu.memory_space<vmem>> -> memref<1x128xi32, #tpu.memory_space<vmem>>
      %dma_wait3A_497 = tpu.memref_squeeze %dma_wait3A_496 : memref<1x128xi32, #tpu.memory_space<vmem>> -> memref<128xi32, #tpu.memory_space<vmem>>
      %dma_wait3A_498 = arith.constant 0 : i32
      %dma_wait3A_499 = arith.constant 0 : i32
      %dma_wait3A_500 = tpu.memref_slice %arg3[%dma_wait3A_498, %dma_wait3A_499] : memref<1000000x64xf32, #tpu.memory_space<hbm>> -> memref<1000000x64xf32, #tpu.memory_space<hbm>>
      tpu.wait_indirect_dma semaphore(%arg9 : memref<!tpu.dma_semaphore, #tpu.memory_space<semaphore_mem>>) src(%dma_wait3A_500 : memref<1000000x64xf32, #tpu.memory_space<hbm>>) dst(%dma_wait3A_494 : memref<128x64xf32, #tpu.memory_space<vmem>>)
      %get3A_501 = arith.index_cast %add3A_488 : i32 to index
      %get3A_502 = arith.constant 0 : index
      %get3A_503 = tpu.vector_load %arg5[%get3A_501, %get3A_502] {strides = array<i32>} : memref<200x128xi32, #tpu.memory_space<vmem>>, vector<1x16xi32>,
      %get3A_504 = vector.shape_cast %get3A_503 : vector<1x16xi32> to vector<16xi32>
      %get3A_505 = arith.index_cast %add3A_488 : i32 to index
      %get3A_506 = arith.constant 16 : index
      %get3A_507 = tpu.vector_load %arg5[%get3A_505, %get3A_506] {strides = array<i32>} : memref<200x128xi32, #tpu.memory_space<vmem>>, vector<1x16xi32>,
      %get3A_508 = vector.shape_cast %get3A_507 : vector<1x16xi32> to vector<16xi32>
      %min3A_509 = arith.minsi %get3A_504, %get3A_508 : vector<16xi32>
      %get3A_510 = arith.index_cast %add3A_488 : i32 to index
      %get3A_511 = arith.constant 32 : index
      %get3A_512 = tpu.vector_load %arg5[%get3A_510, %get3A_511] {strides = array<i32>} : memref<200x128xi32, #tpu.memory_space<vmem>>, vector<1x16xi32>,
      %get3A_513 = vector.shape_cast %get3A_512 : vector<1x16xi32> to vector<16xi32>
      %min3A_514 = arith.minsi %min3A_509, %get3A_513 : vector<16xi32>
      %get3A_515 = arith.index_cast %add3A_488 : i32 to index
      %get3A_516 = arith.constant 48 : index
      %get3A_517 = tpu.vector_load %arg5[%get3A_515, %get3A_516] {strides = array<i32>} : memref<200x128xi32, #tpu.memory_space<vmem>>, vector<1x16xi32>,
      %get3A_518 = vector.shape_cast %get3A_517 : vector<1x16xi32> to vector<16xi32>
      %min3A_519 = arith.minsi %min3A_514, %get3A_518 : vector<16xi32>
      %get3A_520 = arith.index_cast %add3A_488 : i32 to index
      %get3A_521 = arith.constant 64 : index
      %get3A_522 = tpu.vector_load %arg5[%get3A_520, %get3A_521] {strides = array<i32>} : memref<200x128xi32, #tpu.memory_space<vmem>>, vector<1x16xi32>,
      %get3A_523 = vector.shape_cast %get3A_522 : vector<1x16xi32> to vector<16xi32>
      %min3A_524 = arith.minsi %min3A_519, %get3A_523 : vector<16xi32>
      %get3A_525 = arith.index_cast %add3A_488 : i32 to index
      %get3A_526 = arith.constant 80 : index
      %get3A_527 = tpu.vector_load %arg5[%get3A_525, %get3A_526] {strides = array<i32>} : memref<200x128xi32, #tpu.memory_space<vmem>>, vector<1x16xi32>,
      %get3A_528 = vector.shape_cast %get3A_527 : vector<1x16xi32> to vector<16xi32>
      %min3A_529 = arith.minsi %min3A_524, %get3A_528 : vector<16xi32>
      %get3A_530 = arith.index_cast %add3A_488 : i32 to index
      %get3A_531 = arith.constant 96 : index
      %get3A_532 = tpu.vector_load %arg5[%get3A_530, %get3A_531] {strides = array<i32>} : memref<200x128xi32, #tpu.memory_space<vmem>>, vector<1x16xi32>,
      %get3A_533 = vector.shape_cast %get3A_532 : vector<1x16xi32> to vector<16xi32>
      %min3A_534 = arith.minsi %min3A_529, %get3A_533 : vector<16xi32>
      %get3A_535 = arith.index_cast %add3A_488 : i32 to index
      %get3A_536 = arith.constant 112 : index
      %get3A_537 = tpu.vector_load %arg5[%get3A_535, %get3A_536] {strides = array<i32>} : memref<200x128xi32, #tpu.memory_space<vmem>>, vector<1x16xi32>,
      %get3A_538 = vector.shape_cast %get3A_537 : vector<1x16xi32> to vector<16xi32>
      %min3A_539 = arith.minsi %min3A_534, %get3A_538 : vector<16xi32>
      %slice3A_540 = vector.extract_strided_slice %min3A_539 {offsets = [0], sizes = [1], strides = [1]} : vector<16xi32> to vector<1xi32>
      %squeeze3A_541 = vector.extract %slice3A_540[0] : i32 from vector<1xi32>
      %slice3A_542 = vector.extract_strided_slice %min3A_539 {offsets = [1], sizes = [1], strides = [1]} : vector<16xi32> to vector<1xi32>
      %squeeze3A_543 = vector.extract %slice3A_542[0] : i32 from vector<1xi32>
      %min3A_544 = arith.minsi %squeeze3A_541, %squeeze3A_543 : i32
      %slice3A_545 = vector.extract_strided_slice %min3A_539 {offsets = [2], sizes = [1], strides = [1]} : vector<16xi32> to vector<1xi32>
      %squeeze3A_546 = vector.extract %slice3A_545[0] : i32 from vector<1xi32>
      %min3A_547 = arith.minsi %min3A_544, %squeeze3A_546 : i32
      %slice3A_548 = vector.extract_strided_slice %min3A_539 {offsets = [3], sizes = [1], strides = [1]} : vector<16xi32> to vector<1xi32>
      %squeeze3A_549 = vector.extract %slice3A_548[0] : i32 from vector<1xi32>
      %min3A_550 = arith.minsi %min3A_547, %squeeze3A_549 : i32
      %slice3A_551 = vector.extract_strided_slice %min3A_539 {offsets = [4], sizes = [1], strides = [1]} : vector<16xi32> to vector<1xi32>
      %squeeze3A_552 = vector.extract %slice3A_551[0] : i32 from vector<1xi32>
      %min3A_553 = arith.minsi %min3A_550, %squeeze3A_552 : i32
      %slice3A_554 = vector.extract_strided_slice %min3A_539 {offsets = [5], sizes = [1], strides = [1]} : vector<16xi32> to vector<1xi32>
      %squeeze3A_555 = vector.extract %slice3A_554[0] : i32 from vector<1xi32>
      %min3A_556 = arith.minsi %min3A_553, %squeeze3A_555 : i32
      %slice3A_557 = vector.extract_strided_slice %min3A_539 {offsets = [6], sizes = [1], strides = [1]} : vector<16xi32> to vector<1xi32>
      %squeeze3A_558 = vector.extract %slice3A_557[0] : i32 from vector<1xi32>
      %min3A_559 = arith.minsi %min3A_556, %squeeze3A_558 : i32
      %slice3A_560 = vector.extract_strided_slice %min3A_539 {offsets = [7], sizes = [1], strides = [1]} : vector<16xi32> to vector<1xi32>
      %squeeze3A_561 = vector.extract %slice3A_560[0] : i32 from vector<1xi32>
      %min3A_562 = arith.minsi %min3A_559, %squeeze3A_561 : i32
      %slice3A_563 = vector.extract_strided_slice %min3A_539 {offsets = [8], sizes = [1], strides = [1]} : vector<16xi32> to vector<1xi32>
      %squeeze3A_564 = vector.extract %slice3A_563[0] : i32 from vector<1xi32>
      %min3A_565 = arith.minsi %min3A_562, %squeeze3A_564 : i32
      %slice3A_566 = vector.extract_strided_slice %min3A_539 {offsets = [9], sizes = [1], strides = [1]} : vector<16xi32> to vector<1xi32>
      %squeeze3A_567 = vector.extract %slice3A_566[0] : i32 from vector<1xi32>
      %min3A_568 = arith.minsi %min3A_565, %squeeze3A_567 : i32
      %slice3A_569 = vector.extract_strided_slice %min3A_539 {offsets = [10], sizes = [1], strides = [1]} : vector<16xi32> to vector<1xi32>
      %squeeze3A_570 = vector.extract %slice3A_569[0] : i32 from vector<1xi32>
      %min3A_571 = arith.minsi %min3A_568, %squeeze3A_570 : i32
      %slice3A_572 = vector.extract_strided_slice %min3A_539 {offsets = [11], sizes = [1], strides = [1]} : vector<16xi32> to vector<1xi32>
      %squeeze3A_573 = vector.extract %slice3A_572[0] : i32 from vector<1xi32>
      %min3A_574 = arith.minsi %min3A_571, %squeeze3A_573 : i32
      %slice3A_575 = vector.extract_strided_slice %min3A_539 {offsets = [12], sizes = [1], strides = [1]} : vector<16xi32> to vector<1xi32>
      %squeeze3A_576 = vector.extract %slice3A_575[0] : i32 from vector<1xi32>
      %min3A_577 = arith.minsi %min3A_574, %squeeze3A_576 : i32
      %slice3A_578 = vector.extract_strided_slice %min3A_539 {offsets = [13], sizes = [1], strides = [1]} : vector<16xi32> to vector<1xi32>
      %squeeze3A_579 = vector.extract %slice3A_578[0] : i32 from vector<1xi32>
      %min3A_580 = arith.minsi %min3A_577, %squeeze3A_579 : i32
      %slice3A_581 = vector.extract_strided_slice %min3A_539 {offsets = [14], sizes = [1], strides = [1]} : vector<16xi32> to vector<1xi32>
      %squeeze3A_582 = vector.extract %slice3A_581[0] : i32 from vector<1xi32>
      %min3A_583 = arith.minsi %min3A_580, %squeeze3A_582 : i32
      %slice3A_584 = vector.extract_strided_slice %min3A_539 {offsets = [15], sizes = [1], strides = [1]} : vector<16xi32> to vector<1xi32>
      %squeeze3A_585 = vector.extract %slice3A_584[0] : i32 from vector<1xi32>
      %min3A_586 = arith.minsi %min3A_583, %squeeze3A_585 : i32
      %eq3A_587 = arith.constant 0 : i32
      %eq3A_588 = arith.cmpi eq, %min3A_586, %eq3A_587 : i32
      %convert_element_type3A_589 = arith.extui %eq3A_588 : i1 to i32
      %cond3A_590 = arith.constant 0 : i32
      %cond3A_591 = arith.cmpi ne, %convert_element_type3A_589, %cond3A_590 : i32
      scf.if %cond3A_591 {
        %broadcast_in_dim3A = arith.constant 0.000000e+00 : f32
        %broadcast_in_dim3A_1322 = vector.broadcast %broadcast_in_dim3A : f32 to vector<16xf32>
        %scan3A_1323 = arith.constant 0 : i32
        %scan3A_1324 = arith.constant 0 : i32
        %scan3A_1325 = arith.constant 128 : i32
        %scan3A_1326 = arith.addi %scan3A_1324, %scan3A_1325 : i32
        %scan3A_1327 = arith.constant 1 : i32
        scf.for %scan3A_1329 = %scan3A_1324 to %scan3A_1326 step %scan3A_1327  : i32 {
          %get3A_1330 = arith.index_cast %add3A_488 : i32 to index
          %get3A_1331 = arith.index_cast %scan3A_1329 : i32 to index
          %get3A_1332 = tpu.vector_load %arg5[%get3A_1330, %get3A_1331] {strides = array<i32>} : memref<200x128xi32, #tpu.memory_space<vmem>>, vector<1x16xi32>,
          %get3A_1333 = vector.shape_cast %get3A_1332 : vector<1x16xi32> to vector<16xi32>
          %slice3A_1334 = vector.extract_strided_slice %get3A_1333 {offsets = [0], sizes = [1], strides = [1]} : vector<16xi32> to vector<1xi32>
          %squeeze3A_1335 = vector.extract %slice3A_1334[0] : i32 from vector<1xi32>
          %eq3A_1336 = arith.constant 0 : i32
          %eq3A_1337 = arith.cmpi eq, %squeeze3A_1335, %eq3A_1336 : i32
          %convert_element_type3A_1338 = arith.extui %eq3A_1337 : i1 to i32
          %cond3A_1339 = arith.constant 0 : i32
          %cond3A_1340 = arith.cmpi ne, %convert_element_type3A_1338, %cond3A_1339 : i32
          scf.if %cond3A_1340 {
            %swap3A = arith.constant 2 : i32
            %swap3A_1341 = arith.index_cast %swap3A : i32 to index
            %swap3A_1342 = arith.index_cast %scan3A_1329 : i32 to index
            %swap3A_1343 = arith.constant 0 : index
            %swap3A_1344 = tpu.vector_load %arg6[%swap3A_1341, %swap3A_1342, %swap3A_1343] {strides = array<i32>} : memref<8x128x64xf32, #tpu.memory_space<vmem>>, vector<1x1x16xf32>,
            %swap3A_1345 = vector.shape_cast %swap3A_1344 : vector<1x1x16xf32> to vector<16xf32>
            %swap3A_1346 = vector.shape_cast %broadcast_in_dim3A_1322 : vector<16xf32> to vector<1x1x16xf32>
            tpu.vector_store %arg6[%swap3A_1341, %swap3A_1342, %swap3A_1343], %swap3A_1346 {strides = array<i32>} : memref<8x128x64xf32, #tpu.memory_space<vmem>>, vector<1x1x16xf32>,
            %swap3A_1347 = arith.constant 2 : i32
            %swap3A_1348 = arith.index_cast %swap3A_1347 : i32 to index
            %swap3A_1349 = arith.index_cast %scan3A_1329 : i32 to index
            %swap3A_1350 = arith.constant 16 : index
            %swap3A_1351 = tpu.vector_load %arg6[%swap3A_1348, %swap3A_1349, %swap3A_1350] {strides = array<i32>} : memref<8x128x64xf32, #tpu.memory_space<vmem>>, vector<1x1x16xf32>,
            %swap3A_1352 = vector.shape_cast %swap3A_1351 : vector<1x1x16xf32> to vector<16xf32>
            %swap3A_1353 = vector.shape_cast %broadcast_in_dim3A_1322 : vector<16xf32> to vector<1x1x16xf32>
            tpu.vector_store %arg6[%swap3A_1348, %swap3A_1349, %swap3A_1350], %swap3A_1353 {strides = array<i32>} : memref<8x128x64xf32, #tpu.memory_space<vmem>>, vector<1x1x16xf32>,
            %swap3A_1354 = arith.constant 2 : i32
            %swap3A_1355 = arith.index_cast %swap3A_1354 : i32 to index
            %swap3A_1356 = arith.index_cast %scan3A_1329 : i32 to index
            %swap3A_1357 = arith.constant 32 : index
            %swap3A_1358 = tpu.vector_load %arg6[%swap3A_1355, %swap3A_1356, %swap3A_1357] {strides = array<i32>} : memref<8x128x64xf32, #tpu.memory_space<vmem>>, vector<1x1x16xf32>,
            %swap3A_1359 = vector.shape_cast %swap3A_1358 : vector<1x1x16xf32> to vector<16xf32>
            %swap3A_1360 = vector.shape_cast %broadcast_in_dim3A_1322 : vector<16xf32> to vector<1x1x16xf32>
            tpu.vector_store %arg6[%swap3A_1355, %swap3A_1356, %swap3A_1357], %swap3A_1360 {strides = array<i32>} : memref<8x128x64xf32, #tpu.memory_space<vmem>>, vector<1x1x16xf32>,
            %swap3A_1361 = arith.constant 2 : i32
            %swap3A_1362 = arith.index_cast %swap3A_1361 : i32 to index
            %swap3A_1363 = arith.index_cast %scan3A_1329 : i32 to index
            %swap3A_1364 = arith.constant 48 : index
            %swap3A_1365 = tpu.vector_load %arg6[%swap3A_1362, %swap3A_1363, %swap3A_1364] {strides = array<i32>} : memref<8x128x64xf32, #tpu.memory_space<vmem>>, vector<1x1x16xf32>,
            %swap3A_1366 = vector.shape_cast %swap3A_1365 : vector<1x1x16xf32> to vector<16xf32>
            %swap3A_1367 = vector.shape_cast %broadcast_in_dim3A_1322 : vector<16xf32> to vector<1x1x16xf32>
            tpu.vector_store %arg6[%swap3A_1362, %swap3A_1363, %swap3A_1364], %swap3A_1367 {strides = array<i32>} : memref<8x128x64xf32, #tpu.memory_space<vmem>>, vector<1x1x16xf32>,
          } else {
          }
        }
        %scan3A_1328 = arith.constant 128 : i32
      } else {
      }
      %mul3A_592 = arith.constant 128 : i32
      %mul3A_593 = arith.muli %add3A_488, %mul3A_592 : i32
      %add3A_594 = arith.addi %mul3A_4, %mul3A_593 : i32
      %shift_right_arithmetic3A_595 = arith.constant 12 : i32
      %shift_right_arithmetic3A_596 = arith.shrsi %add3A_594, %shift_right_arithmetic3A_595 : i32
      %and3A_597 = arith.constant 4095 : i32
      %and3A_598 = arith.andi %add3A_594, %and3A_597 : i32
      %dma_start3A_599 = arith.constant 2 : i32
      %dma_start3A_600 = arith.constant 0 : i32
      %dma_start3A_601 = arith.constant 0 : i32
      %dma_start3A_602 = tpu.memref_slice %arg6[%dma_start3A_599, %dma_start3A_600, %dma_start3A_601] : memref<8x128x64xf32, #tpu.memory_space<vmem>> -> memref<1x128x64xf32, #tpu.memory_space<vmem>>
      %dma_start3A_603 = tpu.memref_squeeze %dma_start3A_602 : memref<1x128x64xf32, #tpu.memory_space<vmem>> -> memref<128x64xf32, #tpu.memory_space<vmem>>
      %dma_start3A_604 = arith.constant 0 : i32
      %dma_start3A_605 = tpu.memref_slice %arg4[%shift_right_arithmetic3A_596, %and3A_598, %dma_start3A_604] : memref<200x4096x64xf32, #tpu.memory_space<hbm>> -> memref<1x128x64xf32, #tpu.memory_space<hbm>>
      %dma_start3A_606 = tpu.memref_squeeze %dma_start3A_605 : memref<1x128x64xf32, #tpu.memory_space<hbm>> -> memref<128x64xf32, #tpu.memory_space<hbm>>
      %dma_start3A_607 = arith.constant 0 : i32
      %dma_start3A_608 = tpu.memref_slice %arg4[%shift_right_arithmetic3A_596, %and3A_598, %dma_start3A_607] : memref<200x4096x64xf32, #tpu.memory_space<hbm>> -> memref<1x128x64xf32, #tpu.memory_space<hbm>>
      %dma_start3A_609 = tpu.memref_squeeze %dma_start3A_608 : memref<1x128x64xf32, #tpu.memory_space<hbm>> -> memref<128x64xf32, #tpu.memory_space<hbm>>
      %dma_start3A_610 = arith.constant 0 : i32
      %dma_start3A_611 = arith.constant 0 : i32
      %dma_start3A_612 = tpu.memref_slice %arg6[%dma_start3A_599, %dma_start3A_610, %dma_start3A_611] : memref<8x128x64xf32, #tpu.memory_space<vmem>> -> memref<1x128x64xf32, #tpu.memory_space<vmem>>
      %dma_start3A_613 = tpu.memref_squeeze %dma_start3A_612 : memref<1x128x64xf32, #tpu.memory_space<vmem>> -> memref<128x64xf32, #tpu.memory_space<vmem>>
      tpu.enqueue_dma source(%dma_start3A_613 : memref<128x64xf32, #tpu.memory_space<vmem>>) target(%dma_start3A_609 : memref<128x64xf32, #tpu.memory_space<hbm>>) target_semaphore(%arg17 : memref<!tpu.dma_semaphore, #tpu.memory_space<semaphore_mem>>)
      %add3A_614 = arith.constant 4 : i32
      %add3A_615 = arith.addi %add3A_488, %add3A_614 : i32
      %ge3A_616 = arith.constant 8 : i32
      %ge3A_617 = arith.cmpi sge, %add3A_615, %ge3A_616 : i32
      %convert_element_type3A_618 = arith.extui %ge3A_617 : i1 to i32
      %cond3A_619 = arith.constant 0 : i32
      %cond3A_620 = arith.cmpi ne, %convert_element_type3A_618, %cond3A_619 : i32
      scf.if %cond3A_620 {
        %dma_wait3A_1322 = arith.constant 6 : i32
        %dma_wait3A_1323 = arith.constant 0 : i32
        %dma_wait3A_1324 = arith.constant 0 : i32
        %dma_wait3A_1325 = arith.constant 0 : i32
        %dma_wait3A_1326 = tpu.memref_slice %arg6[%dma_wait3A_1322, %dma_wait3A_1324, %dma_wait3A_1325] : memref<8x128x64xf32, #tpu.memory_space<vmem>> -> memref<1x128x64xf32, #tpu.memory_space<vmem>>
        %dma_wait3A_1327 = tpu.memref_squeeze %dma_wait3A_1326 : memref<1x128x64xf32, #tpu.memory_space<vmem>> -> memref<128x64xf32, #tpu.memory_space<vmem>>
        %dma_wait3A_1328 = arith.constant 0 : i32
        %dma_wait3A_1329 = arith.constant 0 : i32
        %dma_wait3A_1330 = tpu.memref_slice %arg4[%dma_wait3A_1323, %dma_wait3A_1328, %dma_wait3A_1329] : memref<200x4096x64xf32, #tpu.memory_space<hbm>> -> memref<1x128x64xf32, #tpu.memory_space<hbm>>
        %dma_wait3A_1331 = tpu.memref_squeeze %dma_wait3A_1330 : memref<1x128x64xf32, #tpu.memory_space<hbm>> -> memref<128x64xf32, #tpu.memory_space<hbm>>
        %dma_wait3A_1332 = arith.constant 0 : i32
        %dma_wait3A_1333 = arith.constant 0 : i32
        %dma_wait3A_1334 = tpu.memref_slice %arg4[%dma_wait3A_1323, %dma_wait3A_1332, %dma_wait3A_1333] : memref<200x4096x64xf32, #tpu.memory_space<hbm>> -> memref<1x128x64xf32, #tpu.memory_space<hbm>>
        %dma_wait3A_1335 = tpu.memref_squeeze %dma_wait3A_1334 : memref<1x128x64xf32, #tpu.memory_space<hbm>> -> memref<128x64xf32, #tpu.memory_space<hbm>>
        %dma_wait3A_1336 = arith.constant 0 : i32
        %dma_wait3A_1337 = arith.constant 0 : i32
        %dma_wait3A_1338 = tpu.memref_slice %arg6[%dma_wait3A_1322, %dma_wait3A_1336, %dma_wait3A_1337] : memref<8x128x64xf32, #tpu.memory_space<vmem>> -> memref<1x128x64xf32, #tpu.memory_space<vmem>>
        %dma_wait3A_1339 = tpu.memref_squeeze %dma_wait3A_1338 : memref<1x128x64xf32, #tpu.memory_space<vmem>> -> memref<128x64xf32, #tpu.memory_space<vmem>>
        tpu.wait_dma2 semaphore(%arg21 : memref<!tpu.dma_semaphore, #tpu.memory_space<semaphore_mem>>) src(%dma_wait3A_1339 : memref<128x64xf32, #tpu.memory_space<vmem>>) dst(%dma_wait3A_1335 : memref<128x64xf32, #tpu.memory_space<hbm>>)
      } else {
      }
      %dma_start3A_621 = arith.constant 6 : i32
      %dma_start3A_622 = arith.constant 0 : i32
      %dma_start3A_623 = arith.constant 0 : i32
      %dma_start3A_624 = tpu.memref_slice %arg6[%dma_start3A_621, %dma_start3A_622, %dma_start3A_623] : memref<8x128x64xf32, #tpu.memory_space<vmem>> -> memref<1x128x64xf32, #tpu.memory_space<vmem>>
      %dma_start3A_625 = tpu.memref_squeeze %dma_start3A_624 : memref<1x128x64xf32, #tpu.memory_space<vmem>> -> memref<128x64xf32, #tpu.memory_space<vmem>>
      %dma_start3A_626 = arith.constant 0 : i32
      %dma_start3A_627 = tpu.memref_slice %arg5[%add3A_615, %dma_start3A_626] : memref<200x128xi32, #tpu.memory_space<vmem>> -> memref<1x128xi32, #tpu.memory_space<vmem>>
      %dma_start3A_628 = tpu.memref_squeeze %dma_start3A_627 : memref<1x128xi32, #tpu.memory_space<vmem>> -> memref<128xi32, #tpu.memory_space<vmem>>
      %dma_start3A_629 = arith.constant 0 : i32
      %dma_start3A_630 = arith.constant 0 : i32
      %dma_start3A_631 = tpu.memref_slice %arg3[%dma_start3A_629, %dma_start3A_630] : memref<1000000x64xf32, #tpu.memory_space<hbm>> -> memref<1000000x64xf32, #tpu.memory_space<hbm>>
      tpu.enqueue_indirect_dma source(%dma_start3A_631 : memref<1000000x64xf32, #tpu.memory_space<hbm>>) target(%dma_start3A_625 : memref<128x64xf32, #tpu.memory_space<vmem>>) offsets(%dma_start3A_628 : memref<128xi32, #tpu.memory_space<vmem>>) semaphore(%arg13 : memref<!tpu.dma_semaphore, #tpu.memory_space<semaphore_mem>>)
      %mul3A_632 = arith.constant 8 : i32
      %mul3A_633 = arith.muli %scan3A_200, %mul3A_632 : i32
      %add3A_634 = arith.constant 3 : i32
      %add3A_635 = arith.addi %mul3A_633, %add3A_634 : i32
      %dma_wait3A_636 = arith.constant 0 : i32
      %dma_wait3A_637 = arith.constant 3 : i32
      %dma_wait3A_638 = arith.constant 0 : i32
      %dma_wait3A_639 = arith.constant 0 : i32
      %dma_wait3A_640 = tpu.memref_slice %arg6[%dma_wait3A_637, %dma_wait3A_638, %dma_wait3A_639] : memref<8x128x64xf32, #tpu.memory_space<vmem>> -> memref<1x128x64xf32, #tpu.memory_space<vmem>>
      %dma_wait3A_641 = tpu.memref_squeeze %dma_wait3A_640 : memref<1x128x64xf32, #tpu.memory_space<vmem>> -> memref<128x64xf32, #tpu.memory_space<vmem>>
      %dma_wait3A_642 = arith.constant 0 : i32
      %dma_wait3A_643 = tpu.memref_slice %arg5[%dma_wait3A_636, %dma_wait3A_642] : memref<200x128xi32, #tpu.memory_space<vmem>> -> memref<1x128xi32, #tpu.memory_space<vmem>>
      %dma_wait3A_644 = tpu.memref_squeeze %dma_wait3A_643 : memref<1x128xi32, #tpu.memory_space<vmem>> -> memref<128xi32, #tpu.memory_space<vmem>>
      %dma_wait3A_645 = arith.constant 0 : i32
      %dma_wait3A_646 = arith.constant 0 : i32
      %dma_wait3A_647 = tpu.memref_slice %arg3[%dma_wait3A_645, %dma_wait3A_646] : memref<1000000x64xf32, #tpu.memory_space<hbm>> -> memref<1000000x64xf32, #tpu.memory_space<hbm>>
      tpu.wait_indirect_dma semaphore(%arg10 : memref<!tpu.dma_semaphore, #tpu.memory_space<semaphore_mem>>) src(%dma_wait3A_647 : memref<1000000x64xf32, #tpu.memory_space<hbm>>) dst(%dma_wait3A_641 : memref<128x64xf32, #tpu.memory_space<vmem>>)
      %get3A_648 = arith.index_cast %add3A_635 : i32 to index
      %get3A_649 = arith.constant 0 : index
      %get3A_650 = tpu.vector_load %arg5[%get3A_648, %get3A_649] {strides = array<i32>} : memref<200x128xi32, #tpu.memory_space<vmem>>, vector<1x16xi32>,
      %get3A_651 = vector.shape_cast %get3A_650 : vector<1x16xi32> to vector<16xi32>
      %get3A_652 = arith.index_cast %add3A_635 : i32 to index
      %get3A_653 = arith.constant 16 : index
      %get3A_654 = tpu.vector_load %arg5[%get3A_652, %get3A_653] {strides = array<i32>} : memref<200x128xi32, #tpu.memory_space<vmem>>, vector<1x16xi32>,
      %get3A_655 = vector.shape_cast %get3A_654 : vector<1x16xi32> to vector<16xi32>
      %min3A_656 = arith.minsi %get3A_651, %get3A_655 : vector<16xi32>
      %get3A_657 = arith.index_cast %add3A_635 : i32 to index
      %get3A_658 = arith.constant 32 : index
      %get3A_659 = tpu.vector_load %arg5[%get3A_657, %get3A_658] {strides = array<i32>} : memref<200x128xi32, #tpu.memory_space<vmem>>, vector<1x16xi32>,
      %get3A_660 = vector.shape_cast %get3A_659 : vector<1x16xi32> to vector<16xi32>
      %min3A_661 = arith.minsi %min3A_656, %get3A_660 : vector<16xi32>
      %get3A_662 = arith.index_cast %add3A_635 : i32 to index
      %get3A_663 = arith.constant 48 : index
      %get3A_664 = tpu.vector_load %arg5[%get3A_662, %get3A_663] {strides = array<i32>} : memref<200x128xi32, #tpu.memory_space<vmem>>, vector<1x16xi32>,
      %get3A_665 = vector.shape_cast %get3A_664 : vector<1x16xi32> to vector<16xi32>
      %min3A_666 = arith.minsi %min3A_661, %get3A_665 : vector<16xi32>
      %get3A_667 = arith.index_cast %add3A_635 : i32 to index
      %get3A_668 = arith.constant 64 : index
      %get3A_669 = tpu.vector_load %arg5[%get3A_667, %get3A_668] {strides = array<i32>} : memref<200x128xi32, #tpu.memory_space<vmem>>, vector<1x16xi32>,
      %get3A_670 = vector.shape_cast %get3A_669 : vector<1x16xi32> to vector<16xi32>
      %min3A_671 = arith.minsi %min3A_666, %get3A_670 : vector<16xi32>
      %get3A_672 = arith.index_cast %add3A_635 : i32 to index
      %get3A_673 = arith.constant 80 : index
      %get3A_674 = tpu.vector_load %arg5[%get3A_672, %get3A_673] {strides = array<i32>} : memref<200x128xi32, #tpu.memory_space<vmem>>, vector<1x16xi32>,
      %get3A_675 = vector.shape_cast %get3A_674 : vector<1x16xi32> to vector<16xi32>
      %min3A_676 = arith.minsi %min3A_671, %get3A_675 : vector<16xi32>
      %get3A_677 = arith.index_cast %add3A_635 : i32 to index
      %get3A_678 = arith.constant 96 : index
      %get3A_679 = tpu.vector_load %arg5[%get3A_677, %get3A_678] {strides = array<i32>} : memref<200x128xi32, #tpu.memory_space<vmem>>, vector<1x16xi32>,
      %get3A_680 = vector.shape_cast %get3A_679 : vector<1x16xi32> to vector<16xi32>
      %min3A_681 = arith.minsi %min3A_676, %get3A_680 : vector<16xi32>
      %get3A_682 = arith.index_cast %add3A_635 : i32 to index
      %get3A_683 = arith.constant 112 : index
      %get3A_684 = tpu.vector_load %arg5[%get3A_682, %get3A_683] {strides = array<i32>} : memref<200x128xi32, #tpu.memory_space<vmem>>, vector<1x16xi32>,
      %get3A_685 = vector.shape_cast %get3A_684 : vector<1x16xi32> to vector<16xi32>
      %min3A_686 = arith.minsi %min3A_681, %get3A_685 : vector<16xi32>
      %slice3A_687 = vector.extract_strided_slice %min3A_686 {offsets = [0], sizes = [1], strides = [1]} : vector<16xi32> to vector<1xi32>
      %squeeze3A_688 = vector.extract %slice3A_687[0] : i32 from vector<1xi32>
      %slice3A_689 = vector.extract_strided_slice %min3A_686 {offsets = [1], sizes = [1], strides = [1]} : vector<16xi32> to vector<1xi32>
      %squeeze3A_690 = vector.extract %slice3A_689[0] : i32 from vector<1xi32>
      %min3A_691 = arith.minsi %squeeze3A_688, %squeeze3A_690 : i32
      %slice3A_692 = vector.extract_strided_slice %min3A_686 {offsets = [2], sizes = [1], strides = [1]} : vector<16xi32> to vector<1xi32>
      %squeeze3A_693 = vector.extract %slice3A_692[0] : i32 from vector<1xi32>
      %min3A_694 = arith.minsi %min3A_691, %squeeze3A_693 : i32
      %slice3A_695 = vector.extract_strided_slice %min3A_686 {offsets = [3], sizes = [1], strides = [1]} : vector<16xi32> to vector<1xi32>
      %squeeze3A_696 = vector.extract %slice3A_695[0] : i32 from vector<1xi32>
      %min3A_697 = arith.minsi %min3A_694, %squeeze3A_696 : i32
      %slice3A_698 = vector.extract_strided_slice %min3A_686 {offsets = [4], sizes = [1], strides = [1]} : vector<16xi32> to vector<1xi32>
      %squeeze3A_699 = vector.extract %slice3A_698[0] : i32 from vector<1xi32>
      %min3A_700 = arith.minsi %min3A_697, %squeeze3A_699 : i32
      %slice3A_701 = vector.extract_strided_slice %min3A_686 {offsets = [5], sizes = [1], strides = [1]} : vector<16xi32> to vector<1xi32>
      %squeeze3A_702 = vector.extract %slice3A_701[0] : i32 from vector<1xi32>
      %min3A_703 = arith.minsi %min3A_700, %squeeze3A_702 : i32
      %slice3A_704 = vector.extract_strided_slice %min3A_686 {offsets = [6], sizes = [1], strides = [1]} : vector<16xi32> to vector<1xi32>
      %squeeze3A_705 = vector.extract %slice3A_704[0] : i32 from vector<1xi32>
      %min3A_706 = arith.minsi %min3A_703, %squeeze3A_705 : i32
      %slice3A_707 = vector.extract_strided_slice %min3A_686 {offsets = [7], sizes = [1], strides = [1]} : vector<16xi32> to vector<1xi32>
      %squeeze3A_708 = vector.extract %slice3A_707[0] : i32 from vector<1xi32>
      %min3A_709 = arith.minsi %min3A_706, %squeeze3A_708 : i32
      %slice3A_710 = vector.extract_strided_slice %min3A_686 {offsets = [8], sizes = [1], strides = [1]} : vector<16xi32> to vector<1xi32>
      %squeeze3A_711 = vector.extract %slice3A_710[0] : i32 from vector<1xi32>
      %min3A_712 = arith.minsi %min3A_709, %squeeze3A_711 : i32
      %slice3A_713 = vector.extract_strided_slice %min3A_686 {offsets = [9], sizes = [1], strides = [1]} : vector<16xi32> to vector<1xi32>
      %squeeze3A_714 = vector.extract %slice3A_713[0] : i32 from vector<1xi32>
      %min3A_715 = arith.minsi %min3A_712, %squeeze3A_714 : i32
      %slice3A_716 = vector.extract_strided_slice %min3A_686 {offsets = [10], sizes = [1], strides = [1]} : vector<16xi32> to vector<1xi32>
      %squeeze3A_717 = vector.extract %slice3A_716[0] : i32 from vector<1xi32>
      %min3A_718 = arith.minsi %min3A_715, %squeeze3A_717 : i32
      %slice3A_719 = vector.extract_strided_slice %min3A_686 {offsets = [11], sizes = [1], strides = [1]} : vector<16xi32> to vector<1xi32>
      %squeeze3A_720 = vector.extract %slice3A_719[0] : i32 from vector<1xi32>
      %min3A_721 = arith.minsi %min3A_718, %squeeze3A_720 : i32
      %slice3A_722 = vector.extract_strided_slice %min3A_686 {offsets = [12], sizes = [1], strides = [1]} : vector<16xi32> to vector<1xi32>
      %squeeze3A_723 = vector.extract %slice3A_722[0] : i32 from vector<1xi32>
      %min3A_724 = arith.minsi %min3A_721, %squeeze3A_723 : i32
      %slice3A_725 = vector.extract_strided_slice %min3A_686 {offsets = [13], sizes = [1], strides = [1]} : vector<16xi32> to vector<1xi32>
      %squeeze3A_726 = vector.extract %slice3A_725[0] : i32 from vector<1xi32>
      %min3A_727 = arith.minsi %min3A_724, %squeeze3A_726 : i32
      %slice3A_728 = vector.extract_strided_slice %min3A_686 {offsets = [14], sizes = [1], strides = [1]} : vector<16xi32> to vector<1xi32>
      %squeeze3A_729 = vector.extract %slice3A_728[0] : i32 from vector<1xi32>
      %min3A_730 = arith.minsi %min3A_727, %squeeze3A_729 : i32
      %slice3A_731 = vector.extract_strided_slice %min3A_686 {offsets = [15], sizes = [1], strides = [1]} : vector<16xi32> to vector<1xi32>
      %squeeze3A_732 = vector.extract %slice3A_731[0] : i32 from vector<1xi32>
      %min3A_733 = arith.minsi %min3A_730, %squeeze3A_732 : i32
      %eq3A_734 = arith.constant 0 : i32
      %eq3A_735 = arith.cmpi eq, %min3A_733, %eq3A_734 : i32
      %convert_element_type3A_736 = arith.extui %eq3A_735 : i1 to i32
      %cond3A_737 = arith.constant 0 : i32
      %cond3A_738 = arith.cmpi ne, %convert_element_type3A_736, %cond3A_737 : i32
      scf.if %cond3A_738 {
        %broadcast_in_dim3A = arith.constant 0.000000e+00 : f32
        %broadcast_in_dim3A_1322 = vector.broadcast %broadcast_in_dim3A : f32 to vector<16xf32>
        %scan3A_1323 = arith.constant 0 : i32
        %scan3A_1324 = arith.constant 0 : i32
        %scan3A_1325 = arith.constant 128 : i32
        %scan3A_1326 = arith.addi %scan3A_1324, %scan3A_1325 : i32
        %scan3A_1327 = arith.constant 1 : i32
        scf.for %scan3A_1329 = %scan3A_1324 to %scan3A_1326 step %scan3A_1327  : i32 {
          %get3A_1330 = arith.index_cast %add3A_635 : i32 to index
          %get3A_1331 = arith.index_cast %scan3A_1329 : i32 to index
          %get3A_1332 = tpu.vector_load %arg5[%get3A_1330, %get3A_1331] {strides = array<i32>} : memref<200x128xi32, #tpu.memory_space<vmem>>, vector<1x16xi32>,
          %get3A_1333 = vector.shape_cast %get3A_1332 : vector<1x16xi32> to vector<16xi32>
          %slice3A_1334 = vector.extract_strided_slice %get3A_1333 {offsets = [0], sizes = [1], strides = [1]} : vector<16xi32> to vector<1xi32>
          %squeeze3A_1335 = vector.extract %slice3A_1334[0] : i32 from vector<1xi32>
          %eq3A_1336 = arith.constant 0 : i32
          %eq3A_1337 = arith.cmpi eq, %squeeze3A_1335, %eq3A_1336 : i32
          %convert_element_type3A_1338 = arith.extui %eq3A_1337 : i1 to i32
          %cond3A_1339 = arith.constant 0 : i32
          %cond3A_1340 = arith.cmpi ne, %convert_element_type3A_1338, %cond3A_1339 : i32
          scf.if %cond3A_1340 {
            %swap3A = arith.constant 3 : i32
            %swap3A_1341 = arith.index_cast %swap3A : i32 to index
            %swap3A_1342 = arith.index_cast %scan3A_1329 : i32 to index
            %swap3A_1343 = arith.constant 0 : index
            %swap3A_1344 = tpu.vector_load %arg6[%swap3A_1341, %swap3A_1342, %swap3A_1343] {strides = array<i32>} : memref<8x128x64xf32, #tpu.memory_space<vmem>>, vector<1x1x16xf32>,
            %swap3A_1345 = vector.shape_cast %swap3A_1344 : vector<1x1x16xf32> to vector<16xf32>
            %swap3A_1346 = vector.shape_cast %broadcast_in_dim3A_1322 : vector<16xf32> to vector<1x1x16xf32>
            tpu.vector_store %arg6[%swap3A_1341, %swap3A_1342, %swap3A_1343], %swap3A_1346 {strides = array<i32>} : memref<8x128x64xf32, #tpu.memory_space<vmem>>, vector<1x1x16xf32>,
            %swap3A_1347 = arith.constant 3 : i32
            %swap3A_1348 = arith.index_cast %swap3A_1347 : i32 to index
            %swap3A_1349 = arith.index_cast %scan3A_1329 : i32 to index
            %swap3A_1350 = arith.constant 16 : index
            %swap3A_1351 = tpu.vector_load %arg6[%swap3A_1348, %swap3A_1349, %swap3A_1350] {strides = array<i32>} : memref<8x128x64xf32, #tpu.memory_space<vmem>>, vector<1x1x16xf32>,
            %swap3A_1352 = vector.shape_cast %swap3A_1351 : vector<1x1x16xf32> to vector<16xf32>
            %swap3A_1353 = vector.shape_cast %broadcast_in_dim3A_1322 : vector<16xf32> to vector<1x1x16xf32>
            tpu.vector_store %arg6[%swap3A_1348, %swap3A_1349, %swap3A_1350], %swap3A_1353 {strides = array<i32>} : memref<8x128x64xf32, #tpu.memory_space<vmem>>, vector<1x1x16xf32>,
            %swap3A_1354 = arith.constant 3 : i32
            %swap3A_1355 = arith.index_cast %swap3A_1354 : i32 to index
            %swap3A_1356 = arith.index_cast %scan3A_1329 : i32 to index
            %swap3A_1357 = arith.constant 32 : index
            %swap3A_1358 = tpu.vector_load %arg6[%swap3A_1355, %swap3A_1356, %swap3A_1357] {strides = array<i32>} : memref<8x128x64xf32, #tpu.memory_space<vmem>>, vector<1x1x16xf32>,
            %swap3A_1359 = vector.shape_cast %swap3A_1358 : vector<1x1x16xf32> to vector<16xf32>
            %swap3A_1360 = vector.shape_cast %broadcast_in_dim3A_1322 : vector<16xf32> to vector<1x1x16xf32>
            tpu.vector_store %arg6[%swap3A_1355, %swap3A_1356, %swap3A_1357], %swap3A_1360 {strides = array<i32>} : memref<8x128x64xf32, #tpu.memory_space<vmem>>, vector<1x1x16xf32>,
            %swap3A_1361 = arith.constant 3 : i32
            %swap3A_1362 = arith.index_cast %swap3A_1361 : i32 to index
            %swap3A_1363 = arith.index_cast %scan3A_1329 : i32 to index
            %swap3A_1364 = arith.constant 48 : index
            %swap3A_1365 = tpu.vector_load %arg6[%swap3A_1362, %swap3A_1363, %swap3A_1364] {strides = array<i32>} : memref<8x128x64xf32, #tpu.memory_space<vmem>>, vector<1x1x16xf32>,
            %swap3A_1366 = vector.shape_cast %swap3A_1365 : vector<1x1x16xf32> to vector<16xf32>
            %swap3A_1367 = vector.shape_cast %broadcast_in_dim3A_1322 : vector<16xf32> to vector<1x1x16xf32>
            tpu.vector_store %arg6[%swap3A_1362, %swap3A_1363, %swap3A_1364], %swap3A_1367 {strides = array<i32>} : memref<8x128x64xf32, #tpu.memory_space<vmem>>, vector<1x1x16xf32>,
          } else {
          }
        }
        %scan3A_1328 = arith.constant 128 : i32
      } else {
      }
      %mul3A_739 = arith.constant 128 : i32
      %mul3A_740 = arith.muli %add3A_635, %mul3A_739 : i32
      %add3A_741 = arith.addi %mul3A_4, %mul3A_740 : i32
      %shift_right_arithmetic3A_742 = arith.constant 12 : i32
      %shift_right_arithmetic3A_743 = arith.shrsi %add3A_741, %shift_right_arithmetic3A_742 : i32
      %and3A_744 = arith.constant 4095 : i32
      %and3A_745 = arith.andi %add3A_741, %and3A_744 : i32
      %dma_start3A_746 = arith.constant 3 : i32
      %dma_start3A_747 = arith.constant 0 : i32
      %dma_start3A_748 = arith.constant 0 : i32
      %dma_start3A_749 = tpu.memref_slice %arg6[%dma_start3A_746, %dma_start3A_747, %dma_start3A_748] : memref<8x128x64xf32, #tpu.memory_space<vmem>> -> memref<1x128x64xf32, #tpu.memory_space<vmem>>
      %dma_start3A_750 = tpu.memref_squeeze %dma_start3A_749 : memref<1x128x64xf32, #tpu.memory_space<vmem>> -> memref<128x64xf32, #tpu.memory_space<vmem>>
      %dma_start3A_751 = arith.constant 0 : i32
      %dma_start3A_752 = tpu.memref_slice %arg4[%shift_right_arithmetic3A_743, %and3A_745, %dma_start3A_751] : memref<200x4096x64xf32, #tpu.memory_space<hbm>> -> memref<1x128x64xf32, #tpu.memory_space<hbm>>
      %dma_start3A_753 = tpu.memref_squeeze %dma_start3A_752 : memref<1x128x64xf32, #tpu.memory_space<hbm>> -> memref<128x64xf32, #tpu.memory_space<hbm>>
      %dma_start3A_754 = arith.constant 0 : i32
      %dma_start3A_755 = tpu.memref_slice %arg4[%shift_right_arithmetic3A_743, %and3A_745, %dma_start3A_754] : memref<200x4096x64xf32, #tpu.memory_space<hbm>> -> memref<1x128x64xf32, #tpu.memory_space<hbm>>
      %dma_start3A_756 = tpu.memref_squeeze %dma_start3A_755 : memref<1x128x64xf32, #tpu.memory_space<hbm>> -> memref<128x64xf32, #tpu.memory_space<hbm>>
      %dma_start3A_757 = arith.constant 0 : i32
      %dma_start3A_758 = arith.constant 0 : i32
      %dma_start3A_759 = tpu.memref_slice %arg6[%dma_start3A_746, %dma_start3A_757, %dma_start3A_758] : memref<8x128x64xf32, #tpu.memory_space<vmem>> -> memref<1x128x64xf32, #tpu.memory_space<vmem>>
      %dma_start3A_760 = tpu.memref_squeeze %dma_start3A_759 : memref<1x128x64xf32, #tpu.memory_space<vmem>> -> memref<128x64xf32, #tpu.memory_space<vmem>>
      tpu.enqueue_dma source(%dma_start3A_760 : memref<128x64xf32, #tpu.memory_space<vmem>>) target(%dma_start3A_756 : memref<128x64xf32, #tpu.memory_space<hbm>>) target_semaphore(%arg18 : memref<!tpu.dma_semaphore, #tpu.memory_space<semaphore_mem>>)
      %add3A_761 = arith.constant 4 : i32
      %add3A_762 = arith.addi %add3A_635, %add3A_761 : i32
      %ge3A_763 = arith.constant 8 : i32
      %ge3A_764 = arith.cmpi sge, %add3A_762, %ge3A_763 : i32
      %convert_element_type3A_765 = arith.extui %ge3A_764 : i1 to i32
      %cond3A_766 = arith.constant 0 : i32
      %cond3A_767 = arith.cmpi ne, %convert_element_type3A_765, %cond3A_766 : i32
      scf.if %cond3A_767 {
        %dma_wait3A_1322 = arith.constant 7 : i32
        %dma_wait3A_1323 = arith.constant 0 : i32
        %dma_wait3A_1324 = arith.constant 0 : i32
        %dma_wait3A_1325 = arith.constant 0 : i32
        %dma_wait3A_1326 = tpu.memref_slice %arg6[%dma_wait3A_1322, %dma_wait3A_1324, %dma_wait3A_1325] : memref<8x128x64xf32, #tpu.memory_space<vmem>> -> memref<1x128x64xf32, #tpu.memory_space<vmem>>
        %dma_wait3A_1327 = tpu.memref_squeeze %dma_wait3A_1326 : memref<1x128x64xf32, #tpu.memory_space<vmem>> -> memref<128x64xf32, #tpu.memory_space<vmem>>
        %dma_wait3A_1328 = arith.constant 0 : i32
        %dma_wait3A_1329 = arith.constant 0 : i32
        %dma_wait3A_1330 = tpu.memref_slice %arg4[%dma_wait3A_1323, %dma_wait3A_1328, %dma_wait3A_1329] : memref<200x4096x64xf32, #tpu.memory_space<hbm>> -> memref<1x128x64xf32, #tpu.memory_space<hbm>>
        %dma_wait3A_1331 = tpu.memref_squeeze %dma_wait3A_1330 : memref<1x128x64xf32, #tpu.memory_space<hbm>> -> memref<128x64xf32, #tpu.memory_space<hbm>>
        %dma_wait3A_1332 = arith.constant 0 : i32
        %dma_wait3A_1333 = arith.constant 0 : i32
        %dma_wait3A_1334 = tpu.memref_slice %arg4[%dma_wait3A_1323, %dma_wait3A_1332, %dma_wait3A_1333] : memref<200x4096x64xf32, #tpu.memory_space<hbm>> -> memref<1x128x64xf32, #tpu.memory_space<hbm>>
        %dma_wait3A_1335 = tpu.memref_squeeze %dma_wait3A_1334 : memref<1x128x64xf32, #tpu.memory_space<hbm>> -> memref<128x64xf32, #tpu.memory_space<hbm>>
        %dma_wait3A_1336 = arith.constant 0 : i32
        %dma_wait3A_1337 = arith.constant 0 : i32
        %dma_wait3A_1338 = tpu.memref_slice %arg6[%dma_wait3A_1322, %dma_wait3A_1336, %dma_wait3A_1337] : memref<8x128x64xf32, #tpu.memory_space<vmem>> -> memref<1x128x64xf32, #tpu.memory_space<vmem>>
        %dma_wait3A_1339 = tpu.memref_squeeze %dma_wait3A_1338 : memref<1x128x64xf32, #tpu.memory_space<vmem>> -> memref<128x64xf32, #tpu.memory_space<vmem>>
        tpu.wait_dma2 semaphore(%arg22 : memref<!tpu.dma_semaphore, #tpu.memory_space<semaphore_mem>>) src(%dma_wait3A_1339 : memref<128x64xf32, #tpu.memory_space<vmem>>) dst(%dma_wait3A_1335 : memref<128x64xf32, #tpu.memory_space<hbm>>)
      } else {
      }
      %dma_start3A_768 = arith.constant 7 : i32
      %dma_start3A_769 = arith.constant 0 : i32
      %dma_start3A_770 = arith.constant 0 : i32
      %dma_start3A_771 = tpu.memref_slice %arg6[%dma_start3A_768, %dma_start3A_769, %dma_start3A_770] : memref<8x128x64xf32, #tpu.memory_space<vmem>> -> memref<1x128x64xf32, #tpu.memory_space<vmem>>
      %dma_start3A_772 = tpu.memref_squeeze %dma_start3A_771 : memref<1x128x64xf32, #tpu.memory_space<vmem>> -> memref<128x64xf32, #tpu.memory_space<vmem>>
      %dma_start3A_773 = arith.constant 0 : i32
      %dma_start3A_774 = tpu.memref_slice %arg5[%add3A_762, %dma_start3A_773] : memref<200x128xi32, #tpu.memory_space<vmem>> -> memref<1x128xi32, #tpu.memory_space<vmem>>
      %dma_start3A_775 = tpu.memref_squeeze %dma_start3A_774 : memref<1x128xi32, #tpu.memory_space<vmem>> -> memref<128xi32, #tpu.memory_space<vmem>>
      %dma_start3A_776 = arith.constant 0 : i32
      %dma_start3A_777 = arith.constant 0 : i32
      %dma_start3A_778 = tpu.memref_slice %arg3[%dma_start3A_776, %dma_start3A_777] : memref<1000000x64xf32, #tpu.memory_space<hbm>> -> memref<1000000x64xf32, #tpu.memory_space<hbm>>
      tpu.enqueue_indirect_dma source(%dma_start3A_778 : memref<1000000x64xf32, #tpu.memory_space<hbm>>) target(%dma_start3A_772 : memref<128x64xf32, #tpu.memory_space<vmem>>) offsets(%dma_start3A_775 : memref<128xi32, #tpu.memory_space<vmem>>) semaphore(%arg14 : memref<!tpu.dma_semaphore, #tpu.memory_space<semaphore_mem>>)
      %mul3A_779 = arith.constant 8 : i32
      %mul3A_780 = arith.muli %scan3A_200, %mul3A_779 : i32
      %add3A_781 = arith.constant 4 : i32
      %add3A_782 = arith.addi %mul3A_780, %add3A_781 : i32
      %dma_wait3A_783 = arith.constant 0 : i32
      %dma_wait3A_784 = arith.constant 4 : i32
      %dma_wait3A_785 = arith.constant 0 : i32
      %dma_wait3A_786 = arith.constant 0 : i32
      %dma_wait3A_787 = tpu.memref_slice %arg6[%dma_wait3A_784, %dma_wait3A_785, %dma_wait3A_786] : memref<8x128x64xf32, #tpu.memory_space<vmem>> -> memref<1x128x64xf32, #tpu.memory_space<vmem>>
      %dma_wait3A_788 = tpu.memref_squeeze %dma_wait3A_787 : memref<1x128x64xf32, #tpu.memory_space<vmem>> -> memref<128x64xf32, #tpu.memory_space<vmem>>
      %dma_wait3A_789 = arith.constant 0 : i32
      %dma_wait3A_790 = tpu.memref_slice %arg5[%dma_wait3A_783, %dma_wait3A_789] : memref<200x128xi32, #tpu.memory_space<vmem>> -> memref<1x128xi32, #tpu.memory_space<vmem>>
      %dma_wait3A_791 = tpu.memref_squeeze %dma_wait3A_790 : memref<1x128xi32, #tpu.memory_space<vmem>> -> memref<128xi32, #tpu.memory_space<vmem>>
      %dma_wait3A_792 = arith.constant 0 : i32
      %dma_wait3A_793 = arith.constant 0 : i32
      %dma_wait3A_794 = tpu.memref_slice %arg3[%dma_wait3A_792, %dma_wait3A_793] : memref<1000000x64xf32, #tpu.memory_space<hbm>> -> memref<1000000x64xf32, #tpu.memory_space<hbm>>
      tpu.wait_indirect_dma semaphore(%arg11 : memref<!tpu.dma_semaphore, #tpu.memory_space<semaphore_mem>>) src(%dma_wait3A_794 : memref<1000000x64xf32, #tpu.memory_space<hbm>>) dst(%dma_wait3A_788 : memref<128x64xf32, #tpu.memory_space<vmem>>)
      %get3A_795 = arith.index_cast %add3A_782 : i32 to index
      %get3A_796 = arith.constant 0 : index
      %get3A_797 = tpu.vector_load %arg5[%get3A_795, %get3A_796] {strides = array<i32>} : memref<200x128xi32, #tpu.memory_space<vmem>>, vector<1x16xi32>,
      %get3A_798 = vector.shape_cast %get3A_797 : vector<1x16xi32> to vector<16xi32>
      %get3A_799 = arith.index_cast %add3A_782 : i32 to index
      %get3A_800 = arith.constant 16 : index
      %get3A_801 = tpu.vector_load %arg5[%get3A_799, %get3A_800] {strides = array<i32>} : memref<200x128xi32, #tpu.memory_space<vmem>>, vector<1x16xi32>,
      %get3A_802 = vector.shape_cast %get3A_801 : vector<1x16xi32> to vector<16xi32>
      %min3A_803 = arith.minsi %get3A_798, %get3A_802 : vector<16xi32>
      %get3A_804 = arith.index_cast %add3A_782 : i32 to index
      %get3A_805 = arith.constant 32 : index
      %get3A_806 = tpu.vector_load %arg5[%get3A_804, %get3A_805] {strides = array<i32>} : memref<200x128xi32, #tpu.memory_space<vmem>>, vector<1x16xi32>,
      %get3A_807 = vector.shape_cast %get3A_806 : vector<1x16xi32> to vector<16xi32>
      %min3A_808 = arith.minsi %min3A_803, %get3A_807 : vector<16xi32>
      %get3A_809 = arith.index_cast %add3A_782 : i32 to index
      %get3A_810 = arith.constant 48 : index
      %get3A_811 = tpu.vector_load %arg5[%get3A_809, %get3A_810] {strides = array<i32>} : memref<200x128xi32, #tpu.memory_space<vmem>>, vector<1x16xi32>,
      %get3A_812 = vector.shape_cast %get3A_811 : vector<1x16xi32> to vector<16xi32>
      %min3A_813 = arith.minsi %min3A_808, %get3A_812 : vector<16xi32>
      %get3A_814 = arith.index_cast %add3A_782 : i32 to index
      %get3A_815 = arith.constant 64 : index
      %get3A_816 = tpu.vector_load %arg5[%get3A_814, %get3A_815] {strides = array<i32>} : memref<200x128xi32, #tpu.memory_space<vmem>>, vector<1x16xi32>,
      %get3A_817 = vector.shape_cast %get3A_816 : vector<1x16xi32> to vector<16xi32>
      %min3A_818 = arith.minsi %min3A_813, %get3A_817 : vector<16xi32>
      %get3A_819 = arith.index_cast %add3A_782 : i32 to index
      %get3A_820 = arith.constant 80 : index
      %get3A_821 = tpu.vector_load %arg5[%get3A_819, %get3A_820] {strides = array<i32>} : memref<200x128xi32, #tpu.memory_space<vmem>>, vector<1x16xi32>,
      %get3A_822 = vector.shape_cast %get3A_821 : vector<1x16xi32> to vector<16xi32>
      %min3A_823 = arith.minsi %min3A_818, %get3A_822 : vector<16xi32>
      %get3A_824 = arith.index_cast %add3A_782 : i32 to index
      %get3A_825 = arith.constant 96 : index
      %get3A_826 = tpu.vector_load %arg5[%get3A_824, %get3A_825] {strides = array<i32>} : memref<200x128xi32, #tpu.memory_space<vmem>>, vector<1x16xi32>,
      %get3A_827 = vector.shape_cast %get3A_826 : vector<1x16xi32> to vector<16xi32>
      %min3A_828 = arith.minsi %min3A_823, %get3A_827 : vector<16xi32>
      %get3A_829 = arith.index_cast %add3A_782 : i32 to index
      %get3A_830 = arith.constant 112 : index
      %get3A_831 = tpu.vector_load %arg5[%get3A_829, %get3A_830] {strides = array<i32>} : memref<200x128xi32, #tpu.memory_space<vmem>>, vector<1x16xi32>,
      %get3A_832 = vector.shape_cast %get3A_831 : vector<1x16xi32> to vector<16xi32>
      %min3A_833 = arith.minsi %min3A_828, %get3A_832 : vector<16xi32>
      %slice3A_834 = vector.extract_strided_slice %min3A_833 {offsets = [0], sizes = [1], strides = [1]} : vector<16xi32> to vector<1xi32>
      %squeeze3A_835 = vector.extract %slice3A_834[0] : i32 from vector<1xi32>
      %slice3A_836 = vector.extract_strided_slice %min3A_833 {offsets = [1], sizes = [1], strides = [1]} : vector<16xi32> to vector<1xi32>
      %squeeze3A_837 = vector.extract %slice3A_836[0] : i32 from vector<1xi32>
      %min3A_838 = arith.minsi %squeeze3A_835, %squeeze3A_837 : i32
      %slice3A_839 = vector.extract_strided_slice %min3A_833 {offsets = [2], sizes = [1], strides = [1]} : vector<16xi32> to vector<1xi32>
      %squeeze3A_840 = vector.extract %slice3A_839[0] : i32 from vector<1xi32>
      %min3A_841 = arith.minsi %min3A_838, %squeeze3A_840 : i32
      %slice3A_842 = vector.extract_strided_slice %min3A_833 {offsets = [3], sizes = [1], strides = [1]} : vector<16xi32> to vector<1xi32>
      %squeeze3A_843 = vector.extract %slice3A_842[0] : i32 from vector<1xi32>
      %min3A_844 = arith.minsi %min3A_841, %squeeze3A_843 : i32
      %slice3A_845 = vector.extract_strided_slice %min3A_833 {offsets = [4], sizes = [1], strides = [1]} : vector<16xi32> to vector<1xi32>
      %squeeze3A_846 = vector.extract %slice3A_845[0] : i32 from vector<1xi32>
      %min3A_847 = arith.minsi %min3A_844, %squeeze3A_846 : i32
      %slice3A_848 = vector.extract_strided_slice %min3A_833 {offsets = [5], sizes = [1], strides = [1]} : vector<16xi32> to vector<1xi32>
      %squeeze3A_849 = vector.extract %slice3A_848[0] : i32 from vector<1xi32>
      %min3A_850 = arith.minsi %min3A_847, %squeeze3A_849 : i32
      %slice3A_851 = vector.extract_strided_slice %min3A_833 {offsets = [6], sizes = [1], strides = [1]} : vector<16xi32> to vector<1xi32>
      %squeeze3A_852 = vector.extract %slice3A_851[0] : i32 from vector<1xi32>
      %min3A_853 = arith.minsi %min3A_850, %squeeze3A_852 : i32
      %slice3A_854 = vector.extract_strided_slice %min3A_833 {offsets = [7], sizes = [1], strides = [1]} : vector<16xi32> to vector<1xi32>
      %squeeze3A_855 = vector.extract %slice3A_854[0] : i32 from vector<1xi32>
      %min3A_856 = arith.minsi %min3A_853, %squeeze3A_855 : i32
      %slice3A_857 = vector.extract_strided_slice %min3A_833 {offsets = [8], sizes = [1], strides = [1]} : vector<16xi32> to vector<1xi32>
      %squeeze3A_858 = vector.extract %slice3A_857[0] : i32 from vector<1xi32>
      %min3A_859 = arith.minsi %min3A_856, %squeeze3A_858 : i32
      %slice3A_860 = vector.extract_strided_slice %min3A_833 {offsets = [9], sizes = [1], strides = [1]} : vector<16xi32> to vector<1xi32>
      %squeeze3A_861 = vector.extract %slice3A_860[0] : i32 from vector<1xi32>
      %min3A_862 = arith.minsi %min3A_859, %squeeze3A_861 : i32
      %slice3A_863 = vector.extract_strided_slice %min3A_833 {offsets = [10], sizes = [1], strides = [1]} : vector<16xi32> to vector<1xi32>
      %squeeze3A_864 = vector.extract %slice3A_863[0] : i32 from vector<1xi32>
      %min3A_865 = arith.minsi %min3A_862, %squeeze3A_864 : i32
      %slice3A_866 = vector.extract_strided_slice %min3A_833 {offsets = [11], sizes = [1], strides = [1]} : vector<16xi32> to vector<1xi32>
      %squeeze3A_867 = vector.extract %slice3A_866[0] : i32 from vector<1xi32>
      %min3A_868 = arith.minsi %min3A_865, %squeeze3A_867 : i32
      %slice3A_869 = vector.extract_strided_slice %min3A_833 {offsets = [12], sizes = [1], strides = [1]} : vector<16xi32> to vector<1xi32>
      %squeeze3A_870 = vector.extract %slice3A_869[0] : i32 from vector<1xi32>
      %min3A_871 = arith.minsi %min3A_868, %squeeze3A_870 : i32
      %slice3A_872 = vector.extract_strided_slice %min3A_833 {offsets = [13], sizes = [1], strides = [1]} : vector<16xi32> to vector<1xi32>
      %squeeze3A_873 = vector.extract %slice3A_872[0] : i32 from vector<1xi32>
      %min3A_874 = arith.minsi %min3A_871, %squeeze3A_873 : i32
      %slice3A_875 = vector.extract_strided_slice %min3A_833 {offsets = [14], sizes = [1], strides = [1]} : vector<16xi32> to vector<1xi32>
      %squeeze3A_876 = vector.extract %slice3A_875[0] : i32 from vector<1xi32>
      %min3A_877 = arith.minsi %min3A_874, %squeeze3A_876 : i32
      %slice3A_878 = vector.extract_strided_slice %min3A_833 {offsets = [15], sizes = [1], strides = [1]} : vector<16xi32> to vector<1xi32>
      %squeeze3A_879 = vector.extract %slice3A_878[0] : i32 from vector<1xi32>
      %min3A_880 = arith.minsi %min3A_877, %squeeze3A_879 : i32
      %eq3A_881 = arith.constant 0 : i32
      %eq3A_882 = arith.cmpi eq, %min3A_880, %eq3A_881 : i32
      %convert_element_type3A_883 = arith.extui %eq3A_882 : i1 to i32
      %cond3A_884 = arith.constant 0 : i32
      %cond3A_885 = arith.cmpi ne, %convert_element_type3A_883, %cond3A_884 : i32
      scf.if %cond3A_885 {
        %broadcast_in_dim3A = arith.constant 0.000000e+00 : f32
        %broadcast_in_dim3A_1322 = vector.broadcast %broadcast_in_dim3A : f32 to vector<16xf32>
        %scan3A_1323 = arith.constant 0 : i32
        %scan3A_1324 = arith.constant 0 : i32
        %scan3A_1325 = arith.constant 128 : i32
        %scan3A_1326 = arith.addi %scan3A_1324, %scan3A_1325 : i32
        %scan3A_1327 = arith.constant 1 : i32
        scf.for %scan3A_1329 = %scan3A_1324 to %scan3A_1326 step %scan3A_1327  : i32 {
          %get3A_1330 = arith.index_cast %add3A_782 : i32 to index
          %get3A_1331 = arith.index_cast %scan3A_1329 : i32 to index
          %get3A_1332 = tpu.vector_load %arg5[%get3A_1330, %get3A_1331] {strides = array<i32>} : memref<200x128xi32, #tpu.memory_space<vmem>>, vector<1x16xi32>,
          %get3A_1333 = vector.shape_cast %get3A_1332 : vector<1x16xi32> to vector<16xi32>
          %slice3A_1334 = vector.extract_strided_slice %get3A_1333 {offsets = [0], sizes = [1], strides = [1]} : vector<16xi32> to vector<1xi32>
          %squeeze3A_1335 = vector.extract %slice3A_1334[0] : i32 from vector<1xi32>
          %eq3A_1336 = arith.constant 0 : i32
          %eq3A_1337 = arith.cmpi eq, %squeeze3A_1335, %eq3A_1336 : i32
          %convert_element_type3A_1338 = arith.extui %eq3A_1337 : i1 to i32
          %cond3A_1339 = arith.constant 0 : i32
          %cond3A_1340 = arith.cmpi ne, %convert_element_type3A_1338, %cond3A_1339 : i32
          scf.if %cond3A_1340 {
            %swap3A = arith.constant 4 : i32
            %swap3A_1341 = arith.index_cast %swap3A : i32 to index
            %swap3A_1342 = arith.index_cast %scan3A_1329 : i32 to index
            %swap3A_1343 = arith.constant 0 : index
            %swap3A_1344 = tpu.vector_load %arg6[%swap3A_1341, %swap3A_1342, %swap3A_1343] {strides = array<i32>} : memref<8x128x64xf32, #tpu.memory_space<vmem>>, vector<1x1x16xf32>,
            %swap3A_1345 = vector.shape_cast %swap3A_1344 : vector<1x1x16xf32> to vector<16xf32>
            %swap3A_1346 = vector.shape_cast %broadcast_in_dim3A_1322 : vector<16xf32> to vector<1x1x16xf32>
            tpu.vector_store %arg6[%swap3A_1341, %swap3A_1342, %swap3A_1343], %swap3A_1346 {strides = array<i32>} : memref<8x128x64xf32, #tpu.memory_space<vmem>>, vector<1x1x16xf32>,
            %swap3A_1347 = arith.constant 4 : i32
            %swap3A_1348 = arith.index_cast %swap3A_1347 : i32 to index
            %swap3A_1349 = arith.index_cast %scan3A_1329 : i32 to index
            %swap3A_1350 = arith.constant 16 : index
            %swap3A_1351 = tpu.vector_load %arg6[%swap3A_1348, %swap3A_1349, %swap3A_1350] {strides = array<i32>} : memref<8x128x64xf32, #tpu.memory_space<vmem>>, vector<1x1x16xf32>,
            %swap3A_1352 = vector.shape_cast %swap3A_1351 : vector<1x1x16xf32> to vector<16xf32>
            %swap3A_1353 = vector.shape_cast %broadcast_in_dim3A_1322 : vector<16xf32> to vector<1x1x16xf32>
            tpu.vector_store %arg6[%swap3A_1348, %swap3A_1349, %swap3A_1350], %swap3A_1353 {strides = array<i32>} : memref<8x128x64xf32, #tpu.memory_space<vmem>>, vector<1x1x16xf32>,
            %swap3A_1354 = arith.constant 4 : i32
            %swap3A_1355 = arith.index_cast %swap3A_1354 : i32 to index
            %swap3A_1356 = arith.index_cast %scan3A_1329 : i32 to index
            %swap3A_1357 = arith.constant 32 : index
            %swap3A_1358 = tpu.vector_load %arg6[%swap3A_1355, %swap3A_1356, %swap3A_1357] {strides = array<i32>} : memref<8x128x64xf32, #tpu.memory_space<vmem>>, vector<1x1x16xf32>,
            %swap3A_1359 = vector.shape_cast %swap3A_1358 : vector<1x1x16xf32> to vector<16xf32>
            %swap3A_1360 = vector.shape_cast %broadcast_in_dim3A_1322 : vector<16xf32> to vector<1x1x16xf32>
            tpu.vector_store %arg6[%swap3A_1355, %swap3A_1356, %swap3A_1357], %swap3A_1360 {strides = array<i32>} : memref<8x128x64xf32, #tpu.memory_space<vmem>>, vector<1x1x16xf32>,
            %swap3A_1361 = arith.constant 4 : i32
            %swap3A_1362 = arith.index_cast %swap3A_1361 : i32 to index
            %swap3A_1363 = arith.index_cast %scan3A_1329 : i32 to index
            %swap3A_1364 = arith.constant 48 : index
            %swap3A_1365 = tpu.vector_load %arg6[%swap3A_1362, %swap3A_1363, %swap3A_1364] {strides = array<i32>} : memref<8x128x64xf32, #tpu.memory_space<vmem>>, vector<1x1x16xf32>,
            %swap3A_1366 = vector.shape_cast %swap3A_1365 : vector<1x1x16xf32> to vector<16xf32>
            %swap3A_1367 = vector.shape_cast %broadcast_in_dim3A_1322 : vector<16xf32> to vector<1x1x16xf32>
            tpu.vector_store %arg6[%swap3A_1362, %swap3A_1363, %swap3A_1364], %swap3A_1367 {strides = array<i32>} : memref<8x128x64xf32, #tpu.memory_space<vmem>>, vector<1x1x16xf32>,
          } else {
          }
        }
        %scan3A_1328 = arith.constant 128 : i32
      } else {
      }
      %mul3A_886 = arith.constant 128 : i32
      %mul3A_887 = arith.muli %add3A_782, %mul3A_886 : i32
      %add3A_888 = arith.addi %mul3A_4, %mul3A_887 : i32
      %shift_right_arithmetic3A_889 = arith.constant 12 : i32
      %shift_right_arithmetic3A_890 = arith.shrsi %add3A_888, %shift_right_arithmetic3A_889 : i32
      %and3A_891 = arith.constant 4095 : i32
      %and3A_892 = arith.andi %add3A_888, %and3A_891 : i32
      %dma_start3A_893 = arith.constant 4 : i32
      %dma_start3A_894 = arith.constant 0 : i32
      %dma_start3A_895 = arith.constant 0 : i32
      %dma_start3A_896 = tpu.memref_slice %arg6[%dma_start3A_893, %dma_start3A_894, %dma_start3A_895] : memref<8x128x64xf32, #tpu.memory_space<vmem>> -> memref<1x128x64xf32, #tpu.memory_space<vmem>>
      %dma_start3A_897 = tpu.memref_squeeze %dma_start3A_896 : memref<1x128x64xf32, #tpu.memory_space<vmem>> -> memref<128x64xf32, #tpu.memory_space<vmem>>
      %dma_start3A_898 = arith.constant 0 : i32
      %dma_start3A_899 = tpu.memref_slice %arg4[%shift_right_arithmetic3A_890, %and3A_892, %dma_start3A_898] : memref<200x4096x64xf32, #tpu.memory_space<hbm>> -> memref<1x128x64xf32, #tpu.memory_space<hbm>>
      %dma_start3A_900 = tpu.memref_squeeze %dma_start3A_899 : memref<1x128x64xf32, #tpu.memory_space<hbm>> -> memref<128x64xf32, #tpu.memory_space<hbm>>
      %dma_start3A_901 = arith.constant 0 : i32
      %dma_start3A_902 = tpu.memref_slice %arg4[%shift_right_arithmetic3A_890, %and3A_892, %dma_start3A_901] : memref<200x4096x64xf32, #tpu.memory_space<hbm>> -> memref<1x128x64xf32, #tpu.memory_space<hbm>>
      %dma_start3A_903 = tpu.memref_squeeze %dma_start3A_902 : memref<1x128x64xf32, #tpu.memory_space<hbm>> -> memref<128x64xf32, #tpu.memory_space<hbm>>
      %dma_start3A_904 = arith.constant 0 : i32
      %dma_start3A_905 = arith.constant 0 : i32
      %dma_start3A_906 = tpu.memref_slice %arg6[%dma_start3A_893, %dma_start3A_904, %dma_start3A_905] : memref<8x128x64xf32, #tpu.memory_space<vmem>> -> memref<1x128x64xf32, #tpu.memory_space<vmem>>
      %dma_start3A_907 = tpu.memref_squeeze %dma_start3A_906 : memref<1x128x64xf32, #tpu.memory_space<vmem>> -> memref<128x64xf32, #tpu.memory_space<vmem>>
      tpu.enqueue_dma source(%dma_start3A_907 : memref<128x64xf32, #tpu.memory_space<vmem>>) target(%dma_start3A_903 : memref<128x64xf32, #tpu.memory_space<hbm>>) target_semaphore(%arg19 : memref<!tpu.dma_semaphore, #tpu.memory_space<semaphore_mem>>)
      %add3A_908 = arith.constant 4 : i32
      %add3A_909 = arith.addi %add3A_782, %add3A_908 : i32
      %lt3A = arith.constant 200 : i32
      %lt3A_910 = arith.cmpi slt, %add3A_909, %lt3A : i32
      %convert_element_type3A_911 = arith.extui %lt3A_910 : i1 to i32
      %cond3A_912 = arith.constant 0 : i32
      %cond3A_913 = arith.cmpi ne, %convert_element_type3A_911, %cond3A_912 : i32
      scf.if %cond3A_913 {
        %dma_wait3A_1322 = arith.constant 0 : i32
        %dma_wait3A_1323 = arith.constant 0 : i32
        %dma_wait3A_1324 = arith.constant 0 : i32
        %dma_wait3A_1325 = arith.constant 0 : i32
        %dma_wait3A_1326 = tpu.memref_slice %arg6[%dma_wait3A_1322, %dma_wait3A_1324, %dma_wait3A_1325] : memref<8x128x64xf32, #tpu.memory_space<vmem>> -> memref<1x128x64xf32, #tpu.memory_space<vmem>>
        %dma_wait3A_1327 = tpu.memref_squeeze %dma_wait3A_1326 : memref<1x128x64xf32, #tpu.memory_space<vmem>> -> memref<128x64xf32, #tpu.memory_space<vmem>>
        %dma_wait3A_1328 = arith.constant 0 : i32
        %dma_wait3A_1329 = arith.constant 0 : i32
        %dma_wait3A_1330 = tpu.memref_slice %arg4[%dma_wait3A_1323, %dma_wait3A_1328, %dma_wait3A_1329] : memref<200x4096x64xf32, #tpu.memory_space<hbm>> -> memref<1x128x64xf32, #tpu.memory_space<hbm>>
        %dma_wait3A_1331 = tpu.memref_squeeze %dma_wait3A_1330 : memref<1x128x64xf32, #tpu.memory_space<hbm>> -> memref<128x64xf32, #tpu.memory_space<hbm>>
        %dma_wait3A_1332 = arith.constant 0 : i32
        %dma_wait3A_1333 = arith.constant 0 : i32
        %dma_wait3A_1334 = tpu.memref_slice %arg4[%dma_wait3A_1323, %dma_wait3A_1332, %dma_wait3A_1333] : memref<200x4096x64xf32, #tpu.memory_space<hbm>> -> memref<1x128x64xf32, #tpu.memory_space<hbm>>
        %dma_wait3A_1335 = tpu.memref_squeeze %dma_wait3A_1334 : memref<1x128x64xf32, #tpu.memory_space<hbm>> -> memref<128x64xf32, #tpu.memory_space<hbm>>
        %dma_wait3A_1336 = arith.constant 0 : i32
        %dma_wait3A_1337 = arith.constant 0 : i32
        %dma_wait3A_1338 = tpu.memref_slice %arg6[%dma_wait3A_1322, %dma_wait3A_1336, %dma_wait3A_1337] : memref<8x128x64xf32, #tpu.memory_space<vmem>> -> memref<1x128x64xf32, #tpu.memory_space<vmem>>
        %dma_wait3A_1339 = tpu.memref_squeeze %dma_wait3A_1338 : memref<1x128x64xf32, #tpu.memory_space<vmem>> -> memref<128x64xf32, #tpu.memory_space<vmem>>
        tpu.wait_dma2 semaphore(%arg15 : memref<!tpu.dma_semaphore, #tpu.memory_space<semaphore_mem>>) src(%dma_wait3A_1339 : memref<128x64xf32, #tpu.memory_space<vmem>>) dst(%dma_wait3A_1335 : memref<128x64xf32, #tpu.memory_space<hbm>>)
        %dma_start3A_1340 = arith.constant 0 : i32
        %dma_start3A_1341 = arith.constant 0 : i32
        %dma_start3A_1342 = arith.constant 0 : i32
        %dma_start3A_1343 = tpu.memref_slice %arg6[%dma_start3A_1340, %dma_start3A_1341, %dma_start3A_1342] : memref<8x128x64xf32, #tpu.memory_space<vmem>> -> memref<1x128x64xf32, #tpu.memory_space<vmem>>
        %dma_start3A_1344 = tpu.memref_squeeze %dma_start3A_1343 : memref<1x128x64xf32, #tpu.memory_space<vmem>> -> memref<128x64xf32, #tpu.memory_space<vmem>>
        %dma_start3A_1345 = arith.constant 0 : i32
        %dma_start3A_1346 = tpu.memref_slice %arg5[%add3A_909, %dma_start3A_1345] : memref<200x128xi32, #tpu.memory_space<vmem>> -> memref<1x128xi32, #tpu.memory_space<vmem>>
        %dma_start3A_1347 = tpu.memref_squeeze %dma_start3A_1346 : memref<1x128xi32, #tpu.memory_space<vmem>> -> memref<128xi32, #tpu.memory_space<vmem>>
        %dma_start3A_1348 = arith.constant 0 : i32
        %dma_start3A_1349 = arith.constant 0 : i32
        %dma_start3A_1350 = tpu.memref_slice %arg3[%dma_start3A_1348, %dma_start3A_1349] : memref<1000000x64xf32, #tpu.memory_space<hbm>> -> memref<1000000x64xf32, #tpu.memory_space<hbm>>
        tpu.enqueue_indirect_dma source(%dma_start3A_1350 : memref<1000000x64xf32, #tpu.memory_space<hbm>>) target(%dma_start3A_1344 : memref<128x64xf32, #tpu.memory_space<vmem>>) offsets(%dma_start3A_1347 : memref<128xi32, #tpu.memory_space<vmem>>) semaphore(%arg7 : memref<!tpu.dma_semaphore, #tpu.memory_space<semaphore_mem>>)
      } else {
      }
      %mul3A_914 = arith.constant 8 : i32
      %mul3A_915 = arith.muli %scan3A_200, %mul3A_914 : i32
      %add3A_916 = arith.constant 5 : i32
      %add3A_917 = arith.addi %mul3A_915, %add3A_916 : i32
      %dma_wait3A_918 = arith.constant 0 : i32
      %dma_wait3A_919 = arith.constant 5 : i32
      %dma_wait3A_920 = arith.constant 0 : i32
      %dma_wait3A_921 = arith.constant 0 : i32
      %dma_wait3A_922 = tpu.memref_slice %arg6[%dma_wait3A_919, %dma_wait3A_920, %dma_wait3A_921] : memref<8x128x64xf32, #tpu.memory_space<vmem>> -> memref<1x128x64xf32, #tpu.memory_space<vmem>>
      %dma_wait3A_923 = tpu.memref_squeeze %dma_wait3A_922 : memref<1x128x64xf32, #tpu.memory_space<vmem>> -> memref<128x64xf32, #tpu.memory_space<vmem>>
      %dma_wait3A_924 = arith.constant 0 : i32
      %dma_wait3A_925 = tpu.memref_slice %arg5[%dma_wait3A_918, %dma_wait3A_924] : memref<200x128xi32, #tpu.memory_space<vmem>> -> memref<1x128xi32, #tpu.memory_space<vmem>>
      %dma_wait3A_926 = tpu.memref_squeeze %dma_wait3A_925 : memref<1x128xi32, #tpu.memory_space<vmem>> -> memref<128xi32, #tpu.memory_space<vmem>>
      %dma_wait3A_927 = arith.constant 0 : i32
      %dma_wait3A_928 = arith.constant 0 : i32
      %dma_wait3A_929 = tpu.memref_slice %arg3[%dma_wait3A_927, %dma_wait3A_928] : memref<1000000x64xf32, #tpu.memory_space<hbm>> -> memref<1000000x64xf32, #tpu.memory_space<hbm>>
      tpu.wait_indirect_dma semaphore(%arg12 : memref<!tpu.dma_semaphore, #tpu.memory_space<semaphore_mem>>) src(%dma_wait3A_929 : memref<1000000x64xf32, #tpu.memory_space<hbm>>) dst(%dma_wait3A_923 : memref<128x64xf32, #tpu.memory_space<vmem>>)
      %get3A_930 = arith.index_cast %add3A_917 : i32 to index
      %get3A_931 = arith.constant 0 : index
      %get3A_932 = tpu.vector_load %arg5[%get3A_930, %get3A_931] {strides = array<i32>} : memref<200x128xi32, #tpu.memory_space<vmem>>, vector<1x16xi32>,
      %get3A_933 = vector.shape_cast %get3A_932 : vector<1x16xi32> to vector<16xi32>
      %get3A_934 = arith.index_cast %add3A_917 : i32 to index
      %get3A_935 = arith.constant 16 : index
      %get3A_936 = tpu.vector_load %arg5[%get3A_934, %get3A_935] {strides = array<i32>} : memref<200x128xi32, #tpu.memory_space<vmem>>, vector<1x16xi32>,
      %get3A_937 = vector.shape_cast %get3A_936 : vector<1x16xi32> to vector<16xi32>
      %min3A_938 = arith.minsi %get3A_933, %get3A_937 : vector<16xi32>
      %get3A_939 = arith.index_cast %add3A_917 : i32 to index
      %get3A_940 = arith.constant 32 : index
      %get3A_941 = tpu.vector_load %arg5[%get3A_939, %get3A_940] {strides = array<i32>} : memref<200x128xi32, #tpu.memory_space<vmem>>, vector<1x16xi32>,
      %get3A_942 = vector.shape_cast %get3A_941 : vector<1x16xi32> to vector<16xi32>
      %min3A_943 = arith.minsi %min3A_938, %get3A_942 : vector<16xi32>
      %get3A_944 = arith.index_cast %add3A_917 : i32 to index
      %get3A_945 = arith.constant 48 : index
      %get3A_946 = tpu.vector_load %arg5[%get3A_944, %get3A_945] {strides = array<i32>} : memref<200x128xi32, #tpu.memory_space<vmem>>, vector<1x16xi32>,
      %get3A_947 = vector.shape_cast %get3A_946 : vector<1x16xi32> to vector<16xi32>
      %min3A_948 = arith.minsi %min3A_943, %get3A_947 : vector<16xi32>
      %get3A_949 = arith.index_cast %add3A_917 : i32 to index
      %get3A_950 = arith.constant 64 : index
      %get3A_951 = tpu.vector_load %arg5[%get3A_949, %get3A_950] {strides = array<i32>} : memref<200x128xi32, #tpu.memory_space<vmem>>, vector<1x16xi32>,
      %get3A_952 = vector.shape_cast %get3A_951 : vector<1x16xi32> to vector<16xi32>
      %min3A_953 = arith.minsi %min3A_948, %get3A_952 : vector<16xi32>
      %get3A_954 = arith.index_cast %add3A_917 : i32 to index
      %get3A_955 = arith.constant 80 : index
      %get3A_956 = tpu.vector_load %arg5[%get3A_954, %get3A_955] {strides = array<i32>} : memref<200x128xi32, #tpu.memory_space<vmem>>, vector<1x16xi32>,
      %get3A_957 = vector.shape_cast %get3A_956 : vector<1x16xi32> to vector<16xi32>
      %min3A_958 = arith.minsi %min3A_953, %get3A_957 : vector<16xi32>
      %get3A_959 = arith.index_cast %add3A_917 : i32 to index
      %get3A_960 = arith.constant 96 : index
      %get3A_961 = tpu.vector_load %arg5[%get3A_959, %get3A_960] {strides = array<i32>} : memref<200x128xi32, #tpu.memory_space<vmem>>, vector<1x16xi32>,
      %get3A_962 = vector.shape_cast %get3A_961 : vector<1x16xi32> to vector<16xi32>
      %min3A_963 = arith.minsi %min3A_958, %get3A_962 : vector<16xi32>
      %get3A_964 = arith.index_cast %add3A_917 : i32 to index
      %get3A_965 = arith.constant 112 : index
      %get3A_966 = tpu.vector_load %arg5[%get3A_964, %get3A_965] {strides = array<i32>} : memref<200x128xi32, #tpu.memory_space<vmem>>, vector<1x16xi32>,
      %get3A_967 = vector.shape_cast %get3A_966 : vector<1x16xi32> to vector<16xi32>
      %min3A_968 = arith.minsi %min3A_963, %get3A_967 : vector<16xi32>
      %slice3A_969 = vector.extract_strided_slice %min3A_968 {offsets = [0], sizes = [1], strides = [1]} : vector<16xi32> to vector<1xi32>
      %squeeze3A_970 = vector.extract %slice3A_969[0] : i32 from vector<1xi32>
      %slice3A_971 = vector.extract_strided_slice %min3A_968 {offsets = [1], sizes = [1], strides = [1]} : vector<16xi32> to vector<1xi32>
      %squeeze3A_972 = vector.extract %slice3A_971[0] : i32 from vector<1xi32>
      %min3A_973 = arith.minsi %squeeze3A_970, %squeeze3A_972 : i32
      %slice3A_974 = vector.extract_strided_slice %min3A_968 {offsets = [2], sizes = [1], strides = [1]} : vector<16xi32> to vector<1xi32>
      %squeeze3A_975 = vector.extract %slice3A_974[0] : i32 from vector<1xi32>
      %min3A_976 = arith.minsi %min3A_973, %squeeze3A_975 : i32
      %slice3A_977 = vector.extract_strided_slice %min3A_968 {offsets = [3], sizes = [1], strides = [1]} : vector<16xi32> to vector<1xi32>
      %squeeze3A_978 = vector.extract %slice3A_977[0] : i32 from vector<1xi32>
      %min3A_979 = arith.minsi %min3A_976, %squeeze3A_978 : i32
      %slice3A_980 = vector.extract_strided_slice %min3A_968 {offsets = [4], sizes = [1], strides = [1]} : vector<16xi32> to vector<1xi32>
      %squeeze3A_981 = vector.extract %slice3A_980[0] : i32 from vector<1xi32>
      %min3A_982 = arith.minsi %min3A_979, %squeeze3A_981 : i32
      %slice3A_983 = vector.extract_strided_slice %min3A_968 {offsets = [5], sizes = [1], strides = [1]} : vector<16xi32> to vector<1xi32>
      %squeeze3A_984 = vector.extract %slice3A_983[0] : i32 from vector<1xi32>
      %min3A_985 = arith.minsi %min3A_982, %squeeze3A_984 : i32
      %slice3A_986 = vector.extract_strided_slice %min3A_968 {offsets = [6], sizes = [1], strides = [1]} : vector<16xi32> to vector<1xi32>
      %squeeze3A_987 = vector.extract %slice3A_986[0] : i32 from vector<1xi32>
      %min3A_988 = arith.minsi %min3A_985, %squeeze3A_987 : i32
      %slice3A_989 = vector.extract_strided_slice %min3A_968 {offsets = [7], sizes = [1], strides = [1]} : vector<16xi32> to vector<1xi32>
      %squeeze3A_990 = vector.extract %slice3A_989[0] : i32 from vector<1xi32>
      %min3A_991 = arith.minsi %min3A_988, %squeeze3A_990 : i32
      %slice3A_992 = vector.extract_strided_slice %min3A_968 {offsets = [8], sizes = [1], strides = [1]} : vector<16xi32> to vector<1xi32>
      %squeeze3A_993 = vector.extract %slice3A_992[0] : i32 from vector<1xi32>
      %min3A_994 = arith.minsi %min3A_991, %squeeze3A_993 : i32
      %slice3A_995 = vector.extract_strided_slice %min3A_968 {offsets = [9], sizes = [1], strides = [1]} : vector<16xi32> to vector<1xi32>
      %squeeze3A_996 = vector.extract %slice3A_995[0] : i32 from vector<1xi32>
      %min3A_997 = arith.minsi %min3A_994, %squeeze3A_996 : i32
      %slice3A_998 = vector.extract_strided_slice %min3A_968 {offsets = [10], sizes = [1], strides = [1]} : vector<16xi32> to vector<1xi32>
      %squeeze3A_999 = vector.extract %slice3A_998[0] : i32 from vector<1xi32>
      %min3A_1000 = arith.minsi %min3A_997, %squeeze3A_999 : i32
      %slice3A_1001 = vector.extract_strided_slice %min3A_968 {offsets = [11], sizes = [1], strides = [1]} : vector<16xi32> to vector<1xi32>
      %squeeze3A_1002 = vector.extract %slice3A_1001[0] : i32 from vector<1xi32>
      %min3A_1003 = arith.minsi %min3A_1000, %squeeze3A_1002 : i32
      %slice3A_1004 = vector.extract_strided_slice %min3A_968 {offsets = [12], sizes = [1], strides = [1]} : vector<16xi32> to vector<1xi32>
      %squeeze3A_1005 = vector.extract %slice3A_1004[0] : i32 from vector<1xi32>
      %min3A_1006 = arith.minsi %min3A_1003, %squeeze3A_1005 : i32
      %slice3A_1007 = vector.extract_strided_slice %min3A_968 {offsets = [13], sizes = [1], strides = [1]} : vector<16xi32> to vector<1xi32>
      %squeeze3A_1008 = vector.extract %slice3A_1007[0] : i32 from vector<1xi32>
      %min3A_1009 = arith.minsi %min3A_1006, %squeeze3A_1008 : i32
      %slice3A_1010 = vector.extract_strided_slice %min3A_968 {offsets = [14], sizes = [1], strides = [1]} : vector<16xi32> to vector<1xi32>
      %squeeze3A_1011 = vector.extract %slice3A_1010[0] : i32 from vector<1xi32>
      %min3A_1012 = arith.minsi %min3A_1009, %squeeze3A_1011 : i32
      %slice3A_1013 = vector.extract_strided_slice %min3A_968 {offsets = [15], sizes = [1], strides = [1]} : vector<16xi32> to vector<1xi32>
      %squeeze3A_1014 = vector.extract %slice3A_1013[0] : i32 from vector<1xi32>
      %min3A_1015 = arith.minsi %min3A_1012, %squeeze3A_1014 : i32
      %eq3A_1016 = arith.constant 0 : i32
      %eq3A_1017 = arith.cmpi eq, %min3A_1015, %eq3A_1016 : i32
      %convert_element_type3A_1018 = arith.extui %eq3A_1017 : i1 to i32
      %cond3A_1019 = arith.constant 0 : i32
      %cond3A_1020 = arith.cmpi ne, %convert_element_type3A_1018, %cond3A_1019 : i32
      scf.if %cond3A_1020 {
        %broadcast_in_dim3A = arith.constant 0.000000e+00 : f32
        %broadcast_in_dim3A_1322 = vector.broadcast %broadcast_in_dim3A : f32 to vector<16xf32>
        %scan3A_1323 = arith.constant 0 : i32
        %scan3A_1324 = arith.constant 0 : i32
        %scan3A_1325 = arith.constant 128 : i32
        %scan3A_1326 = arith.addi %scan3A_1324, %scan3A_1325 : i32
        %scan3A_1327 = arith.constant 1 : i32
        scf.for %scan3A_1329 = %scan3A_1324 to %scan3A_1326 step %scan3A_1327  : i32 {
          %get3A_1330 = arith.index_cast %add3A_917 : i32 to index
          %get3A_1331 = arith.index_cast %scan3A_1329 : i32 to index
          %get3A_1332 = tpu.vector_load %arg5[%get3A_1330, %get3A_1331] {strides = array<i32>} : memref<200x128xi32, #tpu.memory_space<vmem>>, vector<1x16xi32>,
          %get3A_1333 = vector.shape_cast %get3A_1332 : vector<1x16xi32> to vector<16xi32>
          %slice3A_1334 = vector.extract_strided_slice %get3A_1333 {offsets = [0], sizes = [1], strides = [1]} : vector<16xi32> to vector<1xi32>
          %squeeze3A_1335 = vector.extract %slice3A_1334[0] : i32 from vector<1xi32>
          %eq3A_1336 = arith.constant 0 : i32
          %eq3A_1337 = arith.cmpi eq, %squeeze3A_1335, %eq3A_1336 : i32
          %convert_element_type3A_1338 = arith.extui %eq3A_1337 : i1 to i32
          %cond3A_1339 = arith.constant 0 : i32
          %cond3A_1340 = arith.cmpi ne, %convert_element_type3A_1338, %cond3A_1339 : i32
          scf.if %cond3A_1340 {
            %swap3A = arith.constant 5 : i32
            %swap3A_1341 = arith.index_cast %swap3A : i32 to index
            %swap3A_1342 = arith.index_cast %scan3A_1329 : i32 to index
            %swap3A_1343 = arith.constant 0 : index
            %swap3A_1344 = tpu.vector_load %arg6[%swap3A_1341, %swap3A_1342, %swap3A_1343] {strides = array<i32>} : memref<8x128x64xf32, #tpu.memory_space<vmem>>, vector<1x1x16xf32>,
            %swap3A_1345 = vector.shape_cast %swap3A_1344 : vector<1x1x16xf32> to vector<16xf32>
            %swap3A_1346 = vector.shape_cast %broadcast_in_dim3A_1322 : vector<16xf32> to vector<1x1x16xf32>
            tpu.vector_store %arg6[%swap3A_1341, %swap3A_1342, %swap3A_1343], %swap3A_1346 {strides = array<i32>} : memref<8x128x64xf32, #tpu.memory_space<vmem>>, vector<1x1x16xf32>,
            %swap3A_1347 = arith.constant 5 : i32
            %swap3A_1348 = arith.index_cast %swap3A_1347 : i32 to index
            %swap3A_1349 = arith.index_cast %scan3A_1329 : i32 to index
            %swap3A_1350 = arith.constant 16 : index
            %swap3A_1351 = tpu.vector_load %arg6[%swap3A_1348, %swap3A_1349, %swap3A_1350] {strides = array<i32>} : memref<8x128x64xf32, #tpu.memory_space<vmem>>, vector<1x1x16xf32>,
            %swap3A_1352 = vector.shape_cast %swap3A_1351 : vector<1x1x16xf32> to vector<16xf32>
            %swap3A_1353 = vector.shape_cast %broadcast_in_dim3A_1322 : vector<16xf32> to vector<1x1x16xf32>
            tpu.vector_store %arg6[%swap3A_1348, %swap3A_1349, %swap3A_1350], %swap3A_1353 {strides = array<i32>} : memref<8x128x64xf32, #tpu.memory_space<vmem>>, vector<1x1x16xf32>,
            %swap3A_1354 = arith.constant 5 : i32
            %swap3A_1355 = arith.index_cast %swap3A_1354 : i32 to index
            %swap3A_1356 = arith.index_cast %scan3A_1329 : i32 to index
            %swap3A_1357 = arith.constant 32 : index
            %swap3A_1358 = tpu.vector_load %arg6[%swap3A_1355, %swap3A_1356, %swap3A_1357] {strides = array<i32>} : memref<8x128x64xf32, #tpu.memory_space<vmem>>, vector<1x1x16xf32>,
            %swap3A_1359 = vector.shape_cast %swap3A_1358 : vector<1x1x16xf32> to vector<16xf32>
            %swap3A_1360 = vector.shape_cast %broadcast_in_dim3A_1322 : vector<16xf32> to vector<1x1x16xf32>
            tpu.vector_store %arg6[%swap3A_1355, %swap3A_1356, %swap3A_1357], %swap3A_1360 {strides = array<i32>} : memref<8x128x64xf32, #tpu.memory_space<vmem>>, vector<1x1x16xf32>,
            %swap3A_1361 = arith.constant 5 : i32
            %swap3A_1362 = arith.index_cast %swap3A_1361 : i32 to index
            %swap3A_1363 = arith.index_cast %scan3A_1329 : i32 to index
            %swap3A_1364 = arith.constant 48 : index
            %swap3A_1365 = tpu.vector_load %arg6[%swap3A_1362, %swap3A_1363, %swap3A_1364] {strides = array<i32>} : memref<8x128x64xf32, #tpu.memory_space<vmem>>, vector<1x1x16xf32>,
            %swap3A_1366 = vector.shape_cast %swap3A_1365 : vector<1x1x16xf32> to vector<16xf32>
            %swap3A_1367 = vector.shape_cast %broadcast_in_dim3A_1322 : vector<16xf32> to vector<1x1x16xf32>
            tpu.vector_store %arg6[%swap3A_1362, %swap3A_1363, %swap3A_1364], %swap3A_1367 {strides = array<i32>} : memref<8x128x64xf32, #tpu.memory_space<vmem>>, vector<1x1x16xf32>,
          } else {
          }
        }
        %scan3A_1328 = arith.constant 128 : i32
      } else {
      }
      %mul3A_1021 = arith.constant 128 : i32
      %mul3A_1022 = arith.muli %add3A_917, %mul3A_1021 : i32
      %add3A_1023 = arith.addi %mul3A_4, %mul3A_1022 : i32
      %shift_right_arithmetic3A_1024 = arith.constant 12 : i32
      %shift_right_arithmetic3A_1025 = arith.shrsi %add3A_1023, %shift_right_arithmetic3A_1024 : i32
      %and3A_1026 = arith.constant 4095 : i32
      %and3A_1027 = arith.andi %add3A_1023, %and3A_1026 : i32
      %dma_start3A_1028 = arith.constant 5 : i32
      %dma_start3A_1029 = arith.constant 0 : i32
      %dma_start3A_1030 = arith.constant 0 : i32
      %dma_start3A_1031 = tpu.memref_slice %arg6[%dma_start3A_1028, %dma_start3A_1029, %dma_start3A_1030] : memref<8x128x64xf32, #tpu.memory_space<vmem>> -> memref<1x128x64xf32, #tpu.memory_space<vmem>>
      %dma_start3A_1032 = tpu.memref_squeeze %dma_start3A_1031 : memref<1x128x64xf32, #tpu.memory_space<vmem>> -> memref<128x64xf32, #tpu.memory_space<vmem>>
      %dma_start3A_1033 = arith.constant 0 : i32
      %dma_start3A_1034 = tpu.memref_slice %arg4[%shift_right_arithmetic3A_1025, %and3A_1027, %dma_start3A_1033] : memref<200x4096x64xf32, #tpu.memory_space<hbm>> -> memref<1x128x64xf32, #tpu.memory_space<hbm>>
      %dma_start3A_1035 = tpu.memref_squeeze %dma_start3A_1034 : memref<1x128x64xf32, #tpu.memory_space<hbm>> -> memref<128x64xf32, #tpu.memory_space<hbm>>
      %dma_start3A_1036 = arith.constant 0 : i32
      %dma_start3A_1037 = tpu.memref_slice %arg4[%shift_right_arithmetic3A_1025, %and3A_1027, %dma_start3A_1036] : memref<200x4096x64xf32, #tpu.memory_space<hbm>> -> memref<1x128x64xf32, #tpu.memory_space<hbm>>
      %dma_start3A_1038 = tpu.memref_squeeze %dma_start3A_1037 : memref<1x128x64xf32, #tpu.memory_space<hbm>> -> memref<128x64xf32, #tpu.memory_space<hbm>>
      %dma_start3A_1039 = arith.constant 0 : i32
      %dma_start3A_1040 = arith.constant 0 : i32
      %dma_start3A_1041 = tpu.memref_slice %arg6[%dma_start3A_1028, %dma_start3A_1039, %dma_start3A_1040] : memref<8x128x64xf32, #tpu.memory_space<vmem>> -> memref<1x128x64xf32, #tpu.memory_space<vmem>>
      %dma_start3A_1042 = tpu.memref_squeeze %dma_start3A_1041 : memref<1x128x64xf32, #tpu.memory_space<vmem>> -> memref<128x64xf32, #tpu.memory_space<vmem>>
      tpu.enqueue_dma source(%dma_start3A_1042 : memref<128x64xf32, #tpu.memory_space<vmem>>) target(%dma_start3A_1038 : memref<128x64xf32, #tpu.memory_space<hbm>>) target_semaphore(%arg20 : memref<!tpu.dma_semaphore, #tpu.memory_space<semaphore_mem>>)
      %add3A_1043 = arith.constant 4 : i32
      %add3A_1044 = arith.addi %add3A_917, %add3A_1043 : i32
      %lt3A_1045 = arith.constant 200 : i32
      %lt3A_1046 = arith.cmpi slt, %add3A_1044, %lt3A_1045 : i32
      %convert_element_type3A_1047 = arith.extui %lt3A_1046 : i1 to i32
      %cond3A_1048 = arith.constant 0 : i32
      %cond3A_1049 = arith.cmpi ne, %convert_element_type3A_1047, %cond3A_1048 : i32
      scf.if %cond3A_1049 {
        %dma_wait3A_1322 = arith.constant 1 : i32
        %dma_wait3A_1323 = arith.constant 0 : i32
        %dma_wait3A_1324 = arith.constant 0 : i32
        %dma_wait3A_1325 = arith.constant 0 : i32
        %dma_wait3A_1326 = tpu.memref_slice %arg6[%dma_wait3A_1322, %dma_wait3A_1324, %dma_wait3A_1325] : memref<8x128x64xf32, #tpu.memory_space<vmem>> -> memref<1x128x64xf32, #tpu.memory_space<vmem>>
        %dma_wait3A_1327 = tpu.memref_squeeze %dma_wait3A_1326 : memref<1x128x64xf32, #tpu.memory_space<vmem>> -> memref<128x64xf32, #tpu.memory_space<vmem>>
        %dma_wait3A_1328 = arith.constant 0 : i32
        %dma_wait3A_1329 = arith.constant 0 : i32
        %dma_wait3A_1330 = tpu.memref_slice %arg4[%dma_wait3A_1323, %dma_wait3A_1328, %dma_wait3A_1329] : memref<200x4096x64xf32, #tpu.memory_space<hbm>> -> memref<1x128x64xf32, #tpu.memory_space<hbm>>
        %dma_wait3A_1331 = tpu.memref_squeeze %dma_wait3A_1330 : memref<1x128x64xf32, #tpu.memory_space<hbm>> -> memref<128x64xf32, #tpu.memory_space<hbm>>
        %dma_wait3A_1332 = arith.constant 0 : i32
        %dma_wait3A_1333 = arith.constant 0 : i32
        %dma_wait3A_1334 = tpu.memref_slice %arg4[%dma_wait3A_1323, %dma_wait3A_1332, %dma_wait3A_1333] : memref<200x4096x64xf32, #tpu.memory_space<hbm>> -> memref<1x128x64xf32, #tpu.memory_space<hbm>>
        %dma_wait3A_1335 = tpu.memref_squeeze %dma_wait3A_1334 : memref<1x128x64xf32, #tpu.memory_space<hbm>> -> memref<128x64xf32, #tpu.memory_space<hbm>>
        %dma_wait3A_1336 = arith.constant 0 : i32
        %dma_wait3A_1337 = arith.constant 0 : i32
        %dma_wait3A_1338 = tpu.memref_slice %arg6[%dma_wait3A_1322, %dma_wait3A_1336, %dma_wait3A_1337] : memref<8x128x64xf32, #tpu.memory_space<vmem>> -> memref<1x128x64xf32, #tpu.memory_space<vmem>>
        %dma_wait3A_1339 = tpu.memref_squeeze %dma_wait3A_1338 : memref<1x128x64xf32, #tpu.memory_space<vmem>> -> memref<128x64xf32, #tpu.memory_space<vmem>>
        tpu.wait_dma2 semaphore(%arg16 : memref<!tpu.dma_semaphore, #tpu.memory_space<semaphore_mem>>) src(%dma_wait3A_1339 : memref<128x64xf32, #tpu.memory_space<vmem>>) dst(%dma_wait3A_1335 : memref<128x64xf32, #tpu.memory_space<hbm>>)
        %dma_start3A_1340 = arith.constant 1 : i32
        %dma_start3A_1341 = arith.constant 0 : i32
        %dma_start3A_1342 = arith.constant 0 : i32
        %dma_start3A_1343 = tpu.memref_slice %arg6[%dma_start3A_1340, %dma_start3A_1341, %dma_start3A_1342] : memref<8x128x64xf32, #tpu.memory_space<vmem>> -> memref<1x128x64xf32, #tpu.memory_space<vmem>>
        %dma_start3A_1344 = tpu.memref_squeeze %dma_start3A_1343 : memref<1x128x64xf32, #tpu.memory_space<vmem>> -> memref<128x64xf32, #tpu.memory_space<vmem>>
        %dma_start3A_1345 = arith.constant 0 : i32
        %dma_start3A_1346 = tpu.memref_slice %arg5[%add3A_1044, %dma_start3A_1345] : memref<200x128xi32, #tpu.memory_space<vmem>> -> memref<1x128xi32, #tpu.memory_space<vmem>>
        %dma_start3A_1347 = tpu.memref_squeeze %dma_start3A_1346 : memref<1x128xi32, #tpu.memory_space<vmem>> -> memref<128xi32, #tpu.memory_space<vmem>>
        %dma_start3A_1348 = arith.constant 0 : i32
        %dma_start3A_1349 = arith.constant 0 : i32
        %dma_start3A_1350 = tpu.memref_slice %arg3[%dma_start3A_1348, %dma_start3A_1349] : memref<1000000x64xf32, #tpu.memory_space<hbm>> -> memref<1000000x64xf32, #tpu.memory_space<hbm>>
        tpu.enqueue_indirect_dma source(%dma_start3A_1350 : memref<1000000x64xf32, #tpu.memory_space<hbm>>) target(%dma_start3A_1344 : memref<128x64xf32, #tpu.memory_space<vmem>>) offsets(%dma_start3A_1347 : memref<128xi32, #tpu.memory_space<vmem>>) semaphore(%arg8 : memref<!tpu.dma_semaphore, #tpu.memory_space<semaphore_mem>>)
      } else {
      }
      %mul3A_1050 = arith.constant 8 : i32
      %mul3A_1051 = arith.muli %scan3A_200, %mul3A_1050 : i32
      %add3A_1052 = arith.constant 6 : i32
      %add3A_1053 = arith.addi %mul3A_1051, %add3A_1052 : i32
      %dma_wait3A_1054 = arith.constant 0 : i32
      %dma_wait3A_1055 = arith.constant 6 : i32
      %dma_wait3A_1056 = arith.constant 0 : i32
      %dma_wait3A_1057 = arith.constant 0 : i32
      %dma_wait3A_1058 = tpu.memref_slice %arg6[%dma_wait3A_1055, %dma_wait3A_1056, %dma_wait3A_1057] : memref<8x128x64xf32, #tpu.memory_space<vmem>> -> memref<1x128x64xf32, #tpu.memory_space<vmem>>
      %dma_wait3A_1059 = tpu.memref_squeeze %dma_wait3A_1058 : memref<1x128x64xf32, #tpu.memory_space<vmem>> -> memref<128x64xf32, #tpu.memory_space<vmem>>
      %dma_wait3A_1060 = arith.constant 0 : i32
      %dma_wait3A_1061 = tpu.memref_slice %arg5[%dma_wait3A_1054, %dma_wait3A_1060] : memref<200x128xi32, #tpu.memory_space<vmem>> -> memref<1x128xi32, #tpu.memory_space<vmem>>
      %dma_wait3A_1062 = tpu.memref_squeeze %dma_wait3A_1061 : memref<1x128xi32, #tpu.memory_space<vmem>> -> memref<128xi32, #tpu.memory_space<vmem>>
      %dma_wait3A_1063 = arith.constant 0 : i32
      %dma_wait3A_1064 = arith.constant 0 : i32
      %dma_wait3A_1065 = tpu.memref_slice %arg3[%dma_wait3A_1063, %dma_wait3A_1064] : memref<1000000x64xf32, #tpu.memory_space<hbm>> -> memref<1000000x64xf32, #tpu.memory_space<hbm>>
      tpu.wait_indirect_dma semaphore(%arg13 : memref<!tpu.dma_semaphore, #tpu.memory_space<semaphore_mem>>) src(%dma_wait3A_1065 : memref<1000000x64xf32, #tpu.memory_space<hbm>>) dst(%dma_wait3A_1059 : memref<128x64xf32, #tpu.memory_space<vmem>>)
      %get3A_1066 = arith.index_cast %add3A_1053 : i32 to index
      %get3A_1067 = arith.constant 0 : index
      %get3A_1068 = tpu.vector_load %arg5[%get3A_1066, %get3A_1067] {strides = array<i32>} : memref<200x128xi32, #tpu.memory_space<vmem>>, vector<1x16xi32>,
      %get3A_1069 = vector.shape_cast %get3A_1068 : vector<1x16xi32> to vector<16xi32>
      %get3A_1070 = arith.index_cast %add3A_1053 : i32 to index
      %get3A_1071 = arith.constant 16 : index
      %get3A_1072 = tpu.vector_load %arg5[%get3A_1070, %get3A_1071] {strides = array<i32>} : memref<200x128xi32, #tpu.memory_space<vmem>>, vector<1x16xi32>,
      %get3A_1073 = vector.shape_cast %get3A_1072 : vector<1x16xi32> to vector<16xi32>
      %min3A_1074 = arith.minsi %get3A_1069, %get3A_1073 : vector<16xi32>
      %get3A_1075 = arith.index_cast %add3A_1053 : i32 to index
      %get3A_1076 = arith.constant 32 : index
      %get3A_1077 = tpu.vector_load %arg5[%get3A_1075, %get3A_1076] {strides = array<i32>} : memref<200x128xi32, #tpu.memory_space<vmem>>, vector<1x16xi32>,
      %get3A_1078 = vector.shape_cast %get3A_1077 : vector<1x16xi32> to vector<16xi32>
      %min3A_1079 = arith.minsi %min3A_1074, %get3A_1078 : vector<16xi32>
      %get3A_1080 = arith.index_cast %add3A_1053 : i32 to index
      %get3A_1081 = arith.constant 48 : index
      %get3A_1082 = tpu.vector_load %arg5[%get3A_1080, %get3A_1081] {strides = array<i32>} : memref<200x128xi32, #tpu.memory_space<vmem>>, vector<1x16xi32>,
      %get3A_1083 = vector.shape_cast %get3A_1082 : vector<1x16xi32> to vector<16xi32>
      %min3A_1084 = arith.minsi %min3A_1079, %get3A_1083 : vector<16xi32>
      %get3A_1085 = arith.index_cast %add3A_1053 : i32 to index
      %get3A_1086 = arith.constant 64 : index
      %get3A_1087 = tpu.vector_load %arg5[%get3A_1085, %get3A_1086] {strides = array<i32>} : memref<200x128xi32, #tpu.memory_space<vmem>>, vector<1x16xi32>,
      %get3A_1088 = vector.shape_cast %get3A_1087 : vector<1x16xi32> to vector<16xi32>
      %min3A_1089 = arith.minsi %min3A_1084, %get3A_1088 : vector<16xi32>
      %get3A_1090 = arith.index_cast %add3A_1053 : i32 to index
      %get3A_1091 = arith.constant 80 : index
      %get3A_1092 = tpu.vector_load %arg5[%get3A_1090, %get3A_1091] {strides = array<i32>} : memref<200x128xi32, #tpu.memory_space<vmem>>, vector<1x16xi32>,
      %get3A_1093 = vector.shape_cast %get3A_1092 : vector<1x16xi32> to vector<16xi32>
      %min3A_1094 = arith.minsi %min3A_1089, %get3A_1093 : vector<16xi32>
      %get3A_1095 = arith.index_cast %add3A_1053 : i32 to index
      %get3A_1096 = arith.constant 96 : index
      %get3A_1097 = tpu.vector_load %arg5[%get3A_1095, %get3A_1096] {strides = array<i32>} : memref<200x128xi32, #tpu.memory_space<vmem>>, vector<1x16xi32>,
      %get3A_1098 = vector.shape_cast %get3A_1097 : vector<1x16xi32> to vector<16xi32>
      %min3A_1099 = arith.minsi %min3A_1094, %get3A_1098 : vector<16xi32>
      %get3A_1100 = arith.index_cast %add3A_1053 : i32 to index
      %get3A_1101 = arith.constant 112 : index
      %get3A_1102 = tpu.vector_load %arg5[%get3A_1100, %get3A_1101] {strides = array<i32>} : memref<200x128xi32, #tpu.memory_space<vmem>>, vector<1x16xi32>,
      %get3A_1103 = vector.shape_cast %get3A_1102 : vector<1x16xi32> to vector<16xi32>
      %min3A_1104 = arith.minsi %min3A_1099, %get3A_1103 : vector<16xi32>
      %slice3A_1105 = vector.extract_strided_slice %min3A_1104 {offsets = [0], sizes = [1], strides = [1]} : vector<16xi32> to vector<1xi32>
      %squeeze3A_1106 = vector.extract %slice3A_1105[0] : i32 from vector<1xi32>
      %slice3A_1107 = vector.extract_strided_slice %min3A_1104 {offsets = [1], sizes = [1], strides = [1]} : vector<16xi32> to vector<1xi32>
      %squeeze3A_1108 = vector.extract %slice3A_1107[0] : i32 from vector<1xi32>
      %min3A_1109 = arith.minsi %squeeze3A_1106, %squeeze3A_1108 : i32
      %slice3A_1110 = vector.extract_strided_slice %min3A_1104 {offsets = [2], sizes = [1], strides = [1]} : vector<16xi32> to vector<1xi32>
      %squeeze3A_1111 = vector.extract %slice3A_1110[0] : i32 from vector<1xi32>
      %min3A_1112 = arith.minsi %min3A_1109, %squeeze3A_1111 : i32
      %slice3A_1113 = vector.extract_strided_slice %min3A_1104 {offsets = [3], sizes = [1], strides = [1]} : vector<16xi32> to vector<1xi32>
      %squeeze3A_1114 = vector.extract %slice3A_1113[0] : i32 from vector<1xi32>
      %min3A_1115 = arith.minsi %min3A_1112, %squeeze3A_1114 : i32
      %slice3A_1116 = vector.extract_strided_slice %min3A_1104 {offsets = [4], sizes = [1], strides = [1]} : vector<16xi32> to vector<1xi32>
      %squeeze3A_1117 = vector.extract %slice3A_1116[0] : i32 from vector<1xi32>
      %min3A_1118 = arith.minsi %min3A_1115, %squeeze3A_1117 : i32
      %slice3A_1119 = vector.extract_strided_slice %min3A_1104 {offsets = [5], sizes = [1], strides = [1]} : vector<16xi32> to vector<1xi32>
      %squeeze3A_1120 = vector.extract %slice3A_1119[0] : i32 from vector<1xi32>
      %min3A_1121 = arith.minsi %min3A_1118, %squeeze3A_1120 : i32
      %slice3A_1122 = vector.extract_strided_slice %min3A_1104 {offsets = [6], sizes = [1], strides = [1]} : vector<16xi32> to vector<1xi32>
      %squeeze3A_1123 = vector.extract %slice3A_1122[0] : i32 from vector<1xi32>
      %min3A_1124 = arith.minsi %min3A_1121, %squeeze3A_1123 : i32
      %slice3A_1125 = vector.extract_strided_slice %min3A_1104 {offsets = [7], sizes = [1], strides = [1]} : vector<16xi32> to vector<1xi32>
      %squeeze3A_1126 = vector.extract %slice3A_1125[0] : i32 from vector<1xi32>
      %min3A_1127 = arith.minsi %min3A_1124, %squeeze3A_1126 : i32
      %slice3A_1128 = vector.extract_strided_slice %min3A_1104 {offsets = [8], sizes = [1], strides = [1]} : vector<16xi32> to vector<1xi32>
      %squeeze3A_1129 = vector.extract %slice3A_1128[0] : i32 from vector<1xi32>
      %min3A_1130 = arith.minsi %min3A_1127, %squeeze3A_1129 : i32
      %slice3A_1131 = vector.extract_strided_slice %min3A_1104 {offsets = [9], sizes = [1], strides = [1]} : vector<16xi32> to vector<1xi32>
      %squeeze3A_1132 = vector.extract %slice3A_1131[0] : i32 from vector<1xi32>
      %min3A_1133 = arith.minsi %min3A_1130, %squeeze3A_1132 : i32
      %slice3A_1134 = vector.extract_strided_slice %min3A_1104 {offsets = [10], sizes = [1], strides = [1]} : vector<16xi32> to vector<1xi32>
      %squeeze3A_1135 = vector.extract %slice3A_1134[0] : i32 from vector<1xi32>
      %min3A_1136 = arith.minsi %min3A_1133, %squeeze3A_1135 : i32
      %slice3A_1137 = vector.extract_strided_slice %min3A_1104 {offsets = [11], sizes = [1], strides = [1]} : vector<16xi32> to vector<1xi32>
      %squeeze3A_1138 = vector.extract %slice3A_1137[0] : i32 from vector<1xi32>
      %min3A_1139 = arith.minsi %min3A_1136, %squeeze3A_1138 : i32
      %slice3A_1140 = vector.extract_strided_slice %min3A_1104 {offsets = [12], sizes = [1], strides = [1]} : vector<16xi32> to vector<1xi32>
      %squeeze3A_1141 = vector.extract %slice3A_1140[0] : i32 from vector<1xi32>
      %min3A_1142 = arith.minsi %min3A_1139, %squeeze3A_1141 : i32
      %slice3A_1143 = vector.extract_strided_slice %min3A_1104 {offsets = [13], sizes = [1], strides = [1]} : vector<16xi32> to vector<1xi32>
      %squeeze3A_1144 = vector.extract %slice3A_1143[0] : i32 from vector<1xi32>
      %min3A_1145 = arith.minsi %min3A_1142, %squeeze3A_1144 : i32
      %slice3A_1146 = vector.extract_strided_slice %min3A_1104 {offsets = [14], sizes = [1], strides = [1]} : vector<16xi32> to vector<1xi32>
      %squeeze3A_1147 = vector.extract %slice3A_1146[0] : i32 from vector<1xi32>
      %min3A_1148 = arith.minsi %min3A_1145, %squeeze3A_1147 : i32
      %slice3A_1149 = vector.extract_strided_slice %min3A_1104 {offsets = [15], sizes = [1], strides = [1]} : vector<16xi32> to vector<1xi32>
      %squeeze3A_1150 = vector.extract %slice3A_1149[0] : i32 from vector<1xi32>
      %min3A_1151 = arith.minsi %min3A_1148, %squeeze3A_1150 : i32
      %eq3A_1152 = arith.constant 0 : i32
      %eq3A_1153 = arith.cmpi eq, %min3A_1151, %eq3A_1152 : i32
      %convert_element_type3A_1154 = arith.extui %eq3A_1153 : i1 to i32
      %cond3A_1155 = arith.constant 0 : i32
      %cond3A_1156 = arith.cmpi ne, %convert_element_type3A_1154, %cond3A_1155 : i32
      scf.if %cond3A_1156 {
        %broadcast_in_dim3A = arith.constant 0.000000e+00 : f32
        %broadcast_in_dim3A_1322 = vector.broadcast %broadcast_in_dim3A : f32 to vector<16xf32>
        %scan3A_1323 = arith.constant 0 : i32
        %scan3A_1324 = arith.constant 0 : i32
        %scan3A_1325 = arith.constant 128 : i32
        %scan3A_1326 = arith.addi %scan3A_1324, %scan3A_1325 : i32
        %scan3A_1327 = arith.constant 1 : i32
        scf.for %scan3A_1329 = %scan3A_1324 to %scan3A_1326 step %scan3A_1327  : i32 {
          %get3A_1330 = arith.index_cast %add3A_1053 : i32 to index
          %get3A_1331 = arith.index_cast %scan3A_1329 : i32 to index
          %get3A_1332 = tpu.vector_load %arg5[%get3A_1330, %get3A_1331] {strides = array<i32>} : memref<200x128xi32, #tpu.memory_space<vmem>>, vector<1x16xi32>,
          %get3A_1333 = vector.shape_cast %get3A_1332 : vector<1x16xi32> to vector<16xi32>
          %slice3A_1334 = vector.extract_strided_slice %get3A_1333 {offsets = [0], sizes = [1], strides = [1]} : vector<16xi32> to vector<1xi32>
          %squeeze3A_1335 = vector.extract %slice3A_1334[0] : i32 from vector<1xi32>
          %eq3A_1336 = arith.constant 0 : i32
          %eq3A_1337 = arith.cmpi eq, %squeeze3A_1335, %eq3A_1336 : i32
          %convert_element_type3A_1338 = arith.extui %eq3A_1337 : i1 to i32
          %cond3A_1339 = arith.constant 0 : i32
          %cond3A_1340 = arith.cmpi ne, %convert_element_type3A_1338, %cond3A_1339 : i32
          scf.if %cond3A_1340 {
            %swap3A = arith.constant 6 : i32
            %swap3A_1341 = arith.index_cast %swap3A : i32 to index
            %swap3A_1342 = arith.index_cast %scan3A_1329 : i32 to index
            %swap3A_1343 = arith.constant 0 : index
            %swap3A_1344 = tpu.vector_load %arg6[%swap3A_1341, %swap3A_1342, %swap3A_1343] {strides = array<i32>} : memref<8x128x64xf32, #tpu.memory_space<vmem>>, vector<1x1x16xf32>,
            %swap3A_1345 = vector.shape_cast %swap3A_1344 : vector<1x1x16xf32> to vector<16xf32>
            %swap3A_1346 = vector.shape_cast %broadcast_in_dim3A_1322 : vector<16xf32> to vector<1x1x16xf32>
            tpu.vector_store %arg6[%swap3A_1341, %swap3A_1342, %swap3A_1343], %swap3A_1346 {strides = array<i32>} : memref<8x128x64xf32, #tpu.memory_space<vmem>>, vector<1x1x16xf32>,
            %swap3A_1347 = arith.constant 6 : i32
            %swap3A_1348 = arith.index_cast %swap3A_1347 : i32 to index
            %swap3A_1349 = arith.index_cast %scan3A_1329 : i32 to index
            %swap3A_1350 = arith.constant 16 : index
            %swap3A_1351 = tpu.vector_load %arg6[%swap3A_1348, %swap3A_1349, %swap3A_1350] {strides = array<i32>} : memref<8x128x64xf32, #tpu.memory_space<vmem>>, vector<1x1x16xf32>,
            %swap3A_1352 = vector.shape_cast %swap3A_1351 : vector<1x1x16xf32> to vector<16xf32>
            %swap3A_1353 = vector.shape_cast %broadcast_in_dim3A_1322 : vector<16xf32> to vector<1x1x16xf32>
            tpu.vector_store %arg6[%swap3A_1348, %swap3A_1349, %swap3A_1350], %swap3A_1353 {strides = array<i32>} : memref<8x128x64xf32, #tpu.memory_space<vmem>>, vector<1x1x16xf32>,
            %swap3A_1354 = arith.constant 6 : i32
            %swap3A_1355 = arith.index_cast %swap3A_1354 : i32 to index
            %swap3A_1356 = arith.index_cast %scan3A_1329 : i32 to index
            %swap3A_1357 = arith.constant 32 : index
            %swap3A_1358 = tpu.vector_load %arg6[%swap3A_1355, %swap3A_1356, %swap3A_1357] {strides = array<i32>} : memref<8x128x64xf32, #tpu.memory_space<vmem>>, vector<1x1x16xf32>,
            %swap3A_1359 = vector.shape_cast %swap3A_1358 : vector<1x1x16xf32> to vector<16xf32>
            %swap3A_1360 = vector.shape_cast %broadcast_in_dim3A_1322 : vector<16xf32> to vector<1x1x16xf32>
            tpu.vector_store %arg6[%swap3A_1355, %swap3A_1356, %swap3A_1357], %swap3A_1360 {strides = array<i32>} : memref<8x128x64xf32, #tpu.memory_space<vmem>>, vector<1x1x16xf32>,
            %swap3A_1361 = arith.constant 6 : i32
            %swap3A_1362 = arith.index_cast %swap3A_1361 : i32 to index
            %swap3A_1363 = arith.index_cast %scan3A_1329 : i32 to index
            %swap3A_1364 = arith.constant 48 : index
            %swap3A_1365 = tpu.vector_load %arg6[%swap3A_1362, %swap3A_1363, %swap3A_1364] {strides = array<i32>} : memref<8x128x64xf32, #tpu.memory_space<vmem>>, vector<1x1x16xf32>,
            %swap3A_1366 = vector.shape_cast %swap3A_1365 : vector<1x1x16xf32> to vector<16xf32>
            %swap3A_1367 = vector.shape_cast %broadcast_in_dim3A_1322 : vector<16xf32> to vector<1x1x16xf32>
            tpu.vector_store %arg6[%swap3A_1362, %swap3A_1363, %swap3A_1364], %swap3A_1367 {strides = array<i32>} : memref<8x128x64xf32, #tpu.memory_space<vmem>>, vector<1x1x16xf32>,
          } else {
          }
        }
        %scan3A_1328 = arith.constant 128 : i32
      } else {
      }
      %mul3A_1157 = arith.constant 128 : i32
      %mul3A_1158 = arith.muli %add3A_1053, %mul3A_1157 : i32
      %add3A_1159 = arith.addi %mul3A_4, %mul3A_1158 : i32
      %shift_right_arithmetic3A_1160 = arith.constant 12 : i32
      %shift_right_arithmetic3A_1161 = arith.shrsi %add3A_1159, %shift_right_arithmetic3A_1160 : i32
      %and3A_1162 = arith.constant 4095 : i32
      %and3A_1163 = arith.andi %add3A_1159, %and3A_1162 : i32
      %dma_start3A_1164 = arith.constant 6 : i32
      %dma_start3A_1165 = arith.constant 0 : i32
      %dma_start3A_1166 = arith.constant 0 : i32
      %dma_start3A_1167 = tpu.memref_slice %arg6[%dma_start3A_1164, %dma_start3A_1165, %dma_start3A_1166] : memref<8x128x64xf32, #tpu.memory_space<vmem>> -> memref<1x128x64xf32, #tpu.memory_space<vmem>>
      %dma_start3A_1168 = tpu.memref_squeeze %dma_start3A_1167 : memref<1x128x64xf32, #tpu.memory_space<vmem>> -> memref<128x64xf32, #tpu.memory_space<vmem>>
      %dma_start3A_1169 = arith.constant 0 : i32
      %dma_start3A_1170 = tpu.memref_slice %arg4[%shift_right_arithmetic3A_1161, %and3A_1163, %dma_start3A_1169] : memref<200x4096x64xf32, #tpu.memory_space<hbm>> -> memref<1x128x64xf32, #tpu.memory_space<hbm>>
      %dma_start3A_1171 = tpu.memref_squeeze %dma_start3A_1170 : memref<1x128x64xf32, #tpu.memory_space<hbm>> -> memref<128x64xf32, #tpu.memory_space<hbm>>
      %dma_start3A_1172 = arith.constant 0 : i32
      %dma_start3A_1173 = tpu.memref_slice %arg4[%shift_right_arithmetic3A_1161, %and3A_1163, %dma_start3A_1172] : memref<200x4096x64xf32, #tpu.memory_space<hbm>> -> memref<1x128x64xf32, #tpu.memory_space<hbm>>
      %dma_start3A_1174 = tpu.memref_squeeze %dma_start3A_1173 : memref<1x128x64xf32, #tpu.memory_space<hbm>> -> memref<128x64xf32, #tpu.memory_space<hbm>>
      %dma_start3A_1175 = arith.constant 0 : i32
      %dma_start3A_1176 = arith.constant 0 : i32
      %dma_start3A_1177 = tpu.memref_slice %arg6[%dma_start3A_1164, %dma_start3A_1175, %dma_start3A_1176] : memref<8x128x64xf32, #tpu.memory_space<vmem>> -> memref<1x128x64xf32, #tpu.memory_space<vmem>>
      %dma_start3A_1178 = tpu.memref_squeeze %dma_start3A_1177 : memref<1x128x64xf32, #tpu.memory_space<vmem>> -> memref<128x64xf32, #tpu.memory_space<vmem>>
      tpu.enqueue_dma source(%dma_start3A_1178 : memref<128x64xf32, #tpu.memory_space<vmem>>) target(%dma_start3A_1174 : memref<128x64xf32, #tpu.memory_space<hbm>>) target_semaphore(%arg21 : memref<!tpu.dma_semaphore, #tpu.memory_space<semaphore_mem>>)
      %add3A_1179 = arith.constant 4 : i32
      %add3A_1180 = arith.addi %add3A_1053, %add3A_1179 : i32
      %lt3A_1181 = arith.constant 200 : i32
      %lt3A_1182 = arith.cmpi slt, %add3A_1180, %lt3A_1181 : i32
      %convert_element_type3A_1183 = arith.extui %lt3A_1182 : i1 to i32
      %cond3A_1184 = arith.constant 0 : i32
      %cond3A_1185 = arith.cmpi ne, %convert_element_type3A_1183, %cond3A_1184 : i32
      scf.if %cond3A_1185 {
        %dma_wait3A_1322 = arith.constant 2 : i32
        %dma_wait3A_1323 = arith.constant 0 : i32
        %dma_wait3A_1324 = arith.constant 0 : i32
        %dma_wait3A_1325 = arith.constant 0 : i32
        %dma_wait3A_1326 = tpu.memref_slice %arg6[%dma_wait3A_1322, %dma_wait3A_1324, %dma_wait3A_1325] : memref<8x128x64xf32, #tpu.memory_space<vmem>> -> memref<1x128x64xf32, #tpu.memory_space<vmem>>
        %dma_wait3A_1327 = tpu.memref_squeeze %dma_wait3A_1326 : memref<1x128x64xf32, #tpu.memory_space<vmem>> -> memref<128x64xf32, #tpu.memory_space<vmem>>
        %dma_wait3A_1328 = arith.constant 0 : i32
        %dma_wait3A_1329 = arith.constant 0 : i32
        %dma_wait3A_1330 = tpu.memref_slice %arg4[%dma_wait3A_1323, %dma_wait3A_1328, %dma_wait3A_1329] : memref<200x4096x64xf32, #tpu.memory_space<hbm>> -> memref<1x128x64xf32, #tpu.memory_space<hbm>>
        %dma_wait3A_1331 = tpu.memref_squeeze %dma_wait3A_1330 : memref<1x128x64xf32, #tpu.memory_space<hbm>> -> memref<128x64xf32, #tpu.memory_space<hbm>>
        %dma_wait3A_1332 = arith.constant 0 : i32
        %dma_wait3A_1333 = arith.constant 0 : i32
        %dma_wait3A_1334 = tpu.memref_slice %arg4[%dma_wait3A_1323, %dma_wait3A_1332, %dma_wait3A_1333] : memref<200x4096x64xf32, #tpu.memory_space<hbm>> -> memref<1x128x64xf32, #tpu.memory_space<hbm>>
        %dma_wait3A_1335 = tpu.memref_squeeze %dma_wait3A_1334 : memref<1x128x64xf32, #tpu.memory_space<hbm>> -> memref<128x64xf32, #tpu.memory_space<hbm>>
        %dma_wait3A_1336 = arith.constant 0 : i32
        %dma_wait3A_1337 = arith.constant 0 : i32
        %dma_wait3A_1338 = tpu.memref_slice %arg6[%dma_wait3A_1322, %dma_wait3A_1336, %dma_wait3A_1337] : memref<8x128x64xf32, #tpu.memory_space<vmem>> -> memref<1x128x64xf32, #tpu.memory_space<vmem>>
        %dma_wait3A_1339 = tpu.memref_squeeze %dma_wait3A_1338 : memref<1x128x64xf32, #tpu.memory_space<vmem>> -> memref<128x64xf32, #tpu.memory_space<vmem>>
        tpu.wait_dma2 semaphore(%arg17 : memref<!tpu.dma_semaphore, #tpu.memory_space<semaphore_mem>>) src(%dma_wait3A_1339 : memref<128x64xf32, #tpu.memory_space<vmem>>) dst(%dma_wait3A_1335 : memref<128x64xf32, #tpu.memory_space<hbm>>)
        %dma_start3A_1340 = arith.constant 2 : i32
        %dma_start3A_1341 = arith.constant 0 : i32
        %dma_start3A_1342 = arith.constant 0 : i32
        %dma_start3A_1343 = tpu.memref_slice %arg6[%dma_start3A_1340, %dma_start3A_1341, %dma_start3A_1342] : memref<8x128x64xf32, #tpu.memory_space<vmem>> -> memref<1x128x64xf32, #tpu.memory_space<vmem>>
        %dma_start3A_1344 = tpu.memref_squeeze %dma_start3A_1343 : memref<1x128x64xf32, #tpu.memory_space<vmem>> -> memref<128x64xf32, #tpu.memory_space<vmem>>
        %dma_start3A_1345 = arith.constant 0 : i32
        %dma_start3A_1346 = tpu.memref_slice %arg5[%add3A_1180, %dma_start3A_1345] : memref<200x128xi32, #tpu.memory_space<vmem>> -> memref<1x128xi32, #tpu.memory_space<vmem>>
        %dma_start3A_1347 = tpu.memref_squeeze %dma_start3A_1346 : memref<1x128xi32, #tpu.memory_space<vmem>> -> memref<128xi32, #tpu.memory_space<vmem>>
        %dma_start3A_1348 = arith.constant 0 : i32
        %dma_start3A_1349 = arith.constant 0 : i32
        %dma_start3A_1350 = tpu.memref_slice %arg3[%dma_start3A_1348, %dma_start3A_1349] : memref<1000000x64xf32, #tpu.memory_space<hbm>> -> memref<1000000x64xf32, #tpu.memory_space<hbm>>
        tpu.enqueue_indirect_dma source(%dma_start3A_1350 : memref<1000000x64xf32, #tpu.memory_space<hbm>>) target(%dma_start3A_1344 : memref<128x64xf32, #tpu.memory_space<vmem>>) offsets(%dma_start3A_1347 : memref<128xi32, #tpu.memory_space<vmem>>) semaphore(%arg9 : memref<!tpu.dma_semaphore, #tpu.memory_space<semaphore_mem>>)
      } else {
      }
      %mul3A_1186 = arith.constant 8 : i32
      %mul3A_1187 = arith.muli %scan3A_200, %mul3A_1186 : i32
      %add3A_1188 = arith.constant 7 : i32
      %add3A_1189 = arith.addi %mul3A_1187, %add3A_1188 : i32
      %dma_wait3A_1190 = arith.constant 0 : i32
      %dma_wait3A_1191 = arith.constant 7 : i32
      %dma_wait3A_1192 = arith.constant 0 : i32
      %dma_wait3A_1193 = arith.constant 0 : i32
      %dma_wait3A_1194 = tpu.memref_slice %arg6[%dma_wait3A_1191, %dma_wait3A_1192, %dma_wait3A_1193] : memref<8x128x64xf32, #tpu.memory_space<vmem>> -> memref<1x128x64xf32, #tpu.memory_space<vmem>>
      %dma_wait3A_1195 = tpu.memref_squeeze %dma_wait3A_1194 : memref<1x128x64xf32, #tpu.memory_space<vmem>> -> memref<128x64xf32, #tpu.memory_space<vmem>>
      %dma_wait3A_1196 = arith.constant 0 : i32
      %dma_wait3A_1197 = tpu.memref_slice %arg5[%dma_wait3A_1190, %dma_wait3A_1196] : memref<200x128xi32, #tpu.memory_space<vmem>> -> memref<1x128xi32, #tpu.memory_space<vmem>>
      %dma_wait3A_1198 = tpu.memref_squeeze %dma_wait3A_1197 : memref<1x128xi32, #tpu.memory_space<vmem>> -> memref<128xi32, #tpu.memory_space<vmem>>
      %dma_wait3A_1199 = arith.constant 0 : i32
      %dma_wait3A_1200 = arith.constant 0 : i32
      %dma_wait3A_1201 = tpu.memref_slice %arg3[%dma_wait3A_1199, %dma_wait3A_1200] : memref<1000000x64xf32, #tpu.memory_space<hbm>> -> memref<1000000x64xf32, #tpu.memory_space<hbm>>
      tpu.wait_indirect_dma semaphore(%arg14 : memref<!tpu.dma_semaphore, #tpu.memory_space<semaphore_mem>>) src(%dma_wait3A_1201 : memref<1000000x64xf32, #tpu.memory_space<hbm>>) dst(%dma_wait3A_1195 : memref<128x64xf32, #tpu.memory_space<vmem>>)
      %get3A_1202 = arith.index_cast %add3A_1189 : i32 to index
      %get3A_1203 = arith.constant 0 : index
      %get3A_1204 = tpu.vector_load %arg5[%get3A_1202, %get3A_1203] {strides = array<i32>} : memref<200x128xi32, #tpu.memory_space<vmem>>, vector<1x16xi32>,
      %get3A_1205 = vector.shape_cast %get3A_1204 : vector<1x16xi32> to vector<16xi32>
      %get3A_1206 = arith.index_cast %add3A_1189 : i32 to index
      %get3A_1207 = arith.constant 16 : index
      %get3A_1208 = tpu.vector_load %arg5[%get3A_1206, %get3A_1207] {strides = array<i32>} : memref<200x128xi32, #tpu.memory_space<vmem>>, vector<1x16xi32>,
      %get3A_1209 = vector.shape_cast %get3A_1208 : vector<1x16xi32> to vector<16xi32>
      %min3A_1210 = arith.minsi %get3A_1205, %get3A_1209 : vector<16xi32>
      %get3A_1211 = arith.index_cast %add3A_1189 : i32 to index
      %get3A_1212 = arith.constant 32 : index
      %get3A_1213 = tpu.vector_load %arg5[%get3A_1211, %get3A_1212] {strides = array<i32>} : memref<200x128xi32, #tpu.memory_space<vmem>>, vector<1x16xi32>,
      %get3A_1214 = vector.shape_cast %get3A_1213 : vector<1x16xi32> to vector<16xi32>
      %min3A_1215 = arith.minsi %min3A_1210, %get3A_1214 : vector<16xi32>
      %get3A_1216 = arith.index_cast %add3A_1189 : i32 to index
      %get3A_1217 = arith.constant 48 : index
      %get3A_1218 = tpu.vector_load %arg5[%get3A_1216, %get3A_1217] {strides = array<i32>} : memref<200x128xi32, #tpu.memory_space<vmem>>, vector<1x16xi32>,
      %get3A_1219 = vector.shape_cast %get3A_1218 : vector<1x16xi32> to vector<16xi32>
      %min3A_1220 = arith.minsi %min3A_1215, %get3A_1219 : vector<16xi32>
      %get3A_1221 = arith.index_cast %add3A_1189 : i32 to index
      %get3A_1222 = arith.constant 64 : index
      %get3A_1223 = tpu.vector_load %arg5[%get3A_1221, %get3A_1222] {strides = array<i32>} : memref<200x128xi32, #tpu.memory_space<vmem>>, vector<1x16xi32>,
      %get3A_1224 = vector.shape_cast %get3A_1223 : vector<1x16xi32> to vector<16xi32>
      %min3A_1225 = arith.minsi %min3A_1220, %get3A_1224 : vector<16xi32>
      %get3A_1226 = arith.index_cast %add3A_1189 : i32 to index
      %get3A_1227 = arith.constant 80 : index
      %get3A_1228 = tpu.vector_load %arg5[%get3A_1226, %get3A_1227] {strides = array<i32>} : memref<200x128xi32, #tpu.memory_space<vmem>>, vector<1x16xi32>,
      %get3A_1229 = vector.shape_cast %get3A_1228 : vector<1x16xi32> to vector<16xi32>
      %min3A_1230 = arith.minsi %min3A_1225, %get3A_1229 : vector<16xi32>
      %get3A_1231 = arith.index_cast %add3A_1189 : i32 to index
      %get3A_1232 = arith.constant 96 : index
      %get3A_1233 = tpu.vector_load %arg5[%get3A_1231, %get3A_1232] {strides = array<i32>} : memref<200x128xi32, #tpu.memory_space<vmem>>, vector<1x16xi32>,
      %get3A_1234 = vector.shape_cast %get3A_1233 : vector<1x16xi32> to vector<16xi32>
      %min3A_1235 = arith.minsi %min3A_1230, %get3A_1234 : vector<16xi32>
      %get3A_1236 = arith.index_cast %add3A_1189 : i32 to index
      %get3A_1237 = arith.constant 112 : index
      %get3A_1238 = tpu.vector_load %arg5[%get3A_1236, %get3A_1237] {strides = array<i32>} : memref<200x128xi32, #tpu.memory_space<vmem>>, vector<1x16xi32>,
      %get3A_1239 = vector.shape_cast %get3A_1238 : vector<1x16xi32> to vector<16xi32>
      %min3A_1240 = arith.minsi %min3A_1235, %get3A_1239 : vector<16xi32>
      %slice3A_1241 = vector.extract_strided_slice %min3A_1240 {offsets = [0], sizes = [1], strides = [1]} : vector<16xi32> to vector<1xi32>
      %squeeze3A_1242 = vector.extract %slice3A_1241[0] : i32 from vector<1xi32>
      %slice3A_1243 = vector.extract_strided_slice %min3A_1240 {offsets = [1], sizes = [1], strides = [1]} : vector<16xi32> to vector<1xi32>
      %squeeze3A_1244 = vector.extract %slice3A_1243[0] : i32 from vector<1xi32>
      %min3A_1245 = arith.minsi %squeeze3A_1242, %squeeze3A_1244 : i32
      %slice3A_1246 = vector.extract_strided_slice %min3A_1240 {offsets = [2], sizes = [1], strides = [1]} : vector<16xi32> to vector<1xi32>
      %squeeze3A_1247 = vector.extract %slice3A_1246[0] : i32 from vector<1xi32>
      %min3A_1248 = arith.minsi %min3A_1245, %squeeze3A_1247 : i32
      %slice3A_1249 = vector.extract_strided_slice %min3A_1240 {offsets = [3], sizes = [1], strides = [1]} : vector<16xi32> to vector<1xi32>
      %squeeze3A_1250 = vector.extract %slice3A_1249[0] : i32 from vector<1xi32>
      %min3A_1251 = arith.minsi %min3A_1248, %squeeze3A_1250 : i32
      %slice3A_1252 = vector.extract_strided_slice %min3A_1240 {offsets = [4], sizes = [1], strides = [1]} : vector<16xi32> to vector<1xi32>
      %squeeze3A_1253 = vector.extract %slice3A_1252[0] : i32 from vector<1xi32>
      %min3A_1254 = arith.minsi %min3A_1251, %squeeze3A_1253 : i32
      %slice3A_1255 = vector.extract_strided_slice %min3A_1240 {offsets = [5], sizes = [1], strides = [1]} : vector<16xi32> to vector<1xi32>
      %squeeze3A_1256 = vector.extract %slice3A_1255[0] : i32 from vector<1xi32>
      %min3A_1257 = arith.minsi %min3A_1254, %squeeze3A_1256 : i32
      %slice3A_1258 = vector.extract_strided_slice %min3A_1240 {offsets = [6], sizes = [1], strides = [1]} : vector<16xi32> to vector<1xi32>
      %squeeze3A_1259 = vector.extract %slice3A_1258[0] : i32 from vector<1xi32>
      %min3A_1260 = arith.minsi %min3A_1257, %squeeze3A_1259 : i32
      %slice3A_1261 = vector.extract_strided_slice %min3A_1240 {offsets = [7], sizes = [1], strides = [1]} : vector<16xi32> to vector<1xi32>
      %squeeze3A_1262 = vector.extract %slice3A_1261[0] : i32 from vector<1xi32>
      %min3A_1263 = arith.minsi %min3A_1260, %squeeze3A_1262 : i32
      %slice3A_1264 = vector.extract_strided_slice %min3A_1240 {offsets = [8], sizes = [1], strides = [1]} : vector<16xi32> to vector<1xi32>
      %squeeze3A_1265 = vector.extract %slice3A_1264[0] : i32 from vector<1xi32>
      %min3A_1266 = arith.minsi %min3A_1263, %squeeze3A_1265 : i32
      %slice3A_1267 = vector.extract_strided_slice %min3A_1240 {offsets = [9], sizes = [1], strides = [1]} : vector<16xi32> to vector<1xi32>
      %squeeze3A_1268 = vector.extract %slice3A_1267[0] : i32 from vector<1xi32>
      %min3A_1269 = arith.minsi %min3A_1266, %squeeze3A_1268 : i32
      %slice3A_1270 = vector.extract_strided_slice %min3A_1240 {offsets = [10], sizes = [1], strides = [1]} : vector<16xi32> to vector<1xi32>
      %squeeze3A_1271 = vector.extract %slice3A_1270[0] : i32 from vector<1xi32>
      %min3A_1272 = arith.minsi %min3A_1269, %squeeze3A_1271 : i32
      %slice3A_1273 = vector.extract_strided_slice %min3A_1240 {offsets = [11], sizes = [1], strides = [1]} : vector<16xi32> to vector<1xi32>
      %squeeze3A_1274 = vector.extract %slice3A_1273[0] : i32 from vector<1xi32>
      %min3A_1275 = arith.minsi %min3A_1272, %squeeze3A_1274 : i32
      %slice3A_1276 = vector.extract_strided_slice %min3A_1240 {offsets = [12], sizes = [1], strides = [1]} : vector<16xi32> to vector<1xi32>
      %squeeze3A_1277 = vector.extract %slice3A_1276[0] : i32 from vector<1xi32>
      %min3A_1278 = arith.minsi %min3A_1275, %squeeze3A_1277 : i32
      %slice3A_1279 = vector.extract_strided_slice %min3A_1240 {offsets = [13], sizes = [1], strides = [1]} : vector<16xi32> to vector<1xi32>
      %squeeze3A_1280 = vector.extract %slice3A_1279[0] : i32 from vector<1xi32>
      %min3A_1281 = arith.minsi %min3A_1278, %squeeze3A_1280 : i32
      %slice3A_1282 = vector.extract_strided_slice %min3A_1240 {offsets = [14], sizes = [1], strides = [1]} : vector<16xi32> to vector<1xi32>
      %squeeze3A_1283 = vector.extract %slice3A_1282[0] : i32 from vector<1xi32>
      %min3A_1284 = arith.minsi %min3A_1281, %squeeze3A_1283 : i32
      %slice3A_1285 = vector.extract_strided_slice %min3A_1240 {offsets = [15], sizes = [1], strides = [1]} : vector<16xi32> to vector<1xi32>
      %squeeze3A_1286 = vector.extract %slice3A_1285[0] : i32 from vector<1xi32>
      %min3A_1287 = arith.minsi %min3A_1284, %squeeze3A_1286 : i32
      %eq3A_1288 = arith.constant 0 : i32
      %eq3A_1289 = arith.cmpi eq, %min3A_1287, %eq3A_1288 : i32
      %convert_element_type3A_1290 = arith.extui %eq3A_1289 : i1 to i32
      %cond3A_1291 = arith.constant 0 : i32
      %cond3A_1292 = arith.cmpi ne, %convert_element_type3A_1290, %cond3A_1291 : i32
      scf.if %cond3A_1292 {
        %broadcast_in_dim3A = arith.constant 0.000000e+00 : f32
        %broadcast_in_dim3A_1322 = vector.broadcast %broadcast_in_dim3A : f32 to vector<16xf32>
        %scan3A_1323 = arith.constant 0 : i32
        %scan3A_1324 = arith.constant 0 : i32
        %scan3A_1325 = arith.constant 128 : i32
        %scan3A_1326 = arith.addi %scan3A_1324, %scan3A_1325 : i32
        %scan3A_1327 = arith.constant 1 : i32
        scf.for %scan3A_1329 = %scan3A_1324 to %scan3A_1326 step %scan3A_1327  : i32 {
          %get3A_1330 = arith.index_cast %add3A_1189 : i32 to index
          %get3A_1331 = arith.index_cast %scan3A_1329 : i32 to index
          %get3A_1332 = tpu.vector_load %arg5[%get3A_1330, %get3A_1331] {strides = array<i32>} : memref<200x128xi32, #tpu.memory_space<vmem>>, vector<1x16xi32>,
          %get3A_1333 = vector.shape_cast %get3A_1332 : vector<1x16xi32> to vector<16xi32>
          %slice3A_1334 = vector.extract_strided_slice %get3A_1333 {offsets = [0], sizes = [1], strides = [1]} : vector<16xi32> to vector<1xi32>
          %squeeze3A_1335 = vector.extract %slice3A_1334[0] : i32 from vector<1xi32>
          %eq3A_1336 = arith.constant 0 : i32
          %eq3A_1337 = arith.cmpi eq, %squeeze3A_1335, %eq3A_1336 : i32
          %convert_element_type3A_1338 = arith.extui %eq3A_1337 : i1 to i32
          %cond3A_1339 = arith.constant 0 : i32
          %cond3A_1340 = arith.cmpi ne, %convert_element_type3A_1338, %cond3A_1339 : i32
          scf.if %cond3A_1340 {
            %swap3A = arith.constant 7 : i32
            %swap3A_1341 = arith.index_cast %swap3A : i32 to index
            %swap3A_1342 = arith.index_cast %scan3A_1329 : i32 to index
            %swap3A_1343 = arith.constant 0 : index
            %swap3A_1344 = tpu.vector_load %arg6[%swap3A_1341, %swap3A_1342, %swap3A_1343] {strides = array<i32>} : memref<8x128x64xf32, #tpu.memory_space<vmem>>, vector<1x1x16xf32>,
            %swap3A_1345 = vector.shape_cast %swap3A_1344 : vector<1x1x16xf32> to vector<16xf32>
            %swap3A_1346 = vector.shape_cast %broadcast_in_dim3A_1322 : vector<16xf32> to vector<1x1x16xf32>
            tpu.vector_store %arg6[%swap3A_1341, %swap3A_1342, %swap3A_1343], %swap3A_1346 {strides = array<i32>} : memref<8x128x64xf32, #tpu.memory_space<vmem>>, vector<1x1x16xf32>,
            %swap3A_1347 = arith.constant 7 : i32
            %swap3A_1348 = arith.index_cast %swap3A_1347 : i32 to index
            %swap3A_1349 = arith.index_cast %scan3A_1329 : i32 to index
            %swap3A_1350 = arith.constant 16 : index
            %swap3A_1351 = tpu.vector_load %arg6[%swap3A_1348, %swap3A_1349, %swap3A_1350] {strides = array<i32>} : memref<8x128x64xf32, #tpu.memory_space<vmem>>, vector<1x1x16xf32>,
            %swap3A_1352 = vector.shape_cast %swap3A_1351 : vector<1x1x16xf32> to vector<16xf32>
            %swap3A_1353 = vector.shape_cast %broadcast_in_dim3A_1322 : vector<16xf32> to vector<1x1x16xf32>
            tpu.vector_store %arg6[%swap3A_1348, %swap3A_1349, %swap3A_1350], %swap3A_1353 {strides = array<i32>} : memref<8x128x64xf32, #tpu.memory_space<vmem>>, vector<1x1x16xf32>,
            %swap3A_1354 = arith.constant 7 : i32
            %swap3A_1355 = arith.index_cast %swap3A_1354 : i32 to index
            %swap3A_1356 = arith.index_cast %scan3A_1329 : i32 to index
            %swap3A_1357 = arith.constant 32 : index
            %swap3A_1358 = tpu.vector_load %arg6[%swap3A_1355, %swap3A_1356, %swap3A_1357] {strides = array<i32>} : memref<8x128x64xf32, #tpu.memory_space<vmem>>, vector<1x1x16xf32>,
            %swap3A_1359 = vector.shape_cast %swap3A_1358 : vector<1x1x16xf32> to vector<16xf32>
            %swap3A_1360 = vector.shape_cast %broadcast_in_dim3A_1322 : vector<16xf32> to vector<1x1x16xf32>
            tpu.vector_store %arg6[%swap3A_1355, %swap3A_1356, %swap3A_1357], %swap3A_1360 {strides = array<i32>} : memref<8x128x64xf32, #tpu.memory_space<vmem>>, vector<1x1x16xf32>,
            %swap3A_1361 = arith.constant 7 : i32
            %swap3A_1362 = arith.index_cast %swap3A_1361 : i32 to index
            %swap3A_1363 = arith.index_cast %scan3A_1329 : i32 to index
            %swap3A_1364 = arith.constant 48 : index
            %swap3A_1365 = tpu.vector_load %arg6[%swap3A_1362, %swap3A_1363, %swap3A_1364] {strides = array<i32>} : memref<8x128x64xf32, #tpu.memory_space<vmem>>, vector<1x1x16xf32>,
            %swap3A_1366 = vector.shape_cast %swap3A_1365 : vector<1x1x16xf32> to vector<16xf32>
            %swap3A_1367 = vector.shape_cast %broadcast_in_dim3A_1322 : vector<16xf32> to vector<1x1x16xf32>
            tpu.vector_store %arg6[%swap3A_1362, %swap3A_1363, %swap3A_1364], %swap3A_1367 {strides = array<i32>} : memref<8x128x64xf32, #tpu.memory_space<vmem>>, vector<1x1x16xf32>,
          } else {
          }
        }
        %scan3A_1328 = arith.constant 128 : i32
      } else {
      }
      %mul3A_1293 = arith.constant 128 : i32
      %mul3A_1294 = arith.muli %add3A_1189, %mul3A_1293 : i32
      %add3A_1295 = arith.addi %mul3A_4, %mul3A_1294 : i32
      %shift_right_arithmetic3A_1296 = arith.constant 12 : i32
      %shift_right_arithmetic3A_1297 = arith.shrsi %add3A_1295, %shift_right_arithmetic3A_1296 : i32
      %and3A_1298 = arith.constant 4095 : i32
      %and3A_1299 = arith.andi %add3A_1295, %and3A_1298 : i32
      %dma_start3A_1300 = arith.constant 7 : i32
      %dma_start3A_1301 = arith.constant 0 : i32
      %dma_start3A_1302 = arith.constant 0 : i32
      %dma_start3A_1303 = tpu.memref_slice %arg6[%dma_start3A_1300, %dma_start3A_1301, %dma_start3A_1302] : memref<8x128x64xf32, #tpu.memory_space<vmem>> -> memref<1x128x64xf32, #tpu.memory_space<vmem>>
      %dma_start3A_1304 = tpu.memref_squeeze %dma_start3A_1303 : memref<1x128x64xf32, #tpu.memory_space<vmem>> -> memref<128x64xf32, #tpu.memory_space<vmem>>
      %dma_start3A_1305 = arith.constant 0 : i32
      %dma_start3A_1306 = tpu.memref_slice %arg4[%shift_right_arithmetic3A_1297, %and3A_1299, %dma_start3A_1305] : memref<200x4096x64xf32, #tpu.memory_space<hbm>> -> memref<1x128x64xf32, #tpu.memory_space<hbm>>
      %dma_start3A_1307 = tpu.memref_squeeze %dma_start3A_1306 : memref<1x128x64xf32, #tpu.memory_space<hbm>> -> memref<128x64xf32, #tpu.memory_space<hbm>>
      %dma_start3A_1308 = arith.constant 0 : i32
      %dma_start3A_1309 = tpu.memref_slice %arg4[%shift_right_arithmetic3A_1297, %and3A_1299, %dma_start3A_1308] : memref<200x4096x64xf32, #tpu.memory_space<hbm>> -> memref<1x128x64xf32, #tpu.memory_space<hbm>>
      %dma_start3A_1310 = tpu.memref_squeeze %dma_start3A_1309 : memref<1x128x64xf32, #tpu.memory_space<hbm>> -> memref<128x64xf32, #tpu.memory_space<hbm>>
      %dma_start3A_1311 = arith.constant 0 : i32
      %dma_start3A_1312 = arith.constant 0 : i32
      %dma_start3A_1313 = tpu.memref_slice %arg6[%dma_start3A_1300, %dma_start3A_1311, %dma_start3A_1312] : memref<8x128x64xf32, #tpu.memory_space<vmem>> -> memref<1x128x64xf32, #tpu.memory_space<vmem>>
      %dma_start3A_1314 = tpu.memref_squeeze %dma_start3A_1313 : memref<1x128x64xf32, #tpu.memory_space<vmem>> -> memref<128x64xf32, #tpu.memory_space<vmem>>
      tpu.enqueue_dma source(%dma_start3A_1314 : memref<128x64xf32, #tpu.memory_space<vmem>>) target(%dma_start3A_1310 : memref<128x64xf32, #tpu.memory_space<hbm>>) target_semaphore(%arg22 : memref<!tpu.dma_semaphore, #tpu.memory_space<semaphore_mem>>)
      %add3A_1315 = arith.constant 4 : i32
      %add3A_1316 = arith.addi %add3A_1189, %add3A_1315 : i32
      %lt3A_1317 = arith.constant 200 : i32
      %lt3A_1318 = arith.cmpi slt, %add3A_1316, %lt3A_1317 : i32
      %convert_element_type3A_1319 = arith.extui %lt3A_1318 : i1 to i32
      %cond3A_1320 = arith.constant 0 : i32
      %cond3A_1321 = arith.cmpi ne, %convert_element_type3A_1319, %cond3A_1320 : i32
      scf.if %cond3A_1321 {
        %dma_wait3A_1322 = arith.constant 3 : i32
        %dma_wait3A_1323 = arith.constant 0 : i32
        %dma_wait3A_1324 = arith.constant 0 : i32
        %dma_wait3A_1325 = arith.constant 0 : i32
        %dma_wait3A_1326 = tpu.memref_slice %arg6[%dma_wait3A_1322, %dma_wait3A_1324, %dma_wait3A_1325] : memref<8x128x64xf32, #tpu.memory_space<vmem>> -> memref<1x128x64xf32, #tpu.memory_space<vmem>>
        %dma_wait3A_1327 = tpu.memref_squeeze %dma_wait3A_1326 : memref<1x128x64xf32, #tpu.memory_space<vmem>> -> memref<128x64xf32, #tpu.memory_space<vmem>>
        %dma_wait3A_1328 = arith.constant 0 : i32
        %dma_wait3A_1329 = arith.constant 0 : i32
        %dma_wait3A_1330 = tpu.memref_slice %arg4[%dma_wait3A_1323, %dma_wait3A_1328, %dma_wait3A_1329] : memref<200x4096x64xf32, #tpu.memory_space<hbm>> -> memref<1x128x64xf32, #tpu.memory_space<hbm>>
        %dma_wait3A_1331 = tpu.memref_squeeze %dma_wait3A_1330 : memref<1x128x64xf32, #tpu.memory_space<hbm>> -> memref<128x64xf32, #tpu.memory_space<hbm>>
        %dma_wait3A_1332 = arith.constant 0 : i32
        %dma_wait3A_1333 = arith.constant 0 : i32
        %dma_wait3A_1334 = tpu.memref_slice %arg4[%dma_wait3A_1323, %dma_wait3A_1332, %dma_wait3A_1333] : memref<200x4096x64xf32, #tpu.memory_space<hbm>> -> memref<1x128x64xf32, #tpu.memory_space<hbm>>
        %dma_wait3A_1335 = tpu.memref_squeeze %dma_wait3A_1334 : memref<1x128x64xf32, #tpu.memory_space<hbm>> -> memref<128x64xf32, #tpu.memory_space<hbm>>
        %dma_wait3A_1336 = arith.constant 0 : i32
        %dma_wait3A_1337 = arith.constant 0 : i32
        %dma_wait3A_1338 = tpu.memref_slice %arg6[%dma_wait3A_1322, %dma_wait3A_1336, %dma_wait3A_1337] : memref<8x128x64xf32, #tpu.memory_space<vmem>> -> memref<1x128x64xf32, #tpu.memory_space<vmem>>
        %dma_wait3A_1339 = tpu.memref_squeeze %dma_wait3A_1338 : memref<1x128x64xf32, #tpu.memory_space<vmem>> -> memref<128x64xf32, #tpu.memory_space<vmem>>
        tpu.wait_dma2 semaphore(%arg18 : memref<!tpu.dma_semaphore, #tpu.memory_space<semaphore_mem>>) src(%dma_wait3A_1339 : memref<128x64xf32, #tpu.memory_space<vmem>>) dst(%dma_wait3A_1335 : memref<128x64xf32, #tpu.memory_space<hbm>>)
        %dma_start3A_1340 = arith.constant 3 : i32
        %dma_start3A_1341 = arith.constant 0 : i32
        %dma_start3A_1342 = arith.constant 0 : i32
        %dma_start3A_1343 = tpu.memref_slice %arg6[%dma_start3A_1340, %dma_start3A_1341, %dma_start3A_1342] : memref<8x128x64xf32, #tpu.memory_space<vmem>> -> memref<1x128x64xf32, #tpu.memory_space<vmem>>
        %dma_start3A_1344 = tpu.memref_squeeze %dma_start3A_1343 : memref<1x128x64xf32, #tpu.memory_space<vmem>> -> memref<128x64xf32, #tpu.memory_space<vmem>>
        %dma_start3A_1345 = arith.constant 0 : i32
        %dma_start3A_1346 = tpu.memref_slice %arg5[%add3A_1316, %dma_start3A_1345] : memref<200x128xi32, #tpu.memory_space<vmem>> -> memref<1x128xi32, #tpu.memory_space<vmem>>
        %dma_start3A_1347 = tpu.memref_squeeze %dma_start3A_1346 : memref<1x128xi32, #tpu.memory_space<vmem>> -> memref<128xi32, #tpu.memory_space<vmem>>
        %dma_start3A_1348 = arith.constant 0 : i32
        %dma_start3A_1349 = arith.constant 0 : i32
        %dma_start3A_1350 = tpu.memref_slice %arg3[%dma_start3A_1348, %dma_start3A_1349] : memref<1000000x64xf32, #tpu.memory_space<hbm>> -> memref<1000000x64xf32, #tpu.memory_space<hbm>>
        tpu.enqueue_indirect_dma source(%dma_start3A_1350 : memref<1000000x64xf32, #tpu.memory_space<hbm>>) target(%dma_start3A_1344 : memref<128x64xf32, #tpu.memory_space<vmem>>) offsets(%dma_start3A_1347 : memref<128xi32, #tpu.memory_space<vmem>>) semaphore(%arg10 : memref<!tpu.dma_semaphore, #tpu.memory_space<semaphore_mem>>)
      } else {
      }
    }
    %scan3A_56 = arith.constant 25 : i32
    %dma_wait3A = arith.constant 0 : i32
    %dma_wait3A_57 = arith.constant 0 : i32
    %dma_wait3A_58 = arith.constant 0 : i32
    %dma_wait3A_59 = arith.constant 0 : i32
    %dma_wait3A_60 = tpu.memref_slice %arg6[%dma_wait3A, %dma_wait3A_58, %dma_wait3A_59] : memref<8x128x64xf32, #tpu.memory_space<vmem>> -> memref<1x128x64xf32, #tpu.memory_space<vmem>>
    %dma_wait3A_61 = tpu.memref_squeeze %dma_wait3A_60 : memref<1x128x64xf32, #tpu.memory_space<vmem>> -> memref<128x64xf32, #tpu.memory_space<vmem>>
    %dma_wait3A_62 = arith.constant 0 : i32
    %dma_wait3A_63 = arith.constant 0 : i32
    %dma_wait3A_64 = tpu.memref_slice %arg4[%dma_wait3A_57, %dma_wait3A_62, %dma_wait3A_63] : memref<200x4096x64xf32, #tpu.memory_space<hbm>> -> memref<1x128x64xf32, #tpu.memory_space<hbm>>
    %dma_wait3A_65 = tpu.memref_squeeze %dma_wait3A_64 : memref<1x128x64xf32, #tpu.memory_space<hbm>> -> memref<128x64xf32, #tpu.memory_space<hbm>>
    %dma_wait3A_66 = arith.constant 0 : i32
    %dma_wait3A_67 = arith.constant 0 : i32
    %dma_wait3A_68 = tpu.memref_slice %arg4[%dma_wait3A_57, %dma_wait3A_66, %dma_wait3A_67] : memref<200x4096x64xf32, #tpu.memory_space<hbm>> -> memref<1x128x64xf32, #tpu.memory_space<hbm>>
    %dma_wait3A_69 = tpu.memref_squeeze %dma_wait3A_68 : memref<1x128x64xf32, #tpu.memory_space<hbm>> -> memref<128x64xf32, #tpu.memory_space<hbm>>
    %dma_wait3A_70 = arith.constant 0 : i32
    %dma_wait3A_71 = arith.constant 0 : i32
    %dma_wait3A_72 = tpu.memref_slice %arg6[%dma_wait3A, %dma_wait3A_70, %dma_wait3A_71] : memref<8x128x64xf32, #tpu.memory_space<vmem>> -> memref<1x128x64xf32, #tpu.memory_space<vmem>>
    %dma_wait3A_73 = tpu.memref_squeeze %dma_wait3A_72 : memref<1x128x64xf32, #tpu.memory_space<vmem>> -> memref<128x64xf32, #tpu.memory_space<vmem>>
    tpu.wait_dma2 semaphore(%arg15 : memref<!tpu.dma_semaphore, #tpu.memory_space<semaphore_mem>>) src(%dma_wait3A_73 : memref<128x64xf32, #tpu.memory_space<vmem>>) dst(%dma_wait3A_69 : memref<128x64xf32, #tpu.memory_space<hbm>>)
    %dma_wait3A_74 = arith.constant 1 : i32
    %dma_wait3A_75 = arith.constant 0 : i32
    %dma_wait3A_76 = arith.constant 0 : i32
    %dma_wait3A_77 = arith.constant 0 : i32
    %dma_wait3A_78 = tpu.memref_slice %arg6[%dma_wait3A_74, %dma_wait3A_76, %dma_wait3A_77] : memref<8x128x64xf32, #tpu.memory_space<vmem>> -> memref<1x128x64xf32, #tpu.memory_space<vmem>>
    %dma_wait3A_79 = tpu.memref_squeeze %dma_wait3A_78 : memref<1x128x64xf32, #tpu.memory_space<vmem>> -> memref<128x64xf32, #tpu.memory_space<vmem>>
    %dma_wait3A_80 = arith.constant 0 : i32
    %dma_wait3A_81 = arith.constant 0 : i32
    %dma_wait3A_82 = tpu.memref_slice %arg4[%dma_wait3A_75, %dma_wait3A_80, %dma_wait3A_81] : memref<200x4096x64xf32, #tpu.memory_space<hbm>> -> memref<1x128x64xf32, #tpu.memory_space<hbm>>
    %dma_wait3A_83 = tpu.memref_squeeze %dma_wait3A_82 : memref<1x128x64xf32, #tpu.memory_space<hbm>> -> memref<128x64xf32, #tpu.memory_space<hbm>>
    %dma_wait3A_84 = arith.constant 0 : i32
    %dma_wait3A_85 = arith.constant 0 : i32
    %dma_wait3A_86 = tpu.memref_slice %arg4[%dma_wait3A_75, %dma_wait3A_84, %dma_wait3A_85] : memref<200x4096x64xf32, #tpu.memory_space<hbm>> -> memref<1x128x64xf32, #tpu.memory_space<hbm>>
    %dma_wait3A_87 = tpu.memref_squeeze %dma_wait3A_86 : memref<1x128x64xf32, #tpu.memory_space<hbm>> -> memref<128x64xf32, #tpu.memory_space<hbm>>
    %dma_wait3A_88 = arith.constant 0 : i32
    %dma_wait3A_89 = arith.constant 0 : i32
    %dma_wait3A_90 = tpu.memref_slice %arg6[%dma_wait3A_74, %dma_wait3A_88, %dma_wait3A_89] : memref<8x128x64xf32, #tpu.memory_space<vmem>> -> memref<1x128x64xf32, #tpu.memory_space<vmem>>
    %dma_wait3A_91 = tpu.memref_squeeze %dma_wait3A_90 : memref<1x128x64xf32, #tpu.memory_space<vmem>> -> memref<128x64xf32, #tpu.memory_space<vmem>>
    tpu.wait_dma2 semaphore(%arg16 : memref<!tpu.dma_semaphore, #tpu.memory_space<semaphore_mem>>) src(%dma_wait3A_91 : memref<128x64xf32, #tpu.memory_space<vmem>>) dst(%dma_wait3A_87 : memref<128x64xf32, #tpu.memory_space<hbm>>)
    %dma_wait3A_92 = arith.constant 2 : i32
    %dma_wait3A_93 = arith.constant 0 : i32
    %dma_wait3A_94 = arith.constant 0 : i32
    %dma_wait3A_95 = arith.constant 0 : i32
    %dma_wait3A_96 = tpu.memref_slice %arg6[%dma_wait3A_92, %dma_wait3A_94, %dma_wait3A_95] : memref<8x128x64xf32, #tpu.memory_space<vmem>> -> memref<1x128x64xf32, #tpu.memory_space<vmem>>
    %dma_wait3A_97 = tpu.memref_squeeze %dma_wait3A_96 : memref<1x128x64xf32, #tpu.memory_space<vmem>> -> memref<128x64xf32, #tpu.memory_space<vmem>>
    %dma_wait3A_98 = arith.constant 0 : i32
    %dma_wait3A_99 = arith.constant 0 : i32
    %dma_wait3A_100 = tpu.memref_slice %arg4[%dma_wait3A_93, %dma_wait3A_98, %dma_wait3A_99] : memref<200x4096x64xf32, #tpu.memory_space<hbm>> -> memref<1x128x64xf32, #tpu.memory_space<hbm>>
    %dma_wait3A_101 = tpu.memref_squeeze %dma_wait3A_100 : memref<1x128x64xf32, #tpu.memory_space<hbm>> -> memref<128x64xf32, #tpu.memory_space<hbm>>
    %dma_wait3A_102 = arith.constant 0 : i32
    %dma_wait3A_103 = arith.constant 0 : i32
    %dma_wait3A_104 = tpu.memref_slice %arg4[%dma_wait3A_93, %dma_wait3A_102, %dma_wait3A_103] : memref<200x4096x64xf32, #tpu.memory_space<hbm>> -> memref<1x128x64xf32, #tpu.memory_space<hbm>>
    %dma_wait3A_105 = tpu.memref_squeeze %dma_wait3A_104 : memref<1x128x64xf32, #tpu.memory_space<hbm>> -> memref<128x64xf32, #tpu.memory_space<hbm>>
    %dma_wait3A_106 = arith.constant 0 : i32
    %dma_wait3A_107 = arith.constant 0 : i32
    %dma_wait3A_108 = tpu.memref_slice %arg6[%dma_wait3A_92, %dma_wait3A_106, %dma_wait3A_107] : memref<8x128x64xf32, #tpu.memory_space<vmem>> -> memref<1x128x64xf32, #tpu.memory_space<vmem>>
    %dma_wait3A_109 = tpu.memref_squeeze %dma_wait3A_108 : memref<1x128x64xf32, #tpu.memory_space<vmem>> -> memref<128x64xf32, #tpu.memory_space<vmem>>
    tpu.wait_dma2 semaphore(%arg17 : memref<!tpu.dma_semaphore, #tpu.memory_space<semaphore_mem>>) src(%dma_wait3A_109 : memref<128x64xf32, #tpu.memory_space<vmem>>) dst(%dma_wait3A_105 : memref<128x64xf32, #tpu.memory_space<hbm>>)
    %dma_wait3A_110 = arith.constant 3 : i32
    %dma_wait3A_111 = arith.constant 0 : i32
    %dma_wait3A_112 = arith.constant 0 : i32
    %dma_wait3A_113 = arith.constant 0 : i32
    %dma_wait3A_114 = tpu.memref_slice %arg6[%dma_wait3A_110, %dma_wait3A_112, %dma_wait3A_113] : memref<8x128x64xf32, #tpu.memory_space<vmem>> -> memref<1x128x64xf32, #tpu.memory_space<vmem>>
    %dma_wait3A_115 = tpu.memref_squeeze %dma_wait3A_114 : memref<1x128x64xf32, #tpu.memory_space<vmem>> -> memref<128x64xf32, #tpu.memory_space<vmem>>
    %dma_wait3A_116 = arith.constant 0 : i32
    %dma_wait3A_117 = arith.constant 0 : i32
    %dma_wait3A_118 = tpu.memref_slice %arg4[%dma_wait3A_111, %dma_wait3A_116, %dma_wait3A_117] : memref<200x4096x64xf32, #tpu.memory_space<hbm>> -> memref<1x128x64xf32, #tpu.memory_space<hbm>>
    %dma_wait3A_119 = tpu.memref_squeeze %dma_wait3A_118 : memref<1x128x64xf32, #tpu.memory_space<hbm>> -> memref<128x64xf32, #tpu.memory_space<hbm>>
    %dma_wait3A_120 = arith.constant 0 : i32
    %dma_wait3A_121 = arith.constant 0 : i32
    %dma_wait3A_122 = tpu.memref_slice %arg4[%dma_wait3A_111, %dma_wait3A_120, %dma_wait3A_121] : memref<200x4096x64xf32, #tpu.memory_space<hbm>> -> memref<1x128x64xf32, #tpu.memory_space<hbm>>
    %dma_wait3A_123 = tpu.memref_squeeze %dma_wait3A_122 : memref<1x128x64xf32, #tpu.memory_space<hbm>> -> memref<128x64xf32, #tpu.memory_space<hbm>>
    %dma_wait3A_124 = arith.constant 0 : i32
    %dma_wait3A_125 = arith.constant 0 : i32
    %dma_wait3A_126 = tpu.memref_slice %arg6[%dma_wait3A_110, %dma_wait3A_124, %dma_wait3A_125] : memref<8x128x64xf32, #tpu.memory_space<vmem>> -> memref<1x128x64xf32, #tpu.memory_space<vmem>>
    %dma_wait3A_127 = tpu.memref_squeeze %dma_wait3A_126 : memref<1x128x64xf32, #tpu.memory_space<vmem>> -> memref<128x64xf32, #tpu.memory_space<vmem>>
    tpu.wait_dma2 semaphore(%arg18 : memref<!tpu.dma_semaphore, #tpu.memory_space<semaphore_mem>>) src(%dma_wait3A_127 : memref<128x64xf32, #tpu.memory_space<vmem>>) dst(%dma_wait3A_123 : memref<128x64xf32, #tpu.memory_space<hbm>>)
    %dma_wait3A_128 = arith.constant 4 : i32
    %dma_wait3A_129 = arith.constant 0 : i32
    %dma_wait3A_130 = arith.constant 0 : i32
    %dma_wait3A_131 = arith.constant 0 : i32
    %dma_wait3A_132 = tpu.memref_slice %arg6[%dma_wait3A_128, %dma_wait3A_130, %dma_wait3A_131] : memref<8x128x64xf32, #tpu.memory_space<vmem>> -> memref<1x128x64xf32, #tpu.memory_space<vmem>>
    %dma_wait3A_133 = tpu.memref_squeeze %dma_wait3A_132 : memref<1x128x64xf32, #tpu.memory_space<vmem>> -> memref<128x64xf32, #tpu.memory_space<vmem>>
    %dma_wait3A_134 = arith.constant 0 : i32
    %dma_wait3A_135 = arith.constant 0 : i32
    %dma_wait3A_136 = tpu.memref_slice %arg4[%dma_wait3A_129, %dma_wait3A_134, %dma_wait3A_135] : memref<200x4096x64xf32, #tpu.memory_space<hbm>> -> memref<1x128x64xf32, #tpu.memory_space<hbm>>
    %dma_wait3A_137 = tpu.memref_squeeze %dma_wait3A_136 : memref<1x128x64xf32, #tpu.memory_space<hbm>> -> memref<128x64xf32, #tpu.memory_space<hbm>>
    %dma_wait3A_138 = arith.constant 0 : i32
    %dma_wait3A_139 = arith.constant 0 : i32
    %dma_wait3A_140 = tpu.memref_slice %arg4[%dma_wait3A_129, %dma_wait3A_138, %dma_wait3A_139] : memref<200x4096x64xf32, #tpu.memory_space<hbm>> -> memref<1x128x64xf32, #tpu.memory_space<hbm>>
    %dma_wait3A_141 = tpu.memref_squeeze %dma_wait3A_140 : memref<1x128x64xf32, #tpu.memory_space<hbm>> -> memref<128x64xf32, #tpu.memory_space<hbm>>
    %dma_wait3A_142 = arith.constant 0 : i32
    %dma_wait3A_143 = arith.constant 0 : i32
    %dma_wait3A_144 = tpu.memref_slice %arg6[%dma_wait3A_128, %dma_wait3A_142, %dma_wait3A_143] : memref<8x128x64xf32, #tpu.memory_space<vmem>> -> memref<1x128x64xf32, #tpu.memory_space<vmem>>
    %dma_wait3A_145 = tpu.memref_squeeze %dma_wait3A_144 : memref<1x128x64xf32, #tpu.memory_space<vmem>> -> memref<128x64xf32, #tpu.memory_space<vmem>>
    tpu.wait_dma2 semaphore(%arg19 : memref<!tpu.dma_semaphore, #tpu.memory_space<semaphore_mem>>) src(%dma_wait3A_145 : memref<128x64xf32, #tpu.memory_space<vmem>>) dst(%dma_wait3A_141 : memref<128x64xf32, #tpu.memory_space<hbm>>)
    %dma_wait3A_146 = arith.constant 5 : i32
    %dma_wait3A_147 = arith.constant 0 : i32
    %dma_wait3A_148 = arith.constant 0 : i32
    %dma_wait3A_149 = arith.constant 0 : i32
    %dma_wait3A_150 = tpu.memref_slice %arg6[%dma_wait3A_146, %dma_wait3A_148, %dma_wait3A_149] : memref<8x128x64xf32, #tpu.memory_space<vmem>> -> memref<1x128x64xf32, #tpu.memory_space<vmem>>
    %dma_wait3A_151 = tpu.memref_squeeze %dma_wait3A_150 : memref<1x128x64xf32, #tpu.memory_space<vmem>> -> memref<128x64xf32, #tpu.memory_space<vmem>>
    %dma_wait3A_152 = arith.constant 0 : i32
    %dma_wait3A_153 = arith.constant 0 : i32
    %dma_wait3A_154 = tpu.memref_slice %arg4[%dma_wait3A_147, %dma_wait3A_152, %dma_wait3A_153] : memref<200x4096x64xf32, #tpu.memory_space<hbm>> -> memref<1x128x64xf32, #tpu.memory_space<hbm>>
    %dma_wait3A_155 = tpu.memref_squeeze %dma_wait3A_154 : memref<1x128x64xf32, #tpu.memory_space<hbm>> -> memref<128x64xf32, #tpu.memory_space<hbm>>
    %dma_wait3A_156 = arith.constant 0 : i32
    %dma_wait3A_157 = arith.constant 0 : i32
    %dma_wait3A_158 = tpu.memref_slice %arg4[%dma_wait3A_147, %dma_wait3A_156, %dma_wait3A_157] : memref<200x4096x64xf32, #tpu.memory_space<hbm>> -> memref<1x128x64xf32, #tpu.memory_space<hbm>>
    %dma_wait3A_159 = tpu.memref_squeeze %dma_wait3A_158 : memref<1x128x64xf32, #tpu.memory_space<hbm>> -> memref<128x64xf32, #tpu.memory_space<hbm>>
    %dma_wait3A_160 = arith.constant 0 : i32
    %dma_wait3A_161 = arith.constant 0 : i32
    %dma_wait3A_162 = tpu.memref_slice %arg6[%dma_wait3A_146, %dma_wait3A_160, %dma_wait3A_161] : memref<8x128x64xf32, #tpu.memory_space<vmem>> -> memref<1x128x64xf32, #tpu.memory_space<vmem>>
    %dma_wait3A_163 = tpu.memref_squeeze %dma_wait3A_162 : memref<1x128x64xf32, #tpu.memory_space<vmem>> -> memref<128x64xf32, #tpu.memory_space<vmem>>
    tpu.wait_dma2 semaphore(%arg20 : memref<!tpu.dma_semaphore, #tpu.memory_space<semaphore_mem>>) src(%dma_wait3A_163 : memref<128x64xf32, #tpu.memory_space<vmem>>) dst(%dma_wait3A_159 : memref<128x64xf32, #tpu.memory_space<hbm>>)
    %dma_wait3A_164 = arith.constant 6 : i32
    %dma_wait3A_165 = arith.constant 0 : i32
    %dma_wait3A_166 = arith.constant 0 : i32
    %dma_wait3A_167 = arith.constant 0 : i32
    %dma_wait3A_168 = tpu.memref_slice %arg6[%dma_wait3A_164, %dma_wait3A_166, %dma_wait3A_167] : memref<8x128x64xf32, #tpu.memory_space<vmem>> -> memref<1x128x64xf32, #tpu.memory_space<vmem>>
    %dma_wait3A_169 = tpu.memref_squeeze %dma_wait3A_168 : memref<1x128x64xf32, #tpu.memory_space<vmem>> -> memref<128x64xf32, #tpu.memory_space<vmem>>
    %dma_wait3A_170 = arith.constant 0 : i32
    %dma_wait3A_171 = arith.constant 0 : i32
    %dma_wait3A_172 = tpu.memref_slice %arg4[%dma_wait3A_165, %dma_wait3A_170, %dma_wait3A_171] : memref<200x4096x64xf32, #tpu.memory_space<hbm>> -> memref<1x128x64xf32, #tpu.memory_space<hbm>>
    %dma_wait3A_173 = tpu.memref_squeeze %dma_wait3A_172 : memref<1x128x64xf32, #tpu.memory_space<hbm>> -> memref<128x64xf32, #tpu.memory_space<hbm>>
    %dma_wait3A_174 = arith.constant 0 : i32
    %dma_wait3A_175 = arith.constant 0 : i32
    %dma_wait3A_176 = tpu.memref_slice %arg4[%dma_wait3A_165, %dma_wait3A_174, %dma_wait3A_175] : memref<200x4096x64xf32, #tpu.memory_space<hbm>> -> memref<1x128x64xf32, #tpu.memory_space<hbm>>
    %dma_wait3A_177 = tpu.memref_squeeze %dma_wait3A_176 : memref<1x128x64xf32, #tpu.memory_space<hbm>> -> memref<128x64xf32, #tpu.memory_space<hbm>>
    %dma_wait3A_178 = arith.constant 0 : i32
    %dma_wait3A_179 = arith.constant 0 : i32
    %dma_wait3A_180 = tpu.memref_slice %arg6[%dma_wait3A_164, %dma_wait3A_178, %dma_wait3A_179] : memref<8x128x64xf32, #tpu.memory_space<vmem>> -> memref<1x128x64xf32, #tpu.memory_space<vmem>>
    %dma_wait3A_181 = tpu.memref_squeeze %dma_wait3A_180 : memref<1x128x64xf32, #tpu.memory_space<vmem>> -> memref<128x64xf32, #tpu.memory_space<vmem>>
    tpu.wait_dma2 semaphore(%arg21 : memref<!tpu.dma_semaphore, #tpu.memory_space<semaphore_mem>>) src(%dma_wait3A_181 : memref<128x64xf32, #tpu.memory_space<vmem>>) dst(%dma_wait3A_177 : memref<128x64xf32, #tpu.memory_space<hbm>>)
    %dma_wait3A_182 = arith.constant 7 : i32
    %dma_wait3A_183 = arith.constant 0 : i32
    %dma_wait3A_184 = arith.constant 0 : i32
    %dma_wait3A_185 = arith.constant 0 : i32
    %dma_wait3A_186 = tpu.memref_slice %arg6[%dma_wait3A_182, %dma_wait3A_184, %dma_wait3A_185] : memref<8x128x64xf32, #tpu.memory_space<vmem>> -> memref<1x128x64xf32, #tpu.memory_space<vmem>>
    %dma_wait3A_187 = tpu.memref_squeeze %dma_wait3A_186 : memref<1x128x64xf32, #tpu.memory_space<vmem>> -> memref<128x64xf32, #tpu.memory_space<vmem>>
    %dma_wait3A_188 = arith.constant 0 : i32
    %dma_wait3A_189 = arith.constant 0 : i32
    %dma_wait3A_190 = tpu.memref_slice %arg4[%dma_wait3A_183, %dma_wait3A_188, %dma_wait3A_189] : memref<200x4096x64xf32, #tpu.memory_space<hbm>> -> memref<1x128x64xf32, #tpu.memory_space<hbm>>
    %dma_wait3A_191 = tpu.memref_squeeze %dma_wait3A_190 : memref<1x128x64xf32, #tpu.memory_space<hbm>> -> memref<128x64xf32, #tpu.memory_space<hbm>>
    %dma_wait3A_192 = arith.constant 0 : i32
    %dma_wait3A_193 = arith.constant 0 : i32
    %dma_wait3A_194 = tpu.memref_slice %arg4[%dma_wait3A_183, %dma_wait3A_192, %dma_wait3A_193] : memref<200x4096x64xf32, #tpu.memory_space<hbm>> -> memref<1x128x64xf32, #tpu.memory_space<hbm>>
    %dma_wait3A_195 = tpu.memref_squeeze %dma_wait3A_194 : memref<1x128x64xf32, #tpu.memory_space<hbm>> -> memref<128x64xf32, #tpu.memory_space<hbm>>
    %dma_wait3A_196 = arith.constant 0 : i32
    %dma_wait3A_197 = arith.constant 0 : i32
    %dma_wait3A_198 = tpu.memref_slice %arg6[%dma_wait3A_182, %dma_wait3A_196, %dma_wait3A_197] : memref<8x128x64xf32, #tpu.memory_space<vmem>> -> memref<1x128x64xf32, #tpu.memory_space<vmem>>
    %dma_wait3A_199 = tpu.memref_squeeze %dma_wait3A_198 : memref<1x128x64xf32, #tpu.memory_space<vmem>> -> memref<128x64xf32, #tpu.memory_space<vmem>>
    tpu.wait_dma2 semaphore(%arg22 : memref<!tpu.dma_semaphore, #tpu.memory_space<semaphore_mem>>) src(%dma_wait3A_199 : memref<128x64xf32, #tpu.memory_space<vmem>>) dst(%dma_wait3A_195 : memref<128x64xf32, #tpu.memory_space<hbm>>)
    return
  }
}

</mosaic_0001>

<sc_bundles>
// kernel: _emb.3.cloned.1.call-start
scs
__scs_entry_jumppad:
0x0: {  	(pc) =	sbr.rel $0x88, $3  }
0x1: {  	(tag) =	ssettag $0x0;
	lr =	simm.s32 $0x1  }
0x2: {  	[smem:$0x3F9F] =	sst lr;
	_ =	strace $0xD0000000  }
0x3: {  	_ = 	snop  }
0x4: {  	_ = 	snop  }
0x5: {  	_ = 	snop  }
0x6: {  	_ = 	snop  }
0x7: {  	_ = 	snop  }
__scs_overlays_trampoline_lowered:
0x8: {  	[smem:$0x3FAE] =	sst s0  }
0x9: {  	[smem:$0x3FAF] =	sst s1  }
0xa: {  	[smem:$0x3FB0] =	sst s2  }
0xb: {  	[smem:$0x3FB1] =	sst s3  }
0xc: {  	[smem:$0x3FB2] =	sst s4  }
0xd: {  	[smem:$0x3FB3] =	sst s5  }
0xe: {  	[smem:$0x3FB4] =	sst s6  }
0xf: {  	[smem:$0x3FB5] =	sst s7  }
0x10: {  	[smem:$0x3FB6] =	sst s8  }
0x11: {  	[smem:$0x3FB7] =	sst s9;
	s0 =	simm.s32 @!p0 $0x0  }
0x12: {  	s1 =	sld [smem:$0x3F9D];
	s0 =	simm.s32 @p0 $0x1  }
0x13: {  	[smem:$0x3FB8] =	sst s0;
	s0 =	simm.s32 @!p1 $0x0  }
0x14: {  	s2 =	sld [smem:$0x3F9C];
	s0 =	simm.s32 @p1 $0x1  }
0x15: {  	[smem:$0x3FB9] =	sst s0;
	s0 =	simm.s32 @!p2 $0x0  }
0x16: {  	s3 =	sld [smem:$0x3FDB];
	s0 =	simm.s32 @p2 $0x1  }
0x17: {  	s4 =	simm.s32 $0x1BF5;
	[smem:$0x3FBB] =	sst s0  }
0x18: {  	s0 =	sld [smem:$0x3F9E];
	_ =	swait.ge [sflag:s4], $0x0  }
0x19: {  	s7 =	sld [smem:$0x3F9F]  }
0x1a: {  	s8 =	sadd.s32 $0xFFFFE003, lr  }
0x1b: {  	s9 =	sadd.s32 $0xFFFFFEF7, lr;
	s5 =	simm.s32 $0xFFFFFFFF;
	p2 =	slt.u32 s8, $0xFFFFF086  }
0x1c: {  	p1 =	slt.u32 s9, $0xF7A;
	s5 =	simm.s32 @!p2 $0x0  }
0x1d: {  	s5 =	simm.s32 @p1 $0x1;
	p0 =	seq.s32 s7, s2  }
0x1e: {  	s7 =	smul.u32 @!p0 $0xF7A, s2;
	p2 =	seq.s32 @!p0 s5, $0x0  }
0x1f: {  	s9 =	smul.u32 $0xF7A, s1;
	s8 =	simm.s32 @!p0 $0x1BF5;
	p2 =	por !p2, p0  }
0x20: {  	[sflag:s8] =	ssyncset.s32 @!p0 $0xFFFFF086;
	s6 =	sadd.s32 @!p0 s3, s7;
	s7 =	simm.s32 @!p0 $0x108  }
0x21: {  	s3 =	sadd.s32 s3, s9;
	s6 =	sadd.s32 @!p0 $0x88, s6;
	s7 =	simm.s32 @p2 $0x1082  }
0x22: {  	[simem:s7], [sflag:s8] =	dma.local @!p0 [hbm:s6], $0xF7A  }
0x23: {  	s9 =	sor.u32 $0xD0000000, s2;
	s6 =	simm.s32 $0x108;
	_ =	swait.ge @!p0 [sflag:s8], $0x0  }
0x24: {  	s3 =	sadd.s32 $0x88, s3;
	s6 =	simm.s32 @!p1 $0x1082;
	[sflag:s4] =	ssyncset.s32 $0xFFFFF086  }
0x25: {  	[simem:s6], [sflag:s4] =	dma.local [hbm:s3], $0xF7A  }
0x26: {  	[smem:$0x3F9F] =	sst s1;
	(tag) =	ssettag s2;
	_ =	strace s9  }
0x27: {  	s1 =	sld [smem:$0x3FAF]  }
0x28: {  	s2 =	sld [smem:$0x3FB0]  }
0x29: {  	s4 =	sld [smem:$0x3FB2]  }
0x2a: {  	p0 =	seq.s32 s5, $0x0;
	s5 =	sld [smem:$0x3FB3]  }
0x2b: {  	s6 =	sld [smem:$0x3FB4]  }
0x2c: {  	s7 =	sld [smem:$0x3FB5]  }
0x2d: {  	s3 =	simm.s32 $0x108;
	s8 =	sld [smem:$0x3FB6]  }
0x2e: {  	s3 =	simm.s32 @!p0 $0x1082;
	s9 =	sld [smem:$0x3FB7]  }
0x2f: {  	lr =	sadd.s32 s0, s3;
	s0 =	sld [smem:$0x3FAE]  }
0x30: {  	s3 =	sld [smem:$0x3FB1]  }
0x31: {  	[smem:$0x3FBA] =	sst s10  }
0x32: {  	s10 =	sld [smem:$0x3FB8];
	_ =	sdelay $0x3  }
0x33: {  	p0 =	seq.s32 s10, $0x1;
	s10 =	sld [smem:$0x3FBA];
	_ =	sdelay $0x3  }
0x34: {  	[smem:$0x3FBA] =	sst s10  }
0x35: {  	s10 =	sld [smem:$0x3FB9];
	_ =	sdelay $0x3  }
0x36: {  	p1 =	seq.s32 s10, $0x1;
	s10 =	sld [smem:$0x3FBA];
	_ =	sdelay $0x3  }
0x37: {  	[smem:$0x3FBA] =	sst s10  }
0x38: {  	s10 =	sld [smem:$0x3FBB]  }
0x39: {  	_ = 	snop;
	(pc) =	sbr.ind lr, $3  }
0x3a: {  	_ = 	snop  }
0x3b: {  	_ = 	snop  }
0x3c: {  	p2 =	seq.s32 s10, $0x1;
	s10 =	sld [smem:$0x3FBA]  }
0x3d: {  	_ =	shalt  }
0x3e: {  	_ =	shalt  }
0x3f: {  	_ =	shalt  }
0x40: {  	_ =	shalt  }
0x41: {  	_ =	shalt  }
0x42: {  	_ =	shalt  }
0x43: {  	_ =	shalt  }
0x44: {  	_ =	shalt  }
0x45: {  	_ =	shalt  }
0x46: {  	_ =	shalt  }
0x47: {  	_ =	shalt  }
0x48: {  	_ =	shalt  }
0x49: {  	_ =	shalt  }
0x4a: {  	_ =	shalt  }
0x4b: {  	_ =	shalt  }
0x4c: {  	_ =	shalt  }
0x4d: {  	_ =	shalt  }
0x4e: {  	_ =	shalt  }
0x4f: {  	_ =	shalt  }
0x50: {  	_ =	shalt  }
0x51: {  	_ =	shalt  }
0x52: {  	_ =	shalt  }
0x53: {  	_ =	shalt  }
0x54: {  	_ =	shalt  }
0x55: {  	_ =	shalt  }
0x56: {  	_ =	shalt  }
0x57: {  	_ =	shalt  }
0x58: {  	_ =	shalt  }
0x59: {  	_ =	shalt  }
0x5a: {  	_ =	shalt  }
0x5b: {  	_ =	shalt  }
0x5c: {  	_ =	shalt  }
0x5d: {  	_ =	shalt  }
0x5e: {  	_ =	shalt  }
0x5f: {  	_ =	shalt  }
0x60: {  	_ =	shalt  }
0x61: {  	_ =	shalt  }
0x62: {  	_ =	shalt  }
0x63: {  	_ =	shalt  }
0x64: {  	_ =	shalt  }
0x65: {  	_ =	shalt  }
0x66: {  	_ =	shalt  }
0x67: {  	_ =	shalt  }
0x68: {  	_ =	shalt  }
0x69: {  	_ =	shalt  }
0x6a: {  	_ =	shalt  }
0x6b: {  	_ =	shalt  }
0x6c: {  	_ =	shalt  }
0x6d: {  	_ =	shalt  }
0x6e: {  	_ =	shalt  }
0x6f: {  	_ =	shalt  }
0x70: {  	_ =	shalt  }
0x71: {  	_ =	shalt  }
0x72: {  	_ =	shalt  }
0x73: {  	_ =	shalt  }
0x74: {  	_ =	shalt  }
0x75: {  	_ =	shalt  }
0x76: {  	_ =	shalt  }
0x77: {  	_ =	shalt  }
0x78: {  	_ =	shalt  }
0x79: {  	_ =	shalt  }
0x7a: {  	_ =	shalt  }
0x7b: {  	_ =	shalt  }
0x7c: {  	_ =	shalt  }
0x7d: {  	_ =	shalt  }
0x7e: {  	_ =	shalt  }
0x7f: {  	_ =	shalt  }
0x80: {  	_ =	shalt  }
0x81: {  	_ =	shalt  }
0x82: {  	_ =	shalt  }
0x83: {  	_ =	shalt  }
0x84: {  	_ =	shalt  }
0x85: {  	_ =	shalt  }
0x86: {  	_ =	shalt  }
0x87: {  	_ =	shalt  }
.Lfunc_end0:
.L_simem_size_0:
called_computation.1_lowered:
.L_overlay_start_0:
0x88: {  	s2 =	sld [smem:$0x3FD9]  }
0x89: {  	s3 =	sld [smem:$0x3FFE];
	_ =	sdelay $0x1  }
0x8a: {  	s1 =	srdreg.scid  }
0x8b: {  	s0 =	sand.u32 $0x1, s1  }
0x8c: {  	s17 =	sshll.u32 s0, $0xA;
	s2 =	sadd.s32 s3, s2  }
0x8d: {  	s2 =	sadd.s32 s2, s17  }
0x8e: {  	[smem:$0x3FC6] =	sst s2  }
0x8f: {  	_ = 	snop  }
0x90: {  	s2 =	sld [smem:$0x3FC9]  }
0x91: {  	s18 =	sld [smem:$0x3FD0];
	(tm) =	ssettm $0x1  }
0x92: {  	s4 =	sld [smem:$0x3FFB];
	_ =	sdelay $0x3  }
0x93: {  	_ =	strace s4  }
0x94: {  	s4 =	sld [smem:$0x3FFC];
	_ =	sdelay $0x3  }
0x95: {  	_ =	strace s4  }
0x96: {  	s4 =	sld [smem:$0x3FFD];
	_ =	sdelay $0x3  }
0x97: {  	_ =	strace s4  }
0x98: {  	_ =	strace $0x8FFFFFFF  }
0x99: {  	s19 =	sld [smem:$0x3FDB];
	_ =	sdelay $0x1  }
0x9a: {  	s5 =	simm.s32 $_scs_section_size  }
0x9b: {  	s6 =	simm.s32 $_size__tile_overlayer_lowered;
	s7 =	simm.s32 $_tile_overlayer_lowered  }
0x9c: {  	s22 =	simm.s32 $0x1BFF;
	s21 =	sshll.u32 s7, $0x1;
	s4 =	sadd.s32 s5, s19  }
0x9d: {  	s8 =	simm.s32 $0x0;
	s20 =	sshll.u32 s6, $0x1;
	s6 =	sadd.s32 s21, s4  }
0x9e: {  	[timem:s8], [sflag:s22] =	dma.local [hbm:s6], s20  }
0x9f: {  	_ =	swait.ge [sflag:s22], s20  }
0xa0: {  	s5 =	ssub.s32 $0x0, s20;
	[sflag:s22] =	ssyncset.done $0x0  }
0xa1: {  	[sflag:s22] =	ssyncadd.s32 s5;
	_ =	sdelay $0x1  }
0xa2: {  	s23 =	simm.s32 $0x1B8B  }
0xa3: {  	_ =	swait.ge [sflag:s23], $0x1  }
0xa4: {  	[sflag:s23] =	ssyncset.done $0x0  }
0xa5: {  	s25 =	simm.s32 $0x1B8E;
	s24 =	sld [smem:$0x3FFE];
	[sflag:s23] =	ssyncadd.s32 $0xFFFFFFFF  }
0xa6: {  	s26 =	simm.s32 $execute0_lowered;
	[smem:$0x3FD2] =	sst s25  }
0xa7: {  	s6 =	sshll.u32 s26, $0x1;
	_ =	strace $0x80000046;
	[dreg:$0x1] =	wrdreg $0xFFFFFFFF  }
0xa8: {  	s28 =	simm.s32 $_size_execute0_lowered;
	s4 =	sadd.s32 s4, s6;
	[dreg:$0x0] =	wrdreg $0x0  }
0xa9: {  	s6 =	sshll.u32 s28, $0x1;
	[dreg:$0x2] =	wrdreg s4  }
0xaa: {  	[dreg:$0x3] =	wrdreg s6  }
0xab: {  	[dreg:$0x4] =	wrdreg $0xC0  }
0xac: {  	_ =	task [dreg:s8], $0x5FFFF  }
0xad: {  	[dreg:$0x1] =	wrdreg $0xFFFFFFFF  }
0xae: {  	[dreg:$0x0] =	wrdreg $0x60  }
0xaf: {  	[dreg:$0x2] =	wrdreg s2  }
0xb0: {  	[dreg:$0x3] =	wrdreg s24  }
0xb1: {  	[dreg:$0x4] =	wrdreg s18  }
0xb2: {  	[dreg:$0x5] =	wrdreg $0x9  }
0xb3: {  	_ =	task.clear_ibuf [dreg:s8], $0x6FFFF;
	_ =	strace $0x90000046  }
0xb4: {  	s29 =	simm.s32 $0x9;
	_ =	strace $0x80000048  }
0xb5: {  	_ =	swait.ge [sflag:s29], $0x1  }
0xb6: {  	[sflag:s29] =	ssyncadd.s32 $0xFFFFFFFF  }
0xb7: {  	_ =	strace $0x90000048  }
0xb8: {  	_ =	sfence  }
0xb9: {  	s30 =	sld [smem:$0x0];
	_ =	sdelay $0x2  }
0xba: {  	s31 =	sshll.u32 s1, $0xD;
	s1 =	sshrl.u32 s1, $0x2  }
0xbb: {  	s3 =	sand.u32 $0x4000, s31;
	s1 =	sadd.s32 s1, s30  }
0xbc: {  	s0 =	sor.u32 s3, s0;
	s1 =	sshll.u32 s1, $0x11  }
0xbd: {  	s0 =	sor.u32 s1, s0  }
0xbe: {  	s0 =	sadd.s32 $0x8F2B, s0  }
0xbf: {  	[sflag:s0] =	ssyncadd.remote.s32 $0x1  }
0xc0: {  	_ =	sfence.sel $0xFFFF  }
0xc1: {  	[dreg:$0x0] =	wrdreg $0xFFFFFFFF;
	(pc) =	sbr.abs _section_cstart, $3  }
0xc2: {  	[dreg:$0x1] =	wrdreg $0xFFFFFFFF  }
0xc3: {  	_ =	task.clear_ibuf [dreg:s8], $0x2FFFF;
	_ =	strace $0x9FFFFFFF  }
0xc4: {  	(tm) =	ssettm $0x7FFFFFFF  }
0xc5: {  	_ =	shalt  }
tec
execute0_lowered:
.L_overlay_start_1:
0x0: {  	(tag) =	ssettag $0x1  }
0x1: {  	s0 =	rddreg [dreg:$0x0]  }
0x2: {  	s1 =	rddreg [dreg:$0x1];
	s3 =	srdreg.scid  }
0x3: {  	s5 =	stileid.u32;
	s2 =	rddreg [dreg:$0x2];
	s9 =	simm.s32 $0x80  }
0x4: {  	s13 =	simm.s32 $0x6400;
	s15 =	simm.s32 $0xC400;
	s16 =	simm.s32 $0x1  }
0x5: {  	s17 =	simm.s32 $0xE400;
	s18 =	simm.s32 $0x2;
	s19 =	simm.s32 $0x10400  }
0x6: {  	s20 =	simm.s32 $0x3;
	s21 =	simm.s32 $0x12400;
	s22 =	simm.s32 $0x4  }
0x7: {  	s23 =	simm.s32 $0x14400;
	s4 =	sand.u32 $0x1, s3;
	s5 =	sshll.u32 s5, $0x1  }
0x8: {  	s24 =	simm.s32 $0x5;
	s25 =	simm.s32 $0x6;
	s5 =	sor.u32 s4, s5  }
0x9: {  	s26 =	simm.s32 $0x7;
	s28 =	simm.s32 $0x8;
	s7 =	smul.u32 $0xC80, s5  }
.Ltmp0:
0xa: {  	s3 =	simm.s32 $0x0;
	s6 =	ssub.s32 $0x2, s4;
	(pc) =	sbr.rel .LBB2_1-.Ltmp0, $4  }
0xb: {  	[smem:$0x7FF] =	sst s3;
	s4 =	sadd.s32 $0xF42C00, s1;
	s30 =	sshrl.u32 s6, $0x1  }
0xc: {  	_ =	strace $0x80000047;
	s1 =	ssub.s32 s6, s30;
	s0 =	sadd.s32 s0, s7  }
0xd: {  	s5 =	smul.u32 $0x6400, s5;
	s31 =	smax.u32 s1, $0x1;
	[dreg:$0x4] =	wrdreg s0  }
0xe: {  	s1 =	simm.s32 $0xC;
	s7 =	simm.s32 $0x0;
	[dreg:$0x5] =	wrdreg s31  }
.LBB2_36:
0xf: {  	s0 =	simm.s32 $0x9  }
0x10: {  	_ =	swait.ge [sflag:s0], $0x2000  }
0x11: {  	[sflag:s0] =	ssyncset.done $0x0  }
0x12: {  	s11 =	simm.s32 $0xA;
	[sflag:s0] =	ssyncadd.s32 $0xFFFFE000  }
0x13: {  	_ =	swait.ge [sflag:s11], $0x2000  }
0x14: {  	[sflag:s11] =	ssyncset.done $0x0  }
0x15: {  	s12 =	simm.s32 $0xB;
	[sflag:s11] =	ssyncadd.s32 $0xFFFFE000  }
0x16: {  	_ =	swait.ge [sflag:s12], $0x2000  }
0x17: {  	[sflag:s12] =	ssyncset.done $0x0  }
0x18: {  	[sflag:s12] =	ssyncadd.s32 $0xFFFFE000  }
0x19: {  	_ =	swait.ge [sflag:s1], $0x2000  }
0x1a: {  	[sflag:s1] =	ssyncset.done $0x0  }
0x1b: {  	s14 =	simm.s32 $0xD;
	[sflag:s1] =	ssyncadd.s32 $0xFFFFE000  }
0x1c: {  	_ =	swait.ge [sflag:s14], $0x2000  }
0x1d: {  	[sflag:s14] =	ssyncset.done $0x0  }
0x1e: {  	s29 =	simm.s32 $0xE;
	[sflag:s14] =	ssyncadd.s32 $0xFFFFE000  }
0x1f: {  	_ =	swait.ge [sflag:s29], $0x2000  }
0x20: {  	[sflag:s29] =	ssyncset.done $0x0  }
0x21: {  	s30 =	simm.s32 $0xF;
	[sflag:s29] =	ssyncadd.s32 $0xFFFFE000  }
0x22: {  	_ =	swait.ge [sflag:s30], $0x2000  }
0x23: {  	[sflag:s30] =	ssyncset.done $0x0  }
0x24: {  	s6 =	simm.s32 $0x10;
	[sflag:s30] =	ssyncadd.s32 $0xFFFFE000  }
0x25: {  	_ =	swait.ge [sflag:s6], $0x2000  }
0x26: {  	s7 =	rddreg [dreg:$0x6]  }
0x27: {  	s31 =	rddreg [dreg:$0x5];
	s7 =	sadd.s32 $0x1, s7  }
0x28: {  	p0 =	sne.s32 s7, s31  }
.Ltmp1:
0x29: {  	_ = 	snop;
	(pc) =	sbr.rel @!p0 .LBB2_37-.Ltmp1, $3  }
0x2a: {  	_ =	sdelay $0x1  }
0x2b: {  	[sflag:s6] =	ssyncset.done $0x0  }
0x2c: {  	[sflag:s6] =	ssyncadd.s32 $0xFFFFE000  }
.LBB2_1:
0x2d: {  	[dreg:$0x6] =	wrdreg s7  }
0x2e: {  	s0 =	rddreg [dreg:$0x4];
	s14 =	simm.s32 $0x11  }
0x2f: {  	[tilespmem:s3], [sflag:$0x11] =	stream.linear.gather [hbm4b:s0+s3], $0x6400, $0x38;
	[tilespmem:$0x16400] =	vst v63  }
0x30: {  	_ =	swait.ge [sflag:s14], $0x6400  }
0x31: {  	[sflag:s14] =	ssyncset.done $0x0  }
0x32: {  	[sflag:s14] =	ssyncadd.s32 $0xFFFF9C00  }
0x33: {  	[tilespmem:s13], [sflag:$0x1] =	stream.indirect.gather [hbm4b:s4+s9], $0x40, s3, s9, $0xb8;
	[tilespmem:$0x16400] =	vst v63  }
0x34: {  	s29 =	simm.s32 $0x8400  }
0x35: {  	[tilespmem:s29], [sflag:$0x2] =	stream.indirect.gather [hbm4b:s4+s9], $0x40, s9, s9, $0xb8;
	[tilespmem:$0x16400] =	vst v63  }
0x36: {  	s30 =	simm.s32 $0x100;
	s6 =	simm.s32 $0xA400  }
0x37: {  	[tilespmem:s6], [sflag:$0x3] =	stream.indirect.gather [hbm4b:s4+s9], $0x40, s30, s9, $0xb8;
	[tilespmem:$0x16400] =	vst v63  }
0x38: {  	s31 =	simm.s32 $0x180;
	s8 =	simm.s32 $0x0  }
0x39: {  	[tilespmem:s15], [sflag:$0x4] =	stream.indirect.gather [hbm4b:s4+s9], $0x40, s31, s9, $0xb8;
	[tilespmem:$0x16400] =	vst v63  }
.LBB2_2:
0x3a: {  	_ =	swait.ge [sflag:s16], $0x2000  }
0x3b: {  	[sflag:s16] =	ssyncset.done $0x0  }
0x3c: {  	s29 =	sshll.u32 s8, $0xA;
	[sflag:s16] =	ssyncadd.s32 $0xFFFFE000  }
0x3d: {  	v0 =	vld [tilespmem:s29+$0x0]  }
0x3e: {  	v1 =	vld [tilespmem:s29+$0x10];
	_ =	sdelay $0x1  }
0x3f: {  	v2 =	vld [tilespmem:s29+$0x20];
	_ =	sdelay $0x1  }
0x40: {  	v3 =	vld [tilespmem:s29+$0x30]  }
0x41: {  	vm0 =	vlt.s32 v0, v1  }
0x42: {  	v60 =	vld [tilespmem:s29+$0x40];
	v0 =	vsel vm0, v0, v1  }
0x43: {  	vm0 =	vlt.s32 v0, v2  }
0x44: {  	v61 =	vld [tilespmem:s29+$0x50];
	v0 =	vsel vm0, v0, v2  }
0x45: {  	vm0 =	vlt.s32 v0, v3  }
0x46: {  	v62 =	vld [tilespmem:s29+$0x60];
	v0 =	vsel vm0, v0, v3  }
0x47: {  	vm0 =	vlt.s32 v0, v60  }
0x48: {  	v63 =	vld [tilespmem:s29+$0x70];
	v0 =	vsel vm0, v0, v60  }
0x49: {  	vm0 =	vlt.s32 v0, v61  }
0x4a: {  	v0 =	vsel vm0, v0, v61  }
0x4b: {  	vm0 =	vlt.s32 v0, v62  }
0x4c: {  	v0 =	vsel vm0, v0, v62  }
0x4d: {  	vm0 =	vlt.s32 v0, v63  }
0x4e: {  	v0 =	vsel vm0, v0, v63  }
0x4f: {  	(v2sf) =	vpush v0, $0x0  }
0x50: {  	(v2sf) =	vpush v0, $0x1;
	_ =	sdelay $0x1  }
0x51: {  	(v2sf) =	vpush v0, $0x2;
	_ =	sdelay $0x1  }
0x52: {  	(v2sf) =	vpush v0, $0x3;
	_ =	sdelay $0x1  }
0x53: {  	(v2sf) =	vpush v0, $0x4;
	_ =	sdelay $0x1  }
0x54: {  	(v2sf) =	vpush v0, $0x5;
	_ =	sdelay $0x1  }
0x55: {  	(v2sf) =	vpush v0, $0x6;
	_ =	sdelay $0x1  }
0x56: {  	(v2sf) =	vpush v0, $0x7;
	_ =	sdelay $0x1  }
0x57: {  	s0 =	spop (v2sf);
	(v2sf) =	vpush v0, $0x8  }
0x58: {  	s6 =	spop (v2sf)  }
0x59: {  	(v2sf) =	vpush v0, $0x9;
	p0 =	slt.s32 s0, s6  }
0x5a: {  	s6 =	smov.u32 @p0 s0;
	s0 =	spop (v2sf)  }
0x5b: {  	(v2sf) =	vpush v0, $0xA;
	p0 =	slt.s32 s6, s0  }
0x5c: {  	s0 =	smov.u32 @p0 s6;
	s6 =	spop (v2sf)  }
0x5d: {  	(v2sf) =	vpush v0, $0xB;
	p0 =	slt.s32 s0, s6  }
0x5e: {  	s6 =	smov.u32 @p0 s0;
	s0 =	spop (v2sf)  }
0x5f: {  	(v2sf) =	vpush v0, $0xC;
	p0 =	slt.s32 s6, s0  }
0x60: {  	s0 =	smov.u32 @p0 s6;
	s6 =	spop (v2sf)  }
0x61: {  	(v2sf) =	vpush v0, $0xD;
	p0 =	slt.s32 s0, s6  }
0x62: {  	s6 =	smov.u32 @p0 s0;
	s0 =	spop (v2sf)  }
0x63: {  	(v2sf) =	vpush v0, $0xE;
	p0 =	slt.s32 s6, s0  }
0x64: {  	s0 =	smov.u32 @p0 s6;
	s6 =	spop (v2sf)  }
0x65: {  	(v2sf) =	vpush v0, $0xF;
	p0 =	slt.s32 s0, s6  }
0x66: {  	s6 =	smov.u32 @p0 s0;
	s0 =	spop (v2sf)  }
0x67: {  	p0 =	slt.s32 s6, s0  }
0x68: {  	s0 =	smov.u32 @p0 s6;
	s6 =	spop (v2sf)  }
0x69: {  	p0 =	slt.s32 s0, s6  }
0x6a: {  	s6 =	smov.u32 @p0 s0;
	s0 =	spop (v2sf)  }
0x6b: {  	p0 =	slt.s32 s6, s0  }
0x6c: {  	s0 =	smov.u32 @p0 s6;
	s6 =	spop (v2sf)  }
0x6d: {  	p0 =	slt.s32 s0, s6  }
0x6e: {  	s6 =	smov.u32 @p0 s0;
	s0 =	spop (v2sf)  }
0x6f: {  	p0 =	slt.s32 s6, s0  }
0x70: {  	s0 =	smov.u32 @p0 s6;
	s6 =	spop (v2sf)  }
0x71: {  	p0 =	slt.s32 s0, s6  }
0x72: {  	s6 =	smov.u32 @p0 s0;
	s0 =	spop (v2sf)  }
0x73: {  	p0 =	slt.s32 s6, s0  }
0x74: {  	s0 =	smov.u32 @p0 s6;
	s6 =	spop (v2sf)  }
0x75: {  	p0 =	slt.s32 s0, s6  }
0x76: {  	s6 =	smov.u32 @p0 s0  }
0x77: {  	p0 =	sne.s32 s6, $0x0  }
.Ltmp2:
0x78: {  	_ = 	snop;
	(pc) =	sbr.rel @p0 .LBB2_6-.Ltmp2, $1  }
0x79: {  	_ =	sdelay $0x3  }
0x7a: {  	s0 =	simm.s32 $0x0  }
0x7b: {  	s6 =	sand.u32 $0x78, s0  }
0x7c: {  	s0 =	sand.u32 $0x7, s0;
	s6 =	sadd.s32 s6, s29  }
0x7d: {  	s0 =	sadd.s32 s0, s6  }
0x7e: {  	v0 =	vld [tilespmem:s0+$0x0];
	_ =	sdelay $0x4  }
0x7f: {  	(v2sf) =	vpush v0, $0x0;
	_ =	sdelay $0xe  }
0x80: {  	s31 =	spop (v2sf)  }
0x81: {  	p1 =	sne.s32 s31, $0x0  }
0x82: {  	s0 =	simm.s32 $0x6420;
	v0 =	vimm.f32 @!p1 $0.0e+00  }
0x83: {  	s6 =	simm.s32 $0x1;
	[tilespmem:s0+$0xFFFFFFE0] =	vst @!p1 v0  }
.LBB2_4:
0x84: {  	s7 =	sand.u32 $0x78, s6;
	[tilespmem:s0+$0xFFFFFFF0] =	vst @!p1 v0;
	s10 =	smov.u32 s6;
	s6 =	sadd.s32 $0x1, s6  }
0x85: {  	s10 =	sand.u32 $0x7, s10;
	s7 =	sadd.s32 s7, s29;
	p0 =	sne.s32 s6, $0x80;
	[tilespmem:s0+$0x0] =	vst @!p1 v0  }
0x86: {  	s7 =	sadd.s32 s10, s7;
	[tilespmem:s0+$0x10] =	vst @!p1 v0  }
0x87: {  	v0 =	vld [tilespmem:s7+$0x0];
	_ =	sdelay $0x4  }
0x88: {  	(v2sf) =	vpush v0, $0x0;
	_ =	sdelay $0xd  }
.Ltmp3:
0x89: {  	(pc) =	sbr.rel @p0 .LBB2_4-.Ltmp3, $4  }
0x8a: {  	s7 =	spop (v2sf)  }
0x8b: {  	p1 =	sne.s32 s7, $0x0  }
0x8c: {  	s0 =	sadd.s32 $0x40, s0;
	v0 =	vimm.f32 @!p1 $0.0e+00  }
0x8d: {  	[tilespmem:s0+$0xFFFFFFE0] =	vst @!p1 v0  }
0x8e: {  	[tilespmem:s0+$0xFFFFFFF0] =	vst @!p1 v0  }
0x8f: {  	[tilespmem:s0+$0x0] =	vst @!p1 v0  }
0x90: {  	[tilespmem:s0+$0x10] =	vst @!p1 v0  }
.LBB2_6:
0x91: {  	s0 =	sadd.s32 s5, s29  }
0x92: {  	s0 =	sshll.u32 s0, $0x3  }
0x93: {  	p0 =	seq.s32 s8, $0x0;
	s0 =	sadd.s32 s2, s0  }
0x94: {  	[hbm4b:s0+s3] =	stream.linear.scatter [tilespmem:s13], [sflag:$0x9], $0x2000, $0x38;
	[tilespmem:$0x16400] =	vst v63  }
0x95: {  	s0 =	simm.s32 @!p0 $0xD  }
0x96: {  	_ =	swait.ge @!p0 [sflag:s0], $0x2000  }
0x97: {  	[sflag:s0] =	ssyncset.done @!p0 $0x0  }
0x98: {  	s12 =	sor.u32 $0x200, s29;
	[sflag:s0] =	ssyncadd.s32 @!p0 $0xFFFFE000  }
0x99: {  	[tilespmem:s17], [sflag:$0x5] =	stream.indirect.gather [hbm4b:s4+s9], $0x40, s12, s9, $0xb8;
	[tilespmem:$0x16400] =	vst v63  }
0x9a: {  	_ =	swait.ge [sflag:s18], $0x2000  }
0x9b: {  	[sflag:s18] =	ssyncset.done $0x0  }
0x9c: {  	s0 =	sor.u32 $0x80, s29;
	[sflag:s18] =	ssyncadd.s32 $0xFFFFE000  }
0x9d: {  	v0 =	vld [tilespmem:s0+$0x0]  }
0x9e: {  	v1 =	vld [tilespmem:s29+$0x90];
	_ =	sdelay $0x1  }
0x9f: {  	v2 =	vld [tilespmem:s29+$0xA0];
	_ =	sdelay $0x1  }
0xa0: {  	v3 =	vld [tilespmem:s29+$0xB0]  }
0xa1: {  	vm0 =	vlt.s32 v0, v1  }
0xa2: {  	v60 =	vld [tilespmem:s29+$0xC0];
	v0 =	vsel vm0, v0, v1  }
0xa3: {  	vm0 =	vlt.s32 v0, v2  }
0xa4: {  	v61 =	vld [tilespmem:s29+$0xD0];
	v0 =	vsel vm0, v0, v2  }
0xa5: {  	vm0 =	vlt.s32 v0, v3  }
0xa6: {  	v62 =	vld [tilespmem:s29+$0xE0];
	v0 =	vsel vm0, v0, v3  }
0xa7: {  	vm0 =	vlt.s32 v0, v60  }
0xa8: {  	v63 =	vld [tilespmem:s29+$0xF0];
	v0 =	vsel vm0, v0, v60  }
0xa9: {  	vm0 =	vlt.s32 v0, v61  }
0xaa: {  	v0 =	vsel vm0, v0, v61  }
0xab: {  	vm0 =	vlt.s32 v0, v62  }
0xac: {  	v0 =	vsel vm0, v0, v62  }
0xad: {  	vm0 =	vlt.s32 v0, v63  }
0xae: {  	v0 =	vsel vm0, v0, v63  }
0xaf: {  	(v2sf) =	vpush v0, $0x0  }
0xb0: {  	(v2sf) =	vpush v0, $0x1;
	_ =	sdelay $0x1  }
0xb1: {  	(v2sf) =	vpush v0, $0x2;
	_ =	sdelay $0x1  }
0xb2: {  	(v2sf) =	vpush v0, $0x3;
	_ =	sdelay $0x1  }
0xb3: {  	(v2sf) =	vpush v0, $0x4;
	_ =	sdelay $0x1  }
0xb4: {  	(v2sf) =	vpush v0, $0x5;
	_ =	sdelay $0x1  }
0xb5: {  	(v2sf) =	vpush v0, $0x6;
	_ =	sdelay $0x1  }
0xb6: {  	(v2sf) =	vpush v0, $0x7;
	_ =	sdelay $0x1  }
0xb7: {  	s6 =	spop (v2sf);
	(v2sf) =	vpush v0, $0x8  }
0xb8: {  	s7 =	spop (v2sf)  }
0xb9: {  	(v2sf) =	vpush v0, $0x9;
	p1 =	slt.s32 s6, s7  }
0xba: {  	s7 =	smov.u32 @p1 s6;
	s6 =	spop (v2sf)  }
0xbb: {  	(v2sf) =	vpush v0, $0xA;
	p1 =	slt.s32 s7, s6  }
0xbc: {  	s6 =	smov.u32 @p1 s7;
	s7 =	spop (v2sf)  }
0xbd: {  	(v2sf) =	vpush v0, $0xB;
	p1 =	slt.s32 s6, s7  }
0xbe: {  	s7 =	smov.u32 @p1 s6;
	s6 =	spop (v2sf)  }
0xbf: {  	(v2sf) =	vpush v0, $0xC;
	p1 =	slt.s32 s7, s6  }
0xc0: {  	s6 =	smov.u32 @p1 s7;
	s7 =	spop (v2sf)  }
0xc1: {  	(v2sf) =	vpush v0, $0xD;
	p1 =	slt.s32 s6, s7  }
0xc2: {  	s7 =	smov.u32 @p1 s6;
	s6 =	spop (v2sf)  }
0xc3: {  	(v2sf) =	vpush v0, $0xE;
	p1 =	slt.s32 s7, s6  }
0xc4: {  	s6 =	smov.u32 @p1 s7;
	s7 =	spop (v2sf)  }
0xc5: {  	(v2sf) =	vpush v0, $0xF;
	p1 =	slt.s32 s6, s7  }
0xc6: {  	s7 =	smov.u32 @p1 s6;
	s6 =	spop (v2sf)  }
0xc7: {  	p1 =	slt.s32 s7, s6  }
0xc8: {  	s6 =	smov.u32 @p1 s7;
	s7 =	spop (v2sf)  }
0xc9: {  	p1 =	slt.s32 s6, s7  }
0xca: {  	s7 =	smov.u32 @p1 s6;
	s6 =	spop (v2sf)  }
0xcb: {  	p1 =	slt.s32 s7, s6  }
0xcc: {  	s6 =	smov.u32 @p1 s7;
	s7 =	spop (v2sf)  }
0xcd: {  	p1 =	slt.s32 s6, s7  }
0xce: {  	s7 =	smov.u32 @p1 s6;
	s6 =	spop (v2sf)  }
0xcf: {  	p1 =	slt.s32 s7, s6  }
0xd0: {  	s6 =	smov.u32 @p1 s7;
	s7 =	spop (v2sf)  }
0xd1: {  	p1 =	slt.s32 s6, s7  }
0xd2: {  	s7 =	smov.u32 @p1 s6;
	s6 =	spop (v2sf)  }
0xd3: {  	p1 =	slt.s32 s7, s6  }
0xd4: {  	s6 =	smov.u32 @p1 s7;
	s7 =	spop (v2sf)  }
0xd5: {  	p1 =	slt.s32 s6, s7  }
0xd6: {  	s7 =	smov.u32 @p1 s6  }
0xd7: {  	p1 =	sne.s32 s7, $0x0  }
.Ltmp4:
0xd8: {  	_ = 	snop;
	(pc) =	sbr.rel @p1 .LBB2_10-.Ltmp4, $1  }
0xd9: {  	_ =	sdelay $0x3  }
0xda: {  	s6 =	simm.s32 $0x0  }
0xdb: {  	s7 =	sand.u32 $0x78, s6  }
0xdc: {  	s6 =	sand.u32 $0x7, s6;
	s7 =	sadd.s32 s7, s0  }
0xdd: {  	s6 =	sadd.s32 s6, s7  }
0xde: {  	v0 =	vld [tilespmem:s6+$0x0];
	_ =	sdelay $0x4  }
0xdf: {  	(v2sf) =	vpush v0, $0x0;
	_ =	sdelay $0xe  }
0xe0: {  	s31 =	spop (v2sf)  }
0xe1: {  	p2 =	sne.s32 s31, $0x0  }
0xe2: {  	s6 =	simm.s32 $0x8430;
	v0 =	vimm.f32 @!p2 $0.0e+00  }
0xe3: {  	s7 =	simm.s32 $0x1;
	[tilespmem:s6+$0xFFFFFFD0] =	vst @!p2 v0  }
.LBB2_8:
0xe4: {  	s10 =	sand.u32 $0x78, s7;
	[tilespmem:s6+$0xFFFFFFE0] =	vst @!p2 v0;
	s14 =	smov.u32 s7;
	s7 =	sadd.s32 $0x1, s7  }
0xe5: {  	s14 =	sand.u32 $0x7, s14;
	s10 =	sadd.s32 s10, s0;
	p1 =	sne.s32 s7, $0x80;
	[tilespmem:s6+$0xFFFFFFF0] =	vst @!p2 v0  }
0xe6: {  	s10 =	sadd.s32 s14, s10;
	[tilespmem:s6+$0x0] =	vst @!p2 v0  }
0xe7: {  	v0 =	vld [tilespmem:s10+$0x0];
	_ =	sdelay $0x4  }
0xe8: {  	(v2sf) =	vpush v0, $0x0;
	_ =	sdelay $0xd  }
.Ltmp5:
0xe9: {  	(pc) =	sbr.rel @p1 .LBB2_8-.Ltmp5, $4  }
0xea: {  	s10 =	spop (v2sf)  }
0xeb: {  	p2 =	sne.s32 s10, $0x0  }
0xec: {  	s6 =	sadd.s32 $0x40, s6;
	v0 =	vimm.f32 @!p2 $0.0e+00  }
0xed: {  	[tilespmem:s6+$0xFFFFFFD0] =	vst @!p2 v0  }
0xee: {  	[tilespmem:s6+$0xFFFFFFE0] =	vst @!p2 v0  }
0xef: {  	[tilespmem:s6+$0xFFFFFFF0] =	vst @!p2 v0  }
0xf0: {  	[tilespmem:s6+$0x0] =	vst @!p2 v0  }
.LBB2_10:
0xf1: {  	s0 =	sadd.s32 s5, s0  }
0xf2: {  	s0 =	sshll.u32 s0, $0x3  }
0xf3: {  	s0 =	sand.u32 $0xFFFE400, s0  }
0xf4: {  	s6 =	simm.s32 $0x8400;
	s0 =	sadd.s32 s2, s0  }
0xf5: {  	[hbm4b:s0+s3] =	stream.linear.scatter [tilespmem:s6], [sflag:$0xA], $0x2000, $0x38;
	[tilespmem:$0x16400] =	vst v63  }
0xf6: {  	s0 =	simm.s32 @!p0 $0xE  }
0xf7: {  	_ =	swait.ge @!p0 [sflag:s0], $0x2000  }
0xf8: {  	[sflag:s0] =	ssyncset.done @!p0 $0x0  }
0xf9: {  	s31 =	sor.u32 $0x280, s29;
	[sflag:s0] =	ssyncadd.s32 @!p0 $0xFFFFE000  }
0xfa: {  	[tilespmem:s19], [sflag:$0x6] =	stream.indirect.gather [hbm4b:s4+s9], $0x40, s31, s9, $0xb8;
	[tilespmem:$0x16400] =	vst v63  }
0xfb: {  	_ =	swait.ge [sflag:s20], $0x2000  }
0xfc: {  	[sflag:s20] =	ssyncset.done $0x0  }
0xfd: {  	s0 =	sor.u32 $0x100, s29;
	[sflag:s20] =	ssyncadd.s32 $0xFFFFE000  }
0xfe: {  	v0 =	vld [tilespmem:s0+$0x0]  }
0xff: {  	v1 =	vld [tilespmem:s29+$0x110];
	_ =	sdelay $0x1  }
0x100: {  	v2 =	vld [tilespmem:s29+$0x120];
	_ =	sdelay $0x1  }
0x101: {  	v3 =	vld [tilespmem:s29+$0x130]  }
0x102: {  	vm0 =	vlt.s32 v0, v1  }
0x103: {  	v60 =	vld [tilespmem:s29+$0x140];
	v0 =	vsel vm0, v0, v1  }
0x104: {  	vm0 =	vlt.s32 v0, v2  }
0x105: {  	v61 =	vld [tilespmem:s29+$0x150];
	v0 =	vsel vm0, v0, v2  }
0x106: {  	vm0 =	vlt.s32 v0, v3  }
0x107: {  	v62 =	vld [tilespmem:s29+$0x160];
	v0 =	vsel vm0, v0, v3  }
0x108: {  	vm0 =	vlt.s32 v0, v60  }
0x109: {  	v63 =	vld [tilespmem:s29+$0x170];
	v0 =	vsel vm0, v0, v60  }
0x10a: {  	vm0 =	vlt.s32 v0, v61  }
0x10b: {  	v0 =	vsel vm0, v0, v61  }
0x10c: {  	vm0 =	vlt.s32 v0, v62  }
0x10d: {  	v0 =	vsel vm0, v0, v62  }
0x10e: {  	vm0 =	vlt.s32 v0, v63  }
0x10f: {  	v0 =	vsel vm0, v0, v63  }
0x110: {  	(v2sf) =	vpush v0, $0x0  }
0x111: {  	(v2sf) =	vpush v0, $0x1;
	_ =	sdelay $0x1  }
0x112: {  	(v2sf) =	vpush v0, $0x2;
	_ =	sdelay $0x1  }
0x113: {  	(v2sf) =	vpush v0, $0x3;
	_ =	sdelay $0x1  }
0x114: {  	(v2sf) =	vpush v0, $0x4;
	_ =	sdelay $0x1  }
0x115: {  	(v2sf) =	vpush v0, $0x5;
	_ =	sdelay $0x1  }
0x116: {  	(v2sf) =	vpush v0, $0x6;
	_ =	sdelay $0x1  }
0x117: {  	(v2sf) =	vpush v0, $0x7;
	_ =	sdelay $0x1  }
0x118: {  	s6 =	spop (v2sf);
	(v2sf) =	vpush v0, $0x8  }
0x119: {  	s7 =	spop (v2sf)  }
0x11a: {  	(v2sf) =	vpush v0, $0x9;
	p1 =	slt.s32 s6, s7  }
0x11b: {  	s7 =	smov.u32 @p1 s6;
	s6 =	spop (v2sf)  }
0x11c: {  	(v2sf) =	vpush v0, $0xA;
	p1 =	slt.s32 s7, s6  }
0x11d: {  	s6 =	smov.u32 @p1 s7;
	s7 =	spop (v2sf)  }
0x11e: {  	(v2sf) =	vpush v0, $0xB;
	p1 =	slt.s32 s6, s7  }
0x11f: {  	s7 =	smov.u32 @p1 s6;
	s6 =	spop (v2sf)  }
0x120: {  	(v2sf) =	vpush v0, $0xC;
	p1 =	slt.s32 s7, s6  }
0x121: {  	s6 =	smov.u32 @p1 s7;
	s7 =	spop (v2sf)  }
0x122: {  	(v2sf) =	vpush v0, $0xD;
	p1 =	slt.s32 s6, s7  }
0x123: {  	s7 =	smov.u32 @p1 s6;
	s6 =	spop (v2sf)  }
0x124: {  	(v2sf) =	vpush v0, $0xE;
	p1 =	slt.s32 s7, s6  }
0x125: {  	s6 =	smov.u32 @p1 s7;
	s7 =	spop (v2sf)  }
0x126: {  	(v2sf) =	vpush v0, $0xF;
	p1 =	slt.s32 s6, s7  }
0x127: {  	s7 =	smov.u32 @p1 s6;
	s6 =	spop (v2sf)  }
0x128: {  	p1 =	slt.s32 s7, s6  }
0x129: {  	s6 =	smov.u32 @p1 s7;
	s7 =	spop (v2sf)  }
0x12a: {  	p1 =	slt.s32 s6, s7  }
0x12b: {  	s7 =	smov.u32 @p1 s6;
	s6 =	spop (v2sf)  }
0x12c: {  	p1 =	slt.s32 s7, s6  }
0x12d: {  	s6 =	smov.u32 @p1 s7;
	s7 =	spop (v2sf)  }
0x12e: {  	p1 =	slt.s32 s6, s7  }
0x12f: {  	s7 =	smov.u32 @p1 s6;
	s6 =	spop (v2sf)  }
0x130: {  	p1 =	slt.s32 s7, s6  }
0x131: {  	s6 =	smov.u32 @p1 s7;
	s7 =	spop (v2sf)  }
0x132: {  	p1 =	slt.s32 s6, s7  }
0x133: {  	s7 =	smov.u32 @p1 s6;
	s6 =	spop (v2sf)  }
0x134: {  	p1 =	slt.s32 s7, s6  }
0x135: {  	s6 =	smov.u32 @p1 s7;
	s7 =	spop (v2sf)  }
0x136: {  	p1 =	slt.s32 s6, s7  }
0x137: {  	s7 =	smov.u32 @p1 s6  }
0x138: {  	p1 =	sne.s32 s7, $0x0  }
.Ltmp6:
0x139: {  	_ = 	snop;
	(pc) =	sbr.rel @p1 .LBB2_14-.Ltmp6, $1  }
0x13a: {  	_ =	sdelay $0x3  }
0x13b: {  	s6 =	simm.s32 $0x0  }
0x13c: {  	s7 =	sand.u32 $0x78, s6  }
0x13d: {  	s6 =	sand.u32 $0x7, s6;
	s7 =	sadd.s32 s7, s0  }
0x13e: {  	s6 =	sadd.s32 s6, s7  }
0x13f: {  	v0 =	vld [tilespmem:s6+$0x0];
	_ =	sdelay $0x4  }
0x140: {  	(v2sf) =	vpush v0, $0x0;
	_ =	sdelay $0xe  }
0x141: {  	s30 =	spop (v2sf)  }
0x142: {  	p2 =	sne.s32 s30, $0x0  }
0x143: {  	s6 =	simm.s32 $0xA400;
	v0 =	vimm.f32 @!p2 $0.0e+00  }
0x144: {  	s7 =	simm.s32 $0x1;
	[tilespmem:s6+$0x0] =	vst @!p2 v0  }
.LBB2_12:
0x145: {  	s10 =	sand.u32 $0x78, s7;
	[tilespmem:s6+$0x10] =	vst @!p2 v0;
	s14 =	smov.u32 s7;
	s7 =	sadd.s32 $0x1, s7  }
0x146: {  	s14 =	sand.u32 $0x7, s14;
	s10 =	sadd.s32 s10, s0;
	p1 =	sne.s32 s7, $0x80;
	[tilespmem:s6+$0x20] =	vst @!p2 v0  }
0x147: {  	s10 =	sadd.s32 s14, s10;
	[tilespmem:s6+$0x30] =	vst @!p2 v0  }
0x148: {  	v0 =	vld [tilespmem:s10+$0x0];
	_ =	sdelay $0x4  }
0x149: {  	(v2sf) =	vpush v0, $0x0;
	_ =	sdelay $0xd  }
.Ltmp7:
0x14a: {  	(pc) =	sbr.rel @p1 .LBB2_12-.Ltmp7, $4  }
0x14b: {  	s10 =	spop (v2sf)  }
0x14c: {  	p2 =	sne.s32 s10, $0x0  }
0x14d: {  	s6 =	sadd.s32 $0x40, s6;
	v0 =	vimm.f32 @!p2 $0.0e+00  }
0x14e: {  	[tilespmem:s6+$0x0] =	vst @!p2 v0  }
0x14f: {  	[tilespmem:s6+$0x10] =	vst @!p2 v0  }
0x150: {  	[tilespmem:s6+$0x20] =	vst @!p2 v0  }
0x151: {  	[tilespmem:s6+$0x30] =	vst @!p2 v0  }
.LBB2_14:
0x152: {  	s0 =	sadd.s32 s5, s0  }
0x153: {  	s0 =	sshll.u32 s0, $0x3  }
0x154: {  	s0 =	sand.u32 $0xFFFE800, s0  }
0x155: {  	s6 =	simm.s32 $0xA400;
	s0 =	sadd.s32 s2, s0  }
0x156: {  	[hbm4b:s0+s3] =	stream.linear.scatter [tilespmem:s6], [sflag:$0xB], $0x2000, $0x38;
	[tilespmem:$0x16400] =	vst v63  }
0x157: {  	s0 =	simm.s32 @!p0 $0xF  }
0x158: {  	_ =	swait.ge @!p0 [sflag:s0], $0x2000  }
0x159: {  	[sflag:s0] =	ssyncset.done @!p0 $0x0  }
0x15a: {  	[sflag:s0] =	ssyncadd.s32 @!p0 $0xFFFFE000;
	s0 =	sor.u32 $0x300, s29  }
0x15b: {  	[tilespmem:s21], [sflag:$0x7] =	stream.indirect.gather [hbm4b:s4+s9], $0x40, s0, s9, $0xb8;
	[tilespmem:$0x16400] =	vst v63  }
0x15c: {  	_ =	swait.ge [sflag:s22], $0x2000  }
0x15d: {  	[sflag:s22] =	ssyncset.done $0x0  }
0x15e: {  	s6 =	sor.u32 $0x180, s29;
	[sflag:s22] =	ssyncadd.s32 $0xFFFFE000  }
0x15f: {  	v0 =	vld [tilespmem:s6+$0x0]  }
0x160: {  	v1 =	vld [tilespmem:s29+$0x190];
	_ =	sdelay $0x1  }
0x161: {  	v2 =	vld [tilespmem:s29+$0x1A0];
	_ =	sdelay $0x1  }
0x162: {  	v3 =	vld [tilespmem:s29+$0x1B0]  }
0x163: {  	vm0 =	vlt.s32 v0, v1  }
0x164: {  	v60 =	vld [tilespmem:s29+$0x1C0];
	v0 =	vsel vm0, v0, v1  }
0x165: {  	vm0 =	vlt.s32 v0, v2  }
0x166: {  	v61 =	vld [tilespmem:s29+$0x1D0];
	v0 =	vsel vm0, v0, v2  }
0x167: {  	vm0 =	vlt.s32 v0, v3  }
0x168: {  	v62 =	vld [tilespmem:s29+$0x1E0];
	v0 =	vsel vm0, v0, v3  }
0x169: {  	vm0 =	vlt.s32 v0, v60  }
0x16a: {  	v63 =	vld [tilespmem:s29+$0x1F0];
	v0 =	vsel vm0, v0, v60  }
0x16b: {  	vm0 =	vlt.s32 v0, v61  }
0x16c: {  	v0 =	vsel vm0, v0, v61  }
0x16d: {  	vm0 =	vlt.s32 v0, v62  }
0x16e: {  	v0 =	vsel vm0, v0, v62  }
0x16f: {  	vm0 =	vlt.s32 v0, v63  }
0x170: {  	v0 =	vsel vm0, v0, v63  }
0x171: {  	(v2sf) =	vpush v0, $0x0  }
0x172: {  	(v2sf) =	vpush v0, $0x1;
	_ =	sdelay $0x1  }
0x173: {  	(v2sf) =	vpush v0, $0x2;
	_ =	sdelay $0x1  }
0x174: {  	(v2sf) =	vpush v0, $0x3;
	_ =	sdelay $0x1  }
0x175: {  	(v2sf) =	vpush v0, $0x4;
	_ =	sdelay $0x1  }
0x176: {  	(v2sf) =	vpush v0, $0x5;
	_ =	sdelay $0x1  }
0x177: {  	(v2sf) =	vpush v0, $0x6;
	_ =	sdelay $0x1  }
0x178: {  	(v2sf) =	vpush v0, $0x7;
	_ =	sdelay $0x1  }
0x179: {  	s7 =	spop (v2sf);
	(v2sf) =	vpush v0, $0x8  }
0x17a: {  	s10 =	spop (v2sf)  }
0x17b: {  	(v2sf) =	vpush v0, $0x9;
	p1 =	slt.s32 s7, s10  }
0x17c: {  	s10 =	smov.u32 @p1 s7;
	s7 =	spop (v2sf)  }
0x17d: {  	(v2sf) =	vpush v0, $0xA;
	p1 =	slt.s32 s10, s7  }
0x17e: {  	s7 =	smov.u32 @p1 s10;
	s10 =	spop (v2sf)  }
0x17f: {  	(v2sf) =	vpush v0, $0xB;
	p1 =	slt.s32 s7, s10  }
0x180: {  	s10 =	smov.u32 @p1 s7;
	s7 =	spop (v2sf)  }
0x181: {  	(v2sf) =	vpush v0, $0xC;
	p1 =	slt.s32 s10, s7  }
0x182: {  	s7 =	smov.u32 @p1 s10;
	s10 =	spop (v2sf)  }
0x183: {  	(v2sf) =	vpush v0, $0xD;
	p1 =	slt.s32 s7, s10  }
0x184: {  	s10 =	smov.u32 @p1 s7;
	s7 =	spop (v2sf)  }
0x185: {  	(v2sf) =	vpush v0, $0xE;
	p1 =	slt.s32 s10, s7  }
0x186: {  	s7 =	smov.u32 @p1 s10;
	s10 =	spop (v2sf)  }
0x187: {  	(v2sf) =	vpush v0, $0xF;
	p1 =	slt.s32 s7, s10  }
0x188: {  	s10 =	smov.u32 @p1 s7;
	s7 =	spop (v2sf)  }
0x189: {  	p1 =	slt.s32 s10, s7  }
0x18a: {  	s7 =	smov.u32 @p1 s10;
	s10 =	spop (v2sf)  }
0x18b: {  	p1 =	slt.s32 s7, s10  }
0x18c: {  	s10 =	smov.u32 @p1 s7;
	s7 =	spop (v2sf)  }
0x18d: {  	p1 =	slt.s32 s10, s7  }
0x18e: {  	s7 =	smov.u32 @p1 s10;
	s10 =	spop (v2sf)  }
0x18f: {  	p1 =	slt.s32 s7, s10  }
0x190: {  	s10 =	smov.u32 @p1 s7;
	s7 =	spop (v2sf)  }
0x191: {  	p1 =	slt.s32 s10, s7  }
0x192: {  	s7 =	smov.u32 @p1 s10;
	s10 =	spop (v2sf)  }
0x193: {  	p1 =	slt.s32 s7, s10  }
0x194: {  	s10 =	smov.u32 @p1 s7;
	s7 =	spop (v2sf)  }
0x195: {  	p1 =	slt.s32 s10, s7  }
0x196: {  	s7 =	smov.u32 @p1 s10;
	s10 =	spop (v2sf)  }
0x197: {  	p1 =	slt.s32 s7, s10  }
0x198: {  	s10 =	smov.u32 @p1 s7  }
0x199: {  	p1 =	sne.s32 s10, $0x0  }
.Ltmp8:
0x19a: {  	_ = 	snop;
	(pc) =	sbr.rel @p1 .LBB2_18-.Ltmp8, $1  }
0x19b: {  	_ =	sdelay $0x3  }
0x19c: {  	s7 =	simm.s32 $0x0  }
0x19d: {  	s10 =	sand.u32 $0x78, s7  }
0x19e: {  	s7 =	sand.u32 $0x7, s7;
	s10 =	sadd.s32 s10, s6  }
0x19f: {  	s7 =	sadd.s32 s7, s10  }
0x1a0: {  	v0 =	vld [tilespmem:s7+$0x0];
	_ =	sdelay $0x4  }
0x1a1: {  	(v2sf) =	vpush v0, $0x0;
	_ =	sdelay $0xe  }
0x1a2: {  	s30 =	spop (v2sf)  }
0x1a3: {  	p2 =	sne.s32 s30, $0x0  }
0x1a4: {  	s14 =	simm.s32 $0xC400;
	v0 =	vimm.f32 @!p2 $0.0e+00  }
0x1a5: {  	s7 =	simm.s32 $0x1;
	[tilespmem:s14+$0x0] =	vst @!p2 v0  }
.LBB2_16:
0x1a6: {  	s10 =	sand.u32 $0x78, s7;
	[tilespmem:s14+$0x10] =	vst @!p2 v0;
	s30 =	smov.u32 s7;
	s7 =	sadd.s32 $0x1, s7  }
0x1a7: {  	s30 =	sand.u32 $0x7, s30;
	s10 =	sadd.s32 s10, s6;
	p1 =	sne.s32 s7, $0x80;
	[tilespmem:s14+$0x20] =	vst @!p2 v0  }
0x1a8: {  	s10 =	sadd.s32 s30, s10;
	[tilespmem:s14+$0x30] =	vst @!p2 v0  }
0x1a9: {  	v0 =	vld [tilespmem:s10+$0x0];
	_ =	sdelay $0x4  }
0x1aa: {  	(v2sf) =	vpush v0, $0x0;
	_ =	sdelay $0xd  }
.Ltmp9:
0x1ab: {  	(pc) =	sbr.rel @p1 .LBB2_16-.Ltmp9, $4  }
0x1ac: {  	s10 =	spop (v2sf)  }
0x1ad: {  	p2 =	sne.s32 s10, $0x0  }
0x1ae: {  	s14 =	sadd.s32 $0x40, s14;
	v0 =	vimm.f32 @!p2 $0.0e+00  }
0x1af: {  	[tilespmem:s14+$0x0] =	vst @!p2 v0  }
0x1b0: {  	[tilespmem:s14+$0x10] =	vst @!p2 v0  }
0x1b1: {  	[tilespmem:s14+$0x20] =	vst @!p2 v0  }
0x1b2: {  	[tilespmem:s14+$0x30] =	vst @!p2 v0  }
.LBB2_18:
0x1b3: {  	s6 =	sadd.s32 s5, s6  }
0x1b4: {  	s6 =	sshll.u32 s6, $0x3  }
0x1b5: {  	s6 =	sand.u32 $0xFFFEC00, s6  }
0x1b6: {  	s6 =	sadd.s32 s2, s6  }
0x1b7: {  	[hbm4b:s6+s3] =	stream.linear.scatter [tilespmem:s15], [sflag:$0xC], $0x2000, $0x38;
	[tilespmem:$0x16400] =	vst v63  }
0x1b8: {  	s6 =	simm.s32 @!p0 $0x10  }
0x1b9: {  	_ =	swait.ge @!p0 [sflag:s6], $0x2000  }
0x1ba: {  	[sflag:s6] =	ssyncset.done @!p0 $0x0  }
0x1bb: {  	s30 =	sor.u32 $0x380, s29;
	[sflag:s6] =	ssyncadd.s32 @!p0 $0xFFFFE000  }
0x1bc: {  	[tilespmem:s23], [sflag:$0x8] =	stream.indirect.gather [hbm4b:s4+s9], $0x40, s30, s9, $0xb8;
	[tilespmem:$0x16400] =	vst v63  }
0x1bd: {  	_ =	swait.ge [sflag:s24], $0x2000  }
0x1be: {  	[sflag:s24] =	ssyncset.done $0x0  }
0x1bf: {  	[sflag:s24] =	ssyncadd.s32 $0xFFFFE000  }
0x1c0: {  	v0 =	vld [tilespmem:s12+$0x0]  }
0x1c1: {  	v1 =	vld [tilespmem:s12+$0x10];
	_ =	sdelay $0x1  }
0x1c2: {  	v2 =	vld [tilespmem:s12+$0x20];
	_ =	sdelay $0x1  }
0x1c3: {  	v3 =	vld [tilespmem:s12+$0x30]  }
0x1c4: {  	vm0 =	vlt.s32 v0, v1  }
0x1c5: {  	v60 =	vld [tilespmem:s12+$0x40];
	v0 =	vsel vm0, v0, v1  }
0x1c6: {  	vm0 =	vlt.s32 v0, v2  }
0x1c7: {  	v61 =	vld [tilespmem:s12+$0x50];
	v0 =	vsel vm0, v0, v2  }
0x1c8: {  	vm0 =	vlt.s32 v0, v3  }
0x1c9: {  	v62 =	vld [tilespmem:s12+$0x60];
	v0 =	vsel vm0, v0, v3  }
0x1ca: {  	vm0 =	vlt.s32 v0, v60  }
0x1cb: {  	v63 =	vld [tilespmem:s12+$0x70];
	v0 =	vsel vm0, v0, v60  }
0x1cc: {  	vm0 =	vlt.s32 v0, v61  }
0x1cd: {  	v0 =	vsel vm0, v0, v61  }
0x1ce: {  	vm0 =	vlt.s32 v0, v62  }
0x1cf: {  	v0 =	vsel vm0, v0, v62  }
0x1d0: {  	vm0 =	vlt.s32 v0, v63  }
0x1d1: {  	v0 =	vsel vm0, v0, v63  }
0x1d2: {  	(v2sf) =	vpush v0, $0x0  }
0x1d3: {  	(v2sf) =	vpush v0, $0x1;
	_ =	sdelay $0x1  }
0x1d4: {  	(v2sf) =	vpush v0, $0x2;
	_ =	sdelay $0x1  }
0x1d5: {  	(v2sf) =	vpush v0, $0x3;
	_ =	sdelay $0x1  }
0x1d6: {  	(v2sf) =	vpush v0, $0x4;
	_ =	sdelay $0x1  }
0x1d7: {  	(v2sf) =	vpush v0, $0x5;
	_ =	sdelay $0x1  }
0x1d8: {  	(v2sf) =	vpush v0, $0x6;
	_ =	sdelay $0x1  }
0x1d9: {  	(v2sf) =	vpush v0, $0x7;
	_ =	sdelay $0x1  }
0x1da: {  	s6 =	spop (v2sf);
	(v2sf) =	vpush v0, $0x8  }
0x1db: {  	s7 =	spop (v2sf)  }
0x1dc: {  	(v2sf) =	vpush v0, $0x9;
	p0 =	slt.s32 s6, s7  }
0x1dd: {  	s7 =	smov.u32 @p0 s6;
	s6 =	spop (v2sf)  }
0x1de: {  	(v2sf) =	vpush v0, $0xA;
	p0 =	slt.s32 s7, s6  }
0x1df: {  	s6 =	smov.u32 @p0 s7;
	s7 =	spop (v2sf)  }
0x1e0: {  	(v2sf) =	vpush v0, $0xB;
	p0 =	slt.s32 s6, s7  }
0x1e1: {  	s7 =	smov.u32 @p0 s6;
	s6 =	spop (v2sf)  }
0x1e2: {  	(v2sf) =	vpush v0, $0xC;
	p0 =	slt.s32 s7, s6  }
0x1e3: {  	s6 =	smov.u32 @p0 s7;
	s7 =	spop (v2sf)  }
0x1e4: {  	(v2sf) =	vpush v0, $0xD;
	p0 =	slt.s32 s6, s7  }
0x1e5: {  	s7 =	smov.u32 @p0 s6;
	s6 =	spop (v2sf)  }
0x1e6: {  	(v2sf) =	vpush v0, $0xE;
	p0 =	slt.s32 s7, s6  }
0x1e7: {  	s6 =	smov.u32 @p0 s7;
	s7 =	spop (v2sf)  }
0x1e8: {  	(v2sf) =	vpush v0, $0xF;
	p0 =	slt.s32 s6, s7  }
0x1e9: {  	s7 =	smov.u32 @p0 s6;
	s6 =	spop (v2sf)  }
0x1ea: {  	p0 =	slt.s32 s7, s6  }
0x1eb: {  	s6 =	smov.u32 @p0 s7;
	s7 =	spop (v2sf)  }
0x1ec: {  	p0 =	slt.s32 s6, s7  }
0x1ed: {  	s7 =	smov.u32 @p0 s6;
	s6 =	spop (v2sf)  }
0x1ee: {  	p0 =	slt.s32 s7, s6  }
0x1ef: {  	s6 =	smov.u32 @p0 s7;
	s7 =	spop (v2sf)  }
0x1f0: {  	p0 =	slt.s32 s6, s7  }
0x1f1: {  	s7 =	smov.u32 @p0 s6;
	s6 =	spop (v2sf)  }
0x1f2: {  	p0 =	slt.s32 s7, s6  }
0x1f3: {  	s6 =	smov.u32 @p0 s7;
	s7 =	spop (v2sf)  }
0x1f4: {  	p0 =	slt.s32 s6, s7  }
0x1f5: {  	s7 =	smov.u32 @p0 s6;
	s6 =	spop (v2sf)  }
0x1f6: {  	p0 =	slt.s32 s7, s6  }
0x1f7: {  	s6 =	smov.u32 @p0 s7;
	s7 =	spop (v2sf)  }
0x1f8: {  	p0 =	slt.s32 s6, s7  }
0x1f9: {  	s7 =	smov.u32 @p0 s6  }
0x1fa: {  	p0 =	sne.s32 s7, $0x0  }
.Ltmp10:
0x1fb: {  	_ = 	snop;
	(pc) =	sbr.rel @p0 .LBB2_22-.Ltmp10, $1  }
0x1fc: {  	_ =	sdelay $0x3  }
0x1fd: {  	s6 =	simm.s32 $0x0  }
0x1fe: {  	s7 =	sand.u32 $0x78, s6  }
0x1ff: {  	s6 =	sand.u32 $0x7, s6;
	s7 =	sadd.s32 s7, s12  }
0x200: {  	s6 =	sadd.s32 s6, s7  }
0x201: {  	v0 =	vld [tilespmem:s6+$0x0];
	_ =	sdelay $0x4  }
0x202: {  	(v2sf) =	vpush v0, $0x0;
	_ =	sdelay $0xe  }
0x203: {  	s14 =	spop (v2sf)  }
0x204: {  	p1 =	sne.s32 s14, $0x0  }
0x205: {  	s6 =	simm.s32 $0xE400;
	v0 =	vimm.f32 @!p1 $0.0e+00  }
0x206: {  	s7 =	simm.s32 $0x1;
	[tilespmem:s6+$0x0] =	vst @!p1 v0  }
.LBB2_20:
0x207: {  	s10 =	sand.u32 $0x78, s7;
	[tilespmem:s6+$0x10] =	vst @!p1 v0;
	s14 =	smov.u32 s7;
	s7 =	sadd.s32 $0x1, s7  }
0x208: {  	s14 =	sand.u32 $0x7, s14;
	s10 =	sadd.s32 s10, s12;
	p0 =	sne.s32 s7, $0x80;
	[tilespmem:s6+$0x20] =	vst @!p1 v0  }
0x209: {  	s10 =	sadd.s32 s14, s10;
	[tilespmem:s6+$0x30] =	vst @!p1 v0  }
0x20a: {  	v0 =	vld [tilespmem:s10+$0x0];
	_ =	sdelay $0x4  }
0x20b: {  	(v2sf) =	vpush v0, $0x0;
	_ =	sdelay $0xd  }
.Ltmp11:
0x20c: {  	(pc) =	sbr.rel @p0 .LBB2_20-.Ltmp11, $4  }
0x20d: {  	s10 =	spop (v2sf)  }
0x20e: {  	p1 =	sne.s32 s10, $0x0  }
0x20f: {  	s6 =	sadd.s32 $0x40, s6;
	v0 =	vimm.f32 @!p1 $0.0e+00  }
0x210: {  	[tilespmem:s6+$0x0] =	vst @!p1 v0  }
0x211: {  	[tilespmem:s6+$0x10] =	vst @!p1 v0  }
0x212: {  	[tilespmem:s6+$0x20] =	vst @!p1 v0  }
0x213: {  	[tilespmem:s6+$0x30] =	vst @!p1 v0  }
.LBB2_22:
0x214: {  	s6 =	sadd.s32 s5, s12  }
0x215: {  	s6 =	sshll.u32 s6, $0x3  }
0x216: {  	s6 =	sand.u32 $0xFFFF000, s6  }
0x217: {  	p0 =	seq.s32 s8, $0x18;
	s6 =	sadd.s32 s2, s6  }
0x218: {  	[hbm4b:s6+s3] =	stream.linear.scatter [tilespmem:s17], [sflag:$0xD], $0x2000, $0x38;
	[tilespmem:$0x16400] =	vst v63  }
0x219: {  	s6 =	simm.s32 @!p0 $0x9  }
0x21a: {  	s12 =	sshll.u32 s8, $0xC;
	_ =	swait.ge @!p0 [sflag:s6], $0x2000  }
0x21b: {  	s14 =	sshrl.u32 @!p0 s12, $0x2;
	s10 =	simm.s32 @!p0 $0x6400;
	[sflag:s6] =	ssyncset.done @!p0 $0x0  }
0x21c: {  	s7 =	sadd.s32 @!p0 $0x400, s14;
	[sflag:s6] =	ssyncadd.s32 @!p0 $0xFFFFE000;
	s6 =	simm.s32 @!p0 $0x80  }
0x21d: {  	[tilespmem:s10], [sflag:$0x1] =	stream.indirect.gather @!p0 [hbm4b:s4+s6], $0x40, s7, s6, $0xb8;
	[tilespmem:$0x16400] =	vst v63  }
0x21e: {  	_ =	swait.ge [sflag:s25], $0x2000  }
0x21f: {  	[sflag:s25] =	ssyncset.done $0x0  }
0x220: {  	[sflag:s25] =	ssyncadd.s32 $0xFFFFE000  }
0x221: {  	v0 =	vld [tilespmem:s31+$0x0]  }
0x222: {  	v1 =	vld [tilespmem:s31+$0x10];
	_ =	sdelay $0x1  }
0x223: {  	v2 =	vld [tilespmem:s31+$0x20];
	_ =	sdelay $0x1  }
0x224: {  	v3 =	vld [tilespmem:s31+$0x30]  }
0x225: {  	vm0 =	vlt.s32 v0, v1  }
0x226: {  	v60 =	vld [tilespmem:s31+$0x40];
	v0 =	vsel vm0, v0, v1  }
0x227: {  	vm0 =	vlt.s32 v0, v2  }
0x228: {  	v61 =	vld [tilespmem:s31+$0x50];
	v0 =	vsel vm0, v0, v2  }
0x229: {  	vm0 =	vlt.s32 v0, v3  }
0x22a: {  	v62 =	vld [tilespmem:s31+$0x60];
	v0 =	vsel vm0, v0, v3  }
0x22b: {  	vm0 =	vlt.s32 v0, v60  }
0x22c: {  	v63 =	vld [tilespmem:s31+$0x70];
	v0 =	vsel vm0, v0, v60  }
0x22d: {  	vm0 =	vlt.s32 v0, v61  }
0x22e: {  	v0 =	vsel vm0, v0, v61  }
0x22f: {  	vm0 =	vlt.s32 v0, v62  }
0x230: {  	v0 =	vsel vm0, v0, v62  }
0x231: {  	vm0 =	vlt.s32 v0, v63  }
0x232: {  	v0 =	vsel vm0, v0, v63  }
0x233: {  	(v2sf) =	vpush v0, $0x0  }
0x234: {  	(v2sf) =	vpush v0, $0x1;
	_ =	sdelay $0x1  }
0x235: {  	(v2sf) =	vpush v0, $0x2;
	_ =	sdelay $0x1  }
0x236: {  	(v2sf) =	vpush v0, $0x3;
	_ =	sdelay $0x1  }
0x237: {  	(v2sf) =	vpush v0, $0x4;
	_ =	sdelay $0x1  }
0x238: {  	(v2sf) =	vpush v0, $0x5;
	_ =	sdelay $0x1  }
0x239: {  	(v2sf) =	vpush v0, $0x6;
	_ =	sdelay $0x1  }
0x23a: {  	(v2sf) =	vpush v0, $0x7;
	_ =	sdelay $0x1  }
0x23b: {  	s7 =	spop (v2sf);
	(v2sf) =	vpush v0, $0x8  }
0x23c: {  	s10 =	spop (v2sf)  }
0x23d: {  	(v2sf) =	vpush v0, $0x9;
	p1 =	slt.s32 s7, s10  }
0x23e: {  	s10 =	smov.u32 @p1 s7;
	s7 =	spop (v2sf)  }
0x23f: {  	(v2sf) =	vpush v0, $0xA;
	p1 =	slt.s32 s10, s7  }
0x240: {  	s7 =	smov.u32 @p1 s10;
	s10 =	spop (v2sf)  }
0x241: {  	(v2sf) =	vpush v0, $0xB;
	p1 =	slt.s32 s7, s10  }
0x242: {  	s10 =	smov.u32 @p1 s7;
	s7 =	spop (v2sf)  }
0x243: {  	(v2sf) =	vpush v0, $0xC;
	p1 =	slt.s32 s10, s7  }
0x244: {  	s7 =	smov.u32 @p1 s10;
	s10 =	spop (v2sf)  }
0x245: {  	(v2sf) =	vpush v0, $0xD;
	p1 =	slt.s32 s7, s10  }
0x246: {  	s10 =	smov.u32 @p1 s7;
	s7 =	spop (v2sf)  }
0x247: {  	(v2sf) =	vpush v0, $0xE;
	p1 =	slt.s32 s10, s7  }
0x248: {  	s7 =	smov.u32 @p1 s10;
	s10 =	spop (v2sf)  }
0x249: {  	(v2sf) =	vpush v0, $0xF;
	p1 =	slt.s32 s7, s10  }
0x24a: {  	s10 =	smov.u32 @p1 s7;
	s7 =	spop (v2sf)  }
0x24b: {  	p1 =	slt.s32 s10, s7  }
0x24c: {  	s7 =	smov.u32 @p1 s10;
	s10 =	spop (v2sf)  }
0x24d: {  	p1 =	slt.s32 s7, s10  }
0x24e: {  	s10 =	smov.u32 @p1 s7;
	s7 =	spop (v2sf)  }
0x24f: {  	p1 =	slt.s32 s10, s7  }
0x250: {  	s7 =	smov.u32 @p1 s10;
	s10 =	spop (v2sf)  }
0x251: {  	p1 =	slt.s32 s7, s10  }
0x252: {  	s10 =	smov.u32 @p1 s7;
	s7 =	spop (v2sf)  }
0x253: {  	p1 =	slt.s32 s10, s7  }
0x254: {  	s7 =	smov.u32 @p1 s10;
	s10 =	spop (v2sf)  }
0x255: {  	p1 =	slt.s32 s7, s10  }
0x256: {  	s10 =	smov.u32 @p1 s7;
	s7 =	spop (v2sf)  }
0x257: {  	p1 =	slt.s32 s10, s7  }
0x258: {  	s7 =	smov.u32 @p1 s10;
	s10 =	spop (v2sf)  }
0x259: {  	p1 =	slt.s32 s7, s10  }
0x25a: {  	s10 =	smov.u32 @p1 s7  }
0x25b: {  	p1 =	sne.s32 s10, $0x0  }
.Ltmp12:
0x25c: {  	_ = 	snop;
	(pc) =	sbr.rel @p1 .LBB2_26-.Ltmp12, $1  }
0x25d: {  	_ =	sdelay $0x3  }
0x25e: {  	s7 =	simm.s32 $0x0  }
0x25f: {  	s10 =	sand.u32 $0x78, s7  }
0x260: {  	s7 =	sand.u32 $0x7, s7;
	s10 =	sadd.s32 s10, s31  }
0x261: {  	s7 =	sadd.s32 s7, s10  }
0x262: {  	v0 =	vld [tilespmem:s7+$0x0];
	_ =	sdelay $0x4  }
0x263: {  	(v2sf) =	vpush v0, $0x0;
	_ =	sdelay $0xe  }
0x264: {  	s13 =	spop (v2sf)  }
0x265: {  	p2 =	sne.s32 s13, $0x0  }
0x266: {  	s7 =	simm.s32 $0x10400;
	v0 =	vimm.f32 @!p2 $0.0e+00  }
0x267: {  	s10 =	simm.s32 $0x1;
	[tilespmem:s7+$0x0] =	vst @!p2 v0  }
.LBB2_24:
0x268: {  	s11 =	sand.u32 $0x78, s10;
	[tilespmem:s7+$0x10] =	vst @!p2 v0;
	s13 =	smov.u32 s10;
	s10 =	sadd.s32 $0x1, s10  }
0x269: {  	s13 =	sand.u32 $0x7, s13;
	s11 =	sadd.s32 s11, s31;
	p1 =	sne.s32 s10, $0x80;
	[tilespmem:s7+$0x20] =	vst @!p2 v0  }
0x26a: {  	s11 =	sadd.s32 s13, s11;
	[tilespmem:s7+$0x30] =	vst @!p2 v0  }
0x26b: {  	v0 =	vld [tilespmem:s11+$0x0];
	_ =	sdelay $0x4  }
0x26c: {  	(v2sf) =	vpush v0, $0x0;
	_ =	sdelay $0xd  }
.Ltmp13:
0x26d: {  	(pc) =	sbr.rel @p1 .LBB2_24-.Ltmp13, $4  }
0x26e: {  	s11 =	spop (v2sf)  }
0x26f: {  	p2 =	sne.s32 s11, $0x0  }
0x270: {  	s7 =	sadd.s32 $0x40, s7;
	v0 =	vimm.f32 @!p2 $0.0e+00  }
0x271: {  	[tilespmem:s7+$0x0] =	vst @!p2 v0  }
0x272: {  	[tilespmem:s7+$0x10] =	vst @!p2 v0  }
0x273: {  	[tilespmem:s7+$0x20] =	vst @!p2 v0  }
0x274: {  	[tilespmem:s7+$0x30] =	vst @!p2 v0;
	s13 =	simm.s32 $0x6400  }
.LBB2_26:
0x275: {  	s7 =	sadd.s32 s5, s31  }
0x276: {  	s7 =	sshll.u32 s7, $0x3  }
0x277: {  	s7 =	sand.u32 $0xFFFF400, s7  }
0x278: {  	s7 =	sadd.s32 s2, s7  }
0x279: {  	[hbm4b:s7+s3] =	stream.linear.scatter [tilespmem:s19], [sflag:$0xE], $0x2000, $0x38;
	[tilespmem:$0x16400] =	vst v63  }
0x27a: {  	s7 =	simm.s32 @!p0 $0xA  }
0x27b: {  	_ =	swait.ge @!p0 [sflag:s7], $0x2000  }
0x27c: {  	[sflag:s7] =	ssyncset.done @!p0 $0x0  }
0x27d: {  	s10 =	simm.s32 @!p0 $0x8400;
	[sflag:s7] =	ssyncadd.s32 @!p0 $0xFFFFE000;
	s7 =	sadd.s32 @!p0 $0x480, s14  }
0x27e: {  	[tilespmem:s10], [sflag:$0x2] =	stream.indirect.gather @!p0 [hbm4b:s4+s6], $0x40, s7, s6, $0xb8;
	[tilespmem:$0x16400] =	vst v63  }
0x27f: {  	_ =	swait.ge [sflag:s26], $0x2000  }
0x280: {  	[sflag:s26] =	ssyncset.done $0x0  }
0x281: {  	[sflag:s26] =	ssyncadd.s32 $0xFFFFE000  }
0x282: {  	v0 =	vld [tilespmem:s0+$0x0]  }
0x283: {  	v1 =	vld [tilespmem:s0+$0x10];
	_ =	sdelay $0x1  }
0x284: {  	v2 =	vld [tilespmem:s0+$0x20];
	_ =	sdelay $0x1  }
0x285: {  	v3 =	vld [tilespmem:s0+$0x30]  }
0x286: {  	vm0 =	vlt.s32 v0, v1  }
0x287: {  	v60 =	vld [tilespmem:s0+$0x40];
	v0 =	vsel vm0, v0, v1  }
0x288: {  	vm0 =	vlt.s32 v0, v2  }
0x289: {  	v61 =	vld [tilespmem:s0+$0x50];
	v0 =	vsel vm0, v0, v2  }
0x28a: {  	vm0 =	vlt.s32 v0, v3  }
0x28b: {  	v62 =	vld [tilespmem:s0+$0x60];
	v0 =	vsel vm0, v0, v3  }
0x28c: {  	vm0 =	vlt.s32 v0, v60  }
0x28d: {  	v63 =	vld [tilespmem:s0+$0x70];
	v0 =	vsel vm0, v0, v60  }
0x28e: {  	vm0 =	vlt.s32 v0, v61  }
0x28f: {  	v0 =	vsel vm0, v0, v61  }
0x290: {  	vm0 =	vlt.s32 v0, v62  }
0x291: {  	v0 =	vsel vm0, v0, v62  }
0x292: {  	vm0 =	vlt.s32 v0, v63  }
0x293: {  	v0 =	vsel vm0, v0, v63  }
0x294: {  	(v2sf) =	vpush v0, $0x0  }
0x295: {  	(v2sf) =	vpush v0, $0x1;
	_ =	sdelay $0x1  }
0x296: {  	(v2sf) =	vpush v0, $0x2;
	_ =	sdelay $0x1  }
0x297: {  	(v2sf) =	vpush v0, $0x3;
	_ =	sdelay $0x1  }
0x298: {  	(v2sf) =	vpush v0, $0x4;
	_ =	sdelay $0x1  }
0x299: {  	(v2sf) =	vpush v0, $0x5;
	_ =	sdelay $0x1  }
0x29a: {  	(v2sf) =	vpush v0, $0x6;
	_ =	sdelay $0x1  }
0x29b: {  	(v2sf) =	vpush v0, $0x7;
	_ =	sdelay $0x1  }
0x29c: {  	s6 =	spop (v2sf);
	(v2sf) =	vpush v0, $0x8  }
0x29d: {  	s7 =	spop (v2sf)  }
0x29e: {  	(v2sf) =	vpush v0, $0x9;
	p1 =	slt.s32 s6, s7  }
0x29f: {  	s7 =	smov.u32 @p1 s6;
	s6 =	spop (v2sf)  }
0x2a0: {  	(v2sf) =	vpush v0, $0xA;
	p1 =	slt.s32 s7, s6  }
0x2a1: {  	s6 =	smov.u32 @p1 s7;
	s7 =	spop (v2sf)  }
0x2a2: {  	(v2sf) =	vpush v0, $0xB;
	p1 =	slt.s32 s6, s7  }
0x2a3: {  	s7 =	smov.u32 @p1 s6;
	s6 =	spop (v2sf)  }
0x2a4: {  	(v2sf) =	vpush v0, $0xC;
	p1 =	slt.s32 s7, s6  }
0x2a5: {  	s6 =	smov.u32 @p1 s7;
	s7 =	spop (v2sf)  }
0x2a6: {  	(v2sf) =	vpush v0, $0xD;
	p1 =	slt.s32 s6, s7  }
0x2a7: {  	s7 =	smov.u32 @p1 s6;
	s6 =	spop (v2sf)  }
0x2a8: {  	(v2sf) =	vpush v0, $0xE;
	p1 =	slt.s32 s7, s6  }
0x2a9: {  	s6 =	smov.u32 @p1 s7;
	s7 =	spop (v2sf)  }
0x2aa: {  	(v2sf) =	vpush v0, $0xF;
	p1 =	slt.s32 s6, s7  }
0x2ab: {  	s10 =	spop (v2sf);
	s7 =	smov.u32 @p1 s6  }
0x2ac: {  	p1 =	slt.s32 s7, s10  }
0x2ad: {  	s6 =	spop (v2sf);
	s10 =	smov.u32 @p1 s7  }
0x2ae: {  	p1 =	slt.s32 s10, s6  }
0x2af: {  	s7 =	spop (v2sf);
	s6 =	smov.u32 @p1 s10  }
0x2b0: {  	p1 =	slt.s32 s6, s7  }
0x2b1: {  	s10 =	spop (v2sf);
	s7 =	smov.u32 @p1 s6  }
0x2b2: {  	p1 =	slt.s32 s7, s10  }
0x2b3: {  	s6 =	spop (v2sf);
	s10 =	smov.u32 @p1 s7  }
0x2b4: {  	p1 =	slt.s32 s10, s6  }
0x2b5: {  	s7 =	spop (v2sf);
	s6 =	smov.u32 @p1 s10  }
0x2b6: {  	p1 =	slt.s32 s6, s7  }
0x2b7: {  	s10 =	spop (v2sf);
	s7 =	smov.u32 @p1 s6  }
0x2b8: {  	p1 =	slt.s32 s7, s10  }
0x2b9: {  	s6 =	spop (v2sf);
	s10 =	smov.u32 @p1 s7  }
0x2ba: {  	p1 =	slt.s32 s10, s6  }
0x2bb: {  	s6 =	smov.u32 @p1 s10  }
0x2bc: {  	p1 =	sne.s32 s6, $0x0  }
.Ltmp14:
0x2bd: {  	_ = 	snop;
	(pc) =	sbr.rel @p1 .LBB2_30-.Ltmp14, $1  }
0x2be: {  	_ =	sdelay $0x3  }
0x2bf: {  	s6 =	simm.s32 $0x0  }
0x2c0: {  	s7 =	sand.u32 $0x78, s6  }
0x2c1: {  	s6 =	sand.u32 $0x7, s6;
	s7 =	sadd.s32 s7, s0  }
0x2c2: {  	s6 =	sadd.s32 s6, s7  }
0x2c3: {  	v0 =	vld [tilespmem:s6+$0x0];
	_ =	sdelay $0x4  }
0x2c4: {  	(v2sf) =	vpush v0, $0x0;
	_ =	sdelay $0xe  }
0x2c5: {  	s31 =	spop (v2sf)  }
0x2c6: {  	p2 =	sne.s32 s31, $0x0  }
0x2c7: {  	s6 =	simm.s32 $0x12400;
	v0 =	vimm.f32 @!p2 $0.0e+00  }
0x2c8: {  	s7 =	simm.s32 $0x1;
	[tilespmem:s6+$0x0] =	vst @!p2 v0  }
.LBB2_28:
0x2c9: {  	s10 =	sand.u32 $0x78, s7;
	[tilespmem:s6+$0x10] =	vst @!p2 v0;
	s11 =	smov.u32 s7;
	s7 =	sadd.s32 $0x1, s7  }
0x2ca: {  	s11 =	sand.u32 $0x7, s11;
	s10 =	sadd.s32 s10, s0;
	p1 =	sne.s32 s7, $0x80;
	[tilespmem:s6+$0x20] =	vst @!p2 v0  }
0x2cb: {  	s10 =	sadd.s32 s11, s10;
	[tilespmem:s6+$0x30] =	vst @!p2 v0  }
0x2cc: {  	v0 =	vld [tilespmem:s10+$0x0];
	_ =	sdelay $0x4  }
0x2cd: {  	(v2sf) =	vpush v0, $0x0;
	_ =	sdelay $0xd  }
.Ltmp15:
0x2ce: {  	(pc) =	sbr.rel @p1 .LBB2_28-.Ltmp15, $4  }
0x2cf: {  	s10 =	spop (v2sf)  }
0x2d0: {  	p2 =	sne.s32 s10, $0x0  }
0x2d1: {  	s6 =	sadd.s32 $0x40, s6;
	v0 =	vimm.f32 @!p2 $0.0e+00  }
0x2d2: {  	[tilespmem:s6+$0x0] =	vst @!p2 v0  }
0x2d3: {  	[tilespmem:s6+$0x10] =	vst @!p2 v0  }
0x2d4: {  	[tilespmem:s6+$0x20] =	vst @!p2 v0  }
0x2d5: {  	[tilespmem:s6+$0x30] =	vst @!p2 v0  }
.LBB2_30:
0x2d6: {  	s0 =	sadd.s32 s5, s0  }
0x2d7: {  	s0 =	sshll.u32 s0, $0x3  }
0x2d8: {  	s0 =	sand.u32 $0xFFFF800, s0  }
0x2d9: {  	s0 =	sadd.s32 s2, s0  }
0x2da: {  	[hbm4b:s0+s3] =	stream.linear.scatter [tilespmem:s21], [sflag:$0xF], $0x2000, $0x38;
	[tilespmem:$0x16400] =	vst v63  }
0x2db: {  	s0 =	simm.s32 @!p0 $0xB  }
0x2dc: {  	_ =	swait.ge @!p0 [sflag:s0], $0x2000  }
0x2dd: {  	s6 =	simm.s32 @!p0 $0x80;
	[sflag:s0] =	ssyncset.done @!p0 $0x0  }
0x2de: {  	s7 =	simm.s32 @!p0 $0xA400;
	[sflag:s0] =	ssyncadd.s32 @!p0 $0xFFFFE000;
	s0 =	sadd.s32 @!p0 $0x500, s14  }
0x2df: {  	[tilespmem:s7], [sflag:$0x3] =	stream.indirect.gather @!p0 [hbm4b:s4+s6], $0x40, s0, s6, $0xb8;
	[tilespmem:$0x16400] =	vst v63  }
0x2e0: {  	_ =	swait.ge [sflag:s28], $0x2000  }
0x2e1: {  	[sflag:s28] =	ssyncset.done $0x0  }
0x2e2: {  	[sflag:s28] =	ssyncadd.s32 $0xFFFFE000  }
0x2e3: {  	v0 =	vld [tilespmem:s30+$0x0]  }
0x2e4: {  	v1 =	vld [tilespmem:s29+$0x390];
	_ =	sdelay $0x1  }
0x2e5: {  	v2 =	vld [tilespmem:s29+$0x3A0];
	_ =	sdelay $0x1  }
0x2e6: {  	v3 =	vld [tilespmem:s29+$0x3B0]  }
0x2e7: {  	vm0 =	vlt.s32 v0, v1  }
0x2e8: {  	v60 =	vld [tilespmem:s29+$0x3C0];
	v0 =	vsel vm0, v0, v1  }
0x2e9: {  	vm0 =	vlt.s32 v0, v2  }
0x2ea: {  	v61 =	vld [tilespmem:s29+$0x3D0];
	v0 =	vsel vm0, v0, v2  }
0x2eb: {  	vm0 =	vlt.s32 v0, v3  }
0x2ec: {  	v62 =	vld [tilespmem:s29+$0x3E0];
	v0 =	vsel vm0, v0, v3  }
0x2ed: {  	vm0 =	vlt.s32 v0, v60  }
0x2ee: {  	v63 =	vld [tilespmem:s29+$0x3F0];
	v0 =	vsel vm0, v0, v60  }
0x2ef: {  	vm0 =	vlt.s32 v0, v61  }
0x2f0: {  	v0 =	vsel vm0, v0, v61  }
0x2f1: {  	vm0 =	vlt.s32 v0, v62  }
0x2f2: {  	v0 =	vsel vm0, v0, v62  }
0x2f3: {  	vm0 =	vlt.s32 v0, v63  }
0x2f4: {  	v0 =	vsel vm0, v0, v63  }
0x2f5: {  	(v2sf) =	vpush v0, $0x0  }
0x2f6: {  	(v2sf) =	vpush v0, $0x1;
	_ =	sdelay $0x1  }
0x2f7: {  	(v2sf) =	vpush v0, $0x2;
	_ =	sdelay $0x1  }
0x2f8: {  	(v2sf) =	vpush v0, $0x3;
	_ =	sdelay $0x1  }
0x2f9: {  	(v2sf) =	vpush v0, $0x4;
	_ =	sdelay $0x1  }
0x2fa: {  	(v2sf) =	vpush v0, $0x5;
	_ =	sdelay $0x1  }
0x2fb: {  	(v2sf) =	vpush v0, $0x6;
	_ =	sdelay $0x1  }
0x2fc: {  	(v2sf) =	vpush v0, $0x7;
	_ =	sdelay $0x1  }
0x2fd: {  	s0 =	spop (v2sf);
	(v2sf) =	vpush v0, $0x8  }
0x2fe: {  	s6 =	spop (v2sf)  }
0x2ff: {  	(v2sf) =	vpush v0, $0x9;
	p1 =	slt.s32 s0, s6  }
0x300: {  	s6 =	smov.u32 @p1 s0;
	s0 =	spop (v2sf)  }
0x301: {  	(v2sf) =	vpush v0, $0xA;
	p1 =	slt.s32 s6, s0  }
0x302: {  	s0 =	smov.u32 @p1 s6;
	s6 =	spop (v2sf)  }
0x303: {  	(v2sf) =	vpush v0, $0xB;
	p1 =	slt.s32 s0, s6  }
0x304: {  	s6 =	smov.u32 @p1 s0;
	s0 =	spop (v2sf)  }
0x305: {  	(v2sf) =	vpush v0, $0xC;
	p1 =	slt.s32 s6, s0  }
0x306: {  	s0 =	smov.u32 @p1 s6;
	s6 =	spop (v2sf)  }
0x307: {  	(v2sf) =	vpush v0, $0xD;
	p1 =	slt.s32 s0, s6  }
0x308: {  	s6 =	smov.u32 @p1 s0;
	s0 =	spop (v2sf)  }
0x309: {  	(v2sf) =	vpush v0, $0xE;
	p1 =	slt.s32 s6, s0  }
0x30a: {  	s0 =	smov.u32 @p1 s6;
	s6 =	spop (v2sf)  }
0x30b: {  	(v2sf) =	vpush v0, $0xF;
	p1 =	slt.s32 s0, s6  }
0x30c: {  	s7 =	spop (v2sf);
	s6 =	smov.u32 @p1 s0  }
0x30d: {  	p1 =	slt.s32 s6, s7  }
0x30e: {  	s0 =	spop (v2sf);
	s7 =	smov.u32 @p1 s6  }
0x30f: {  	p1 =	slt.s32 s7, s0  }
0x310: {  	s6 =	spop (v2sf);
	s0 =	smov.u32 @p1 s7  }
0x311: {  	p1 =	slt.s32 s0, s6  }
0x312: {  	s7 =	spop (v2sf);
	s6 =	smov.u32 @p1 s0  }
0x313: {  	p1 =	slt.s32 s6, s7  }
0x314: {  	s0 =	spop (v2sf);
	s7 =	smov.u32 @p1 s6  }
0x315: {  	p1 =	slt.s32 s7, s0  }
0x316: {  	s6 =	spop (v2sf);
	s0 =	smov.u32 @p1 s7  }
0x317: {  	p1 =	slt.s32 s0, s6  }
0x318: {  	s7 =	spop (v2sf);
	s6 =	smov.u32 @p1 s0  }
0x319: {  	p1 =	slt.s32 s6, s7  }
0x31a: {  	s0 =	spop (v2sf);
	s7 =	smov.u32 @p1 s6  }
0x31b: {  	p1 =	slt.s32 s7, s0  }
0x31c: {  	s0 =	smov.u32 @p1 s7  }
0x31d: {  	p1 =	sne.s32 s0, $0x0  }
.Ltmp16:
0x31e: {  	_ = 	snop;
	(pc) =	sbr.rel @p1 .LBB2_34-.Ltmp16, $1  }
0x31f: {  	_ =	sdelay $0x3  }
0x320: {  	s0 =	simm.s32 $0x0  }
0x321: {  	s6 =	sand.u32 $0x78, s0  }
0x322: {  	s0 =	sand.u32 $0x7, s0;
	s6 =	sadd.s32 s6, s30  }
0x323: {  	s0 =	sadd.s32 s0, s6  }
0x324: {  	v0 =	vld [tilespmem:s0+$0x0];
	_ =	sdelay $0x4  }
0x325: {  	(v2sf) =	vpush v0, $0x0;
	_ =	sdelay $0xe  }
0x326: {  	s31 =	spop (v2sf)  }
0x327: {  	p2 =	sne.s32 s31, $0x0  }
0x328: {  	s0 =	simm.s32 $0x14400;
	v0 =	vimm.f32 @!p2 $0.0e+00  }
0x329: {  	s6 =	simm.s32 $0x1;
	[tilespmem:s0+$0x0] =	vst @!p2 v0  }
.LBB2_32:
0x32a: {  	s7 =	sand.u32 $0x78, s6;
	[tilespmem:s0+$0x10] =	vst @!p2 v0;
	s10 =	smov.u32 s6;
	s6 =	sadd.s32 $0x1, s6  }
0x32b: {  	s10 =	sand.u32 $0x7, s10;
	s7 =	sadd.s32 s7, s30;
	p1 =	sne.s32 s6, $0x80;
	[tilespmem:s0+$0x20] =	vst @!p2 v0  }
0x32c: {  	s7 =	sadd.s32 s10, s7;
	[tilespmem:s0+$0x30] =	vst @!p2 v0  }
0x32d: {  	v0 =	vld [tilespmem:s7+$0x0];
	_ =	sdelay $0x4  }
0x32e: {  	(v2sf) =	vpush v0, $0x0;
	_ =	sdelay $0xd  }
.Ltmp17:
0x32f: {  	(pc) =	sbr.rel @p1 .LBB2_32-.Ltmp17, $4  }
0x330: {  	s7 =	spop (v2sf)  }
0x331: {  	p2 =	sne.s32 s7, $0x0  }
0x332: {  	s0 =	sadd.s32 $0x40, s0;
	v0 =	vimm.f32 @!p2 $0.0e+00  }
0x333: {  	[tilespmem:s0+$0x0] =	vst @!p2 v0  }
0x334: {  	[tilespmem:s0+$0x10] =	vst @!p2 v0  }
0x335: {  	[tilespmem:s0+$0x20] =	vst @!p2 v0  }
0x336: {  	[tilespmem:s0+$0x30] =	vst @!p2 v0  }
.LBB2_34:
.Ltmp18:
0x337: {  	s0 =	sadd.s32 s5, s30;
	(pc) =	sbr.rel @p0 .LBB2_36-.Ltmp18, $4  }
0x338: {  	s0 =	sshll.u32 s0, $0x3  }
0x339: {  	s0 =	sand.u32 $0xFFFFC00, s0  }
0x33a: {  	s0 =	sadd.s32 s2, s0  }
0x33b: {  	[hbm4b:s0+s3] =	stream.linear.scatter [tilespmem:s23], [sflag:$0x10], $0x2000, $0x38;
	[tilespmem:$0x16400] =	vst v63  }
.Ltmp19:
0x33c: {  	(pc) =	sbr.rel .LBB2_2-.Ltmp19, $4  }
0x33d: {  	_ =	swait.ge [sflag:s1], $0x2000  }
0x33e: {  	s0 =	sshrl.u32 s12, $0x2;
	[sflag:s1] =	ssyncset.done $0x0  }
0x33f: {  	s8 =	sadd.s32 $0x1, s8;
	s0 =	sadd.s32 $0x580, s0;
	[sflag:s1] =	ssyncadd.s32 $0xFFFFE000  }
0x340: {  	[tilespmem:s15], [sflag:$0x4] =	stream.indirect.gather [hbm4b:s4+s9], $0x40, s0, s9, $0xb8;
	[tilespmem:$0x16400] =	vst v63  }
.LBB2_37:
0x341: {  	_ =	sfence.sel $0x180000  }
0x342: {  	[bflag:$0x0] =	sbarrier.arrive $0xFFFF  }
0x343: {  	_ =	strace $0x90000047  }
0x344: {  	s0 =	stileid.u32;
	[bflag:$0x2] =	sbarrier.arrive $0xFFFF  }
0x345: {  	p0 =	sne.s32 s0, $0x0;
	s0 =	rddreg [dreg:$0x3]  }
0x346: {  	s0 =	sadd.s32 @!p0 $0x100000, s0  }
0x347: {  	[sflag:s0] =	ssyncadd.tile.s32 @!p0 $0x1;
	_ =	shalt  }
.Lfunc_end2:
_tile_overlayer_lowered:
.L_overlay_start_2:
0x348: {  	(tag) =	ssettag $0x2  }
0x349: {  	s0 =	rddreg [dreg:$0x0];
	s2 =	stileid.u32  }
0x34a: {  	s1 =	rddreg [dreg:$0x1];
	p0 =	sne.s32 s2, $0x0  }
0x34b: {  	s3 =	rddreg [dreg:$0x2];
	[bflag:$0x3] =	sbarrier.arrive $0xFFFF;
	s2 =	simm.s32 @!p0 $0x1C11  }
0x34c: {  	[timem:s3], [sflag:s2] =	dma.local @!p0 [hbm:s0], s1  }
0x34d: {  	s0 =	simm.s32 @!p0 $0x11  }
0x34e: {  	_ =	swait.ge @!p0 [sflag:s0], s1  }
0x34f: {  	s1 =	ssub.s32 @!p0 $0x0, s1;
	[sflag:s0] =	ssyncset.done @!p0 $0x0  }
0x350: {  	[sflag:s0] =	ssyncadd.s32 @!p0 s1  }
0x351: {  	[bflag:$0x3] =	sbarrier.arrive $0xFFFF  }
0x352: {  	_ =	shalt  }

// kernel: sparse-core-data-format-call.cloned.1.call-start
scs
called_computation_lowered:
.L_overlay_start_0:
0x0: {  	s2 =	sld [smem:$0x3FD9]  }
0x1: {  	s3 =	sld [smem:$0x3FFE];
	_ =	sdelay $0x1  }
0x2: {  	s1 =	srdreg.scid  }
0x3: {  	s0 =	sand.u32 $0x1, s1  }
0x4: {  	s18 =	sshll.u32 s0, $0xA;
	s2 =	sadd.s32 s3, s2  }
0x5: {  	s2 =	sadd.s32 s2, s18  }
0x6: {  	[smem:$0x3FC6] =	sst s2  }
0x7: {  	_ = 	snop  }
0x8: {  	s2 =	sld [smem:$0x3FD0];
	(tm) =	ssettm $0x1  }
0x9: {  	s19 =	sld [smem:$0x3FFB];
	_ =	sdelay $0x3  }
0xa: {  	_ =	strace s19  }
0xb: {  	s3 =	sld [smem:$0x3FFC];
	_ =	sdelay $0x3  }
0xc: {  	_ =	strace s3  }
0xd: {  	s3 =	sld [smem:$0x3FFD];
	_ =	sdelay $0x3  }
0xe: {  	_ =	strace s3  }
0xf: {  	_ =	strace $0x8FFFFFFF  }
0x10: {  	s20 =	sld [smem:$0x3FDB];
	_ =	sdelay $0x1  }
0x11: {  	s4 =	simm.s32 $_scs_section_size  }
0x12: {  	s5 =	simm.s32 $_size__tile_overlayer_lowered;
	s6 =	simm.s32 $_tile_overlayer_lowered  }
0x13: {  	s23 =	simm.s32 $0x1BFF;
	s22 =	sshll.u32 s6, $0x1;
	s3 =	sadd.s32 s4, s20  }
0x14: {  	s7 =	simm.s32 $0x0;
	s21 =	sshll.u32 s5, $0x1;
	s5 =	sadd.s32 s22, s3  }
0x15: {  	[timem:s7], [sflag:s23] =	dma.local [hbm:s5], s21  }
0x16: {  	_ =	swait.ge [sflag:s23], s21  }
0x17: {  	s4 =	ssub.s32 $0x0, s21;
	[sflag:s23] =	ssyncset.done $0x0  }
0x18: {  	[sflag:s23] =	ssyncadd.s32 s4;
	_ =	sdelay $0x1  }
0x19: {  	s24 =	simm.s32 $0x1B8B  }
0x1a: {  	_ =	swait.ge [sflag:s24], $0x1  }
0x1b: {  	[sflag:s24] =	ssyncset.done $0x0  }
0x1c: {  	s26 =	simm.s32 $0x1B8E;
	s25 =	sld [smem:$0x3FFE];
	[sflag:s24] =	ssyncadd.s32 $0xFFFFFFFF  }
0x1d: {  	s27 =	simm.s32 $execute0_lowered;
	[smem:$0x3FD2] =	sst s26  }
0x1e: {  	s5 =	sshll.u32 s27, $0x1;
	_ =	strace $0x80000049;
	[dreg:$0x1] =	wrdreg $0xFFFFFFFF  }
0x1f: {  	s28 =	simm.s32 $_size_execute0_lowered;
	s3 =	sadd.s32 s3, s5;
	[dreg:$0x0] =	wrdreg $0x0  }
0x20: {  	s5 =	sshll.u32 s28, $0x1;
	[dreg:$0x2] =	wrdreg s3  }
0x21: {  	[dreg:$0x3] =	wrdreg s5  }
0x22: {  	[dreg:$0x4] =	wrdreg $0xC0  }
0x23: {  	_ =	task [dreg:s7], $0x5FFFF  }
0x24: {  	[dreg:$0x1] =	wrdreg $0xFFFFFFFF  }
0x25: {  	[dreg:$0x0] =	wrdreg $0x60  }
0x26: {  	[dreg:$0x2] =	wrdreg s25  }
0x27: {  	[dreg:$0x3] =	wrdreg s2  }
0x28: {  	[dreg:$0x4] =	wrdreg $0x9  }
0x29: {  	_ =	task.clear_ibuf [dreg:s7], $0x5FFFF;
	_ =	strace $0x90000049  }
0x2a: {  	s29 =	simm.s32 $0x9;
	_ =	strace $0x8000004B  }
0x2b: {  	_ =	swait.ge [sflag:s29], $0x1  }
0x2c: {  	[sflag:s29] =	ssyncadd.s32 $0xFFFFFFFF  }
0x2d: {  	_ =	strace $0x9000004B  }
0x2e: {  	_ =	sfence  }
0x2f: {  	s30 =	sld [smem:$0x0];
	_ =	sdelay $0x2  }
0x30: {  	s31 =	sshll.u32 s1, $0xD;
	s1 =	sshrl.u32 s1, $0x2  }
0x31: {  	s3 =	sand.u32 $0x4000, s31;
	s1 =	sadd.s32 s1, s30  }
0x32: {  	s0 =	sor.u32 s3, s0;
	s1 =	sshll.u32 s1, $0x11  }
0x33: {  	s0 =	sor.u32 s1, s0  }
0x34: {  	s0 =	sadd.s32 $0x8F2B, s0  }
0x35: {  	[sflag:s0] =	ssyncadd.remote.s32 $0x1  }
0x36: {  	_ =	sfence.sel $0xFFFF  }
0x37: {  	[dreg:$0x0] =	wrdreg $0xFFFFFFFF;
	(pc) =	sbr.abs _section_cstart, $3  }
0x38: {  	[dreg:$0x1] =	wrdreg $0xFFFFFFFF  }
0x39: {  	_ =	task.clear_ibuf [dreg:s7], $0x2FFFF;
	_ =	strace $0x9FFFFFFF  }
0x3a: {  	(tm) =	ssettm $0x7FFFFFFF  }
0x3b: {  	_ =	shalt  }
tec
execute0_lowered:
.L_overlay_start_1:
0x0: {  	(tag) =	ssettag $0x1  }
0x1: {  	s0 =	srdreg.scid  }
0x2: {  	s1 =	sshll.u32 s0, $0x4  }
0x3: {  	s5 =	rddreg [dreg:$0x0];
	s0 =	stileid.u32;
	s1 =	sand.u32 $0x10, s1  }
0x4: {  	s3 =	rddreg [dreg:$0x1];
	s31 =	simm.s32 $0x2;
	s4 =	sor.u32 s0, s1  }
0x5: {  	s13 =	simm.s32 $0x0;
	s9 =	simm.s32 $0x400;
	s2 =	sshll.u32 s4, $0x7  }
0x6: {  	s10 =	simm.s32 $0x8000;
	s14 =	simm.s32 $0x0;
	s6 =	ssub.s32 $0x1000, s2  }
0x7: {  	s1 =	rddreg [dreg:$0x2];
	_ =	strace $0x8000004A;
	s7 =	sand.u32 $0xF80, s6  }
0x8: {  	s4 =	sshll.u32 s4, $0xB;
	p0 =	sne.s32 s7, $0x0;
	s7 =	simm.s32 $0x1  }
.Ltmp0:
0x9: {  	s6 =	sshrl.u32 s6, $0xC;
	s7 =	simm.s32 @!p0 $0x0;
	(pc) =	sbr.rel .LBB1_1-.Ltmp0, $4  }
0xa: {  	s8 =	sadd.s32 s4, s5;
	s4 =	simm.s32 $0x1;
	s30 =	sadd.s32 s7, s6  }
0xb: {  	s11 =	simm.s32 $0x0;
	[sflag:s4] =	ssyncpa.u1 $0x0;
	s5 =	smul.u32 $0x64, s30  }
0xc: {  	s12 =	simm.s32 $0x0;
	[sflag:s31] =	ssyncpa.u1 $0x0;
	p0 =	por $0x0, $0x0  }
0xd: {  	s6 =	sadd.s32 $0x800, s8;
	s7 =	sadd.s32 $0x10800, s8;
	s8 =	sor.u32 $0x1, s5  }
.LBB1_7:
0xe: {  	s15 =	sadd.s32 $0x2, s11  }
0xf: {  	p2 =	sgt.s32 s15, $0xC7  }
0x10: {  	s15 =	simm.s32 @p2 $0x0;
	p2 =	sne.s32 s12, s8  }
.Ltmp1:
0x11: {  	p1 =	slt.u32 s12, $0x2;
	(pc) =	sbr.rel @!p2 .LBB1_8-.Ltmp1, $4  }
0x12: {  	s13 =	simm.s32 @!p1 $0x2  }
0x13: {  	s16 =	sadd.s32 $0x1, s12;
	s14 =	smov.u32 s11;
	_ =	swait.ge @!p1 [sflag:s13], $0x4000  }
0x14: {  	p0 =	por !p0, !p0;
	s12 =	smov.u32 s16;
	[sflag:s13] =	ssyncset.done @!p1 $0x0  }
0x15: {  	s11 =	smov.u32 s15;
	[sflag:s13] =	ssyncadd.s32 @!p1 $0xFFFFC000;
	s13 =	smov.u32 s2  }
.LBB1_1:
0x16: {  	p1 =	sge.u32 s12, s5  }
0x17: {  	s15 =	sxor.u32 @!p1 $0xFFFFFFFF, s12  }
0x18: {  	s16 =	sshll.u32 @!p1 s11, $0x10;
	s18 =	simm.s32 @!p1 $0x40;
	s15 =	sshll.u32 @!p1 s15, $0xE  }
0x19: {  	s19 =	simm.s32 @!p1 $0x80;
	s17 =	sadd.s32 @!p1 s16, s6;
	s15 =	sand.u32 @!p1 $0x4000, s15  }
0x1a: {  	[tilespmem:s15], [sflag:$0x1] =	stream.strided.gather @!p1 [hbm4b:s17+s18], $0x2000, s19, s18, $0x38;
	[tilespmem:$0x10100] =	vst v63  }
0x1b: {  	s31 =	sadd.s32 $0xFFFFFFFF, s12;
	s16 =	sadd.s32 @!p1 s16, s7;
	s15 =	sor.u32 @!p1 $0x2000, s15  }
0x1c: {  	[tilespmem:s15], [sflag:$0x1] =	stream.strided.gather @!p1 [hbm4b:s16+s18], $0x2000, s19, s18, $0x38;
	[tilespmem:$0x10100] =	vst v63  }
0x1d: {  	p1 =	sge.u32 s31, s5  }
.Ltmp2:
0x1e: {  	_ = 	snop;
	(pc) =	sbr.rel @p1 .LBB1_7-.Ltmp2, $1  }
0x1f: {  	_ =	sdelay $0x3  }
0x20: {  	s15 =	simm.s32 $0x1;
	s17 =	sand.u32 $0x1, s12  }
0x21: {  	_ =	swait.ge [sflag:s4], $0x4000;
	s15 =	simm.s32 @!p0 $0x0;
	s17 =	smul.u32 $0x10200, s17  }
0x22: {  	p2 =	por $0x1, $0x1;
	[sflag:s4] =	ssyncset.done $0x0;
	s16 =	smul.u32 $0x10200, s15  }
0x23: {  	s18 =	sshll.u32 s15, $0x10;
	[sflag:s4] =	ssyncadd.s32 $0xFFFFC000;
	s30 =	sshrl.u32 s17, $0x2  }
0x24: {  	s31 =	sshrl.u32 s18, $0x2;
	s18 =	simm.s32 $0x0;
	s16 =	sshrl.u32 s16, $0x2  }
0x25: {  	s15 =	sor.u32 $0x8000, s30;
	s17 =	sadd.s32 $0x20, s31;
	s16 =	sor.u32 $0x8000, s16  }
.LBB1_3:
0x26: {  	s19 =	sshll.u32 s18, $0xD  }
0x27: {  	s19 =	sand.u32 $0x3FFFE000, s19  }
0x28: {  	s21 =	sadd.s32 s19, s17  }
0x29: {  	s31 =	smul.u32 $0x8100, s18;
	v3 =	vld [tilespmem:s21+$0x10]  }
0x2a: {  	v1 =	vld [tilespmem:s21+$0xFFFFFFF0]  }
0x2b: {  	s18 =	sshra.s32 s31, $0x2;
	v0 =	vld [tilespmem:s21+$0x0]  }
0x2c: {  	s18 =	sadd.s32 s18, s16;
	v2 =	vld [tilespmem:s21+$0xFFFFFFE0]  }
0x2d: {  	s19 =	sadd.s32 $0x0, s18  }
0x2e: {  	p1 =	por p2, p2;
	s20 =	simm.s32 $0x4;
	s21 =	sadd.s32 $0x40, s21;
	[tilespmem:s19+$0x1830 ss:$0x81] =	vst.msk $0xffff, v3  }
.LBB1_4:
0x2f: {  	v3 =	vld [tilespmem:s21+$0x10];
	p2 =	sne.s32 s20, $0x1FC;
	[tilespmem:s19+$0x810 ss:$0x81] =	vst.msk $0xffff, v1;
	s22 =	smov.u32 s20;
	s20 =	sadd.s32 $0x4, s20  }
.Ltmp3:
0x30: {  	v1 =	vld [tilespmem:s21+$0xFFFFFFF0];
	[tilespmem:s19+$0x1020 ss:$0x81] =	vst.msk $0xffff, v0;
	(pc) =	sbr.rel @p2 .LBB1_4-.Ltmp3, $4  }
0x31: {  	v0 =	vld [tilespmem:s21+$0x0];
	[tilespmem:s19+$0x0 ss:$0x81] =	vst.msk $0xffff, v2  }
0x32: {  	s19 =	sshra.s32 s22, $0x2;
	v2 =	vld [tilespmem:s21+$0xFFFFFFE0]  }
0x33: {  	s19 =	sadd.s32 s19, s18  }
0x34: {  	s21 =	sadd.s32 $0x40, s21;
	[tilespmem:s19+$0x1830 ss:$0x81] =	vst.msk $0xffff, v3  }
.Ltmp4:
0x35: {  	(pc) =	sbr.rel @p1 .LBB1_3-.Ltmp4, $4  }
0x36: {  	_ = 	snop  }
0x37: {  	[tilespmem:s19+$0x810 ss:$0x81] =	vst.msk $0xffff, v1  }
0x38: {  	[tilespmem:s19+$0x1020 ss:$0x81] =	vst.msk $0xffff, v0  }
0x39: {  	s18 =	simm.s32 $0x1;
	p2 =	por $0x0, $0x0;
	[tilespmem:s19+$0x0 ss:$0x81] =	vst.msk $0xffff, v2  }
.Ltmp5:
0x3a: {  	(pc) =	sbr.rel .LBB1_7-.Ltmp5, $4  }
0x3b: {  	s14 =	sshll.u32 s14, $0xF  }
0x3c: {  	s14 =	sadd.s32 s3, s14  }
0x3d: {  	s13 =	sadd.s32 s13, s14  }
0x3e: {  	[hbm4b:s13+s9] =	stream.strided.scatter [tilespmem:s15], [sflag:$0x2], $0x4000, s10, s9, $0x20;
	[tilespmem:$0x10100] =	vst v63  }
.LBB1_8:
0x3f: {  	_ =	sfence.sel $0x180000  }
0x40: {  	s2 =	simm.s32 $0x1;
	[bflag:$0x0] =	sbarrier.arrive $0xFFFF  }
0x41: {  	s31 =	simm.s32 $0x2;
	[sflag:s2] =	ssyncpa.u1 $0x1  }
0x42: {  	[sflag:s31] =	ssyncpa.u1 $0x1  }
0x43: {  	p0 =	sne.s32 s0, $0x0;
	_ =	strace $0x9000004A  }
0x44: {  	s0 =	sadd.s32 @!p0 $0x100000, s1;
	[bflag:$0x2] =	sbarrier.arrive $0xFFFF  }
0x45: {  	[sflag:s0] =	ssyncadd.tile.s32 @!p0 $0x1;
	_ =	shalt  }
.Lfunc_end1:
_tile_overlayer_lowered:
.L_overlay_start_2:
0x46: {  	(tag) =	ssettag $0x2  }
0x47: {  	s0 =	rddreg [dreg:$0x0];
	s2 =	stileid.u32  }
0x48: {  	s1 =	rddreg [dreg:$0x1];
	p0 =	sne.s32 s2, $0x0  }
0x49: {  	s3 =	rddreg [dreg:$0x2];
	[bflag:$0x3] =	sbarrier.arrive $0xFFFF;
	s2 =	simm.s32 @!p0 $0x1C01  }
0x4a: {  	[timem:s3], [sflag:s2] =	dma.local @!p0 [hbm:s0], s1  }
0x4b: {  	s0 =	simm.s32 @!p0 $0x1  }
0x4c: {  	_ =	swait.ge @!p0 [sflag:s0], s1  }
0x4d: {  	s1 =	ssub.s32 @!p0 $0x0, s1;
	[sflag:s0] =	ssyncset.done @!p0 $0x0  }
0x4e: {  	[sflag:s0] =	ssyncadd.s32 @!p0 s1  }
0x4f: {  	[bflag:$0x3] =	sbarrier.arrive $0xFFFF  }
0x50: {  	_ =	shalt  }

</sc_bundles>
